<compile_context>
chip_gen: v7x
topology: tpu7x:2x2x1
jax: 0.10.2.dev20260603
libtpu: 0.0.44.dev20260713+nightly
codegen_flags: <defaults>
</compile_context>

<pallas_src>
import functools

import jax
import jax.numpy as jnp
from jax import lax
from jax.experimental import pallas as pl
from jax.experimental.pallas import tpu as pltpu
from jax.experimental.pallas import tpu_sc as plsc

N = 100000
E = 3200000
OUT_DIM = 128
NUM_TYPES = 16

NW = 32
CHUNK = 512
JJ = CHUNK // 128
EROWS = E // 128
NCHT = E // CHUNK
PAIRS = NCHT // 2
BASE_PAIRS = PAIRS // NW
EXTRA_PAIRS = PAIRS - BASE_PAIRS * NW

NPAD = 112000
RPT = NPAD // 16
ZR = 56
NZC = RPT // ZR

RB1 = 6400
GRID1 = -(-N // RB1)
NP8 = NPAD // 8
RB3P = 560
RB3 = RB3P * 8
GRID3 = -(-(N // 8) // RB3P)


def _p_body(r_ref, w1_ref, b1_ref, w2s_ref, b2s_ref, g_ref, p_ref):
    z = jnp.maximum(
        jnp.dot(r_ref[...], w1_ref[...], preferred_element_type=jnp.float32)
        + b1_ref[...], 0.0)
    zp = z.reshape(RB1 // 8, 8 * OUT_DIM)
    l = (jnp.dot(zp, w2s_ref[...], preferred_element_type=jnp.float32)
         + b2s_ref[...])
    m = jnp.max(l, axis=-1, keepdims=True)
    e = jnp.exp(jnp.maximum(l - m, -60.0))
    s = jnp.dot(e, g_ref[...], preferred_element_type=jnp.float32)
    p_ref[...] = e / s


def _out_body(a0_ref, a1_ref, g_ref, w3s_ref, b3t_ref, o_ref):
    sums = a0_ref[...] + a1_ref[...]
    rs = jnp.dot(sums, g_ref[...], preferred_element_type=jnp.float32)
    inv = jnp.where(rs > 0.5, 1.0 / jnp.maximum(rs, 0.5), 0.0)
    nd = sums * inv
    res = jnp.maximum(
        jnp.dot(nd, w3s_ref[...], preferred_element_type=jnp.float32)
        + b3t_ref[...], 0.0)
    o_ref[...] = res.reshape(RB3, 128)


_compute_p = pl.pallas_call(
    _p_body,
    grid=(GRID1,),
    in_specs=[
        pl.BlockSpec((RB1, NUM_TYPES), lambda i: (i, 0)),
        pl.BlockSpec((NUM_TYPES, OUT_DIM), lambda i: (0, 0)),
        pl.BlockSpec((1, OUT_DIM), lambda i: (0, 0)),
        pl.BlockSpec((8 * OUT_DIM, 8 * NUM_TYPES), lambda i: (0, 0)),
        pl.BlockSpec((1, 8 * NUM_TYPES), lambda i: (0, 0)),
        pl.BlockSpec((8 * NUM_TYPES, 8 * NUM_TYPES), lambda i: (0, 0)),
    ],
    out_specs=pl.BlockSpec((RB1 // 8, 8 * NUM_TYPES), lambda i: (i, 0)),
    out_shape=jax.ShapeDtypeStruct((N // 8, 8 * NUM_TYPES), jnp.float32),
)

_compute_out = pl.pallas_call(
    _out_body,
    grid=(GRID3,),
    in_specs=[
        pl.BlockSpec((RB3P, 128), lambda i: (i, 0)),
        pl.BlockSpec((RB3P, 128), lambda i: (i + NPAD // RB3, 0)),
        pl.BlockSpec((128, 128), lambda i: (0, 0)),
        pl.BlockSpec((128, 8 * OUT_DIM), lambda i: (0, 0)),
        pl.BlockSpec((1, 8 * OUT_DIM), lambda i: (0, 0)),
    ],
    out_specs=pl.BlockSpec((RB3, OUT_DIM), lambda i: (i, 0)),
    out_shape=jax.ShapeDtypeStruct((N, OUT_DIM), jnp.float32),
)


@functools.partial(
    pl.kernel,
    out_type=jax.ShapeDtypeStruct((2 * NPAD, NUM_TYPES), jnp.float32),
    mesh=plsc.VectorSubcoreMesh(core_axis_name="c", subcore_axis_name="s"),
    scratch_types=[
        pltpu.VMEM_SHARED((NPAD, NUM_TYPES), jnp.float32),
        pltpu.VMEM((JJ, 128), jnp.int32),
        pltpu.VMEM((JJ, 128), jnp.int32),
        pltpu.VMEM((JJ, 128), jnp.int32),
        pltpu.VMEM((JJ, 128), jnp.int32),
        pltpu.VMEM((CHUNK, NUM_TYPES), jnp.float32),
        pltpu.VMEM((CHUNK, NUM_TYPES), jnp.float32),
        pltpu.SemaphoreType.DMA,
        pltpu.SemaphoreType.DMA,
        pltpu.SemaphoreType.DMA,
        pltpu.SemaphoreType.DMA,
    ],
    compiler_params=pltpu.CompilerParams(use_tc_tiling_on_sc=False),
)
def _sc_segsum(p_hbm, ei_hbm, out_hbm,
               acc_sh, s0, s1, d0, d1, rb0, rb1,
               gsem0, gsem1, isem, ssem):
    c = lax.axis_index("c")
    s = lax.axis_index("s")
    wid = c * 16 + s
    S = (s0, s1)
    D = (d0, d1)
    RBUF = (rb0, rb1)
    GSEM = (gsem0, gsem1)

    zv = jnp.zeros((NUM_TYPES,), jnp.float32)
    for i in range(ZR):
        rb0[i] = zv
    row0 = s * RPT

    def zbody(k, carry):
        pltpu.sync_copy(rb0.at[pl.ds(0, ZR)],
                        acc_sh.at[pl.ds(row0 + k * ZR, ZR)])
        return carry
    lax.fori_loop(0, NZC, zbody, 0)
    plsc.subcore_barrier()

    pair0 = wid * BASE_PAIRS + jnp.minimum(wid, EXTRA_PAIRS)
    npairs = jnp.where(wid < EXTRA_PAIRS, BASE_PAIRS + 1, BASE_PAIRS)
    wrow = pair0 * 2 * JJ
    rmax = EROWS - JJ

    def gather_copy(b, j):
        return pltpu.make_async_copy(
            p_hbm.at[S[b].at[j]],
            RBUF[b].at[pl.ds(j * 128, 128)], GSEM[b])

    def scatter_copy(b, j):
        return pltpu.make_async_copy(
            RBUF[b].at[pl.ds(j * 128, 128)],
            acc_sh.at[D[b].at[j]], ssem)

    pltpu.sync_copy(ei_hbm.at[0, pl.ds(wrow, JJ)], s0)
    for j in range(JJ):
        gather_copy(0, j).start()
    pltpu.async_copy(ei_hbm.at[0, pl.ds(wrow + JJ, JJ)], s1, isem)
    pltpu.async_copy(ei_hbm.at[1, pl.ds(wrow, JJ)], d0, isem)

    def pair_body(u, carry):
        for b in range(2):
            rbase = wrow + (u * 2 + b) * JJ
            for j in range(JJ):
                gather_copy(b, j).wait()
            pltpu.make_async_copy(
                ei_hbm.at[0, pl.ds(rbase, JJ)], S[b ^ 1], isem).wait()
            pltpu.make_async_copy(
                ei_hbm.at[1, pl.ds(rbase, JJ)], D[b], isem).wait()
            for j in range(JJ):
                gather_copy(b ^ 1, j).start()
            pltpu.async_copy(
                ei_hbm.at[0, pl.ds(jnp.minimum(rbase + 2 * JJ, rmax), JJ)],
                S[b], isem)
            pltpu.async_copy(
                ei_hbm.at[1, pl.ds(jnp.minimum(rbase + JJ, rmax), JJ)],
                D[b ^ 1], isem)
            for j in range(JJ):
                scatter_copy(b, j).start(add=True)
            for j in range(JJ):
                scatter_copy(b, j).wait()
        return carry
    lax.fori_loop(0, npairs, pair_body, 0)

    for j in range(JJ):
        gather_copy(0, j).wait()
    pltpu.make_async_copy(ei_hbm.at[0, pl.ds(0, JJ)], s1, isem).wait()
    pltpu.make_async_copy(ei_hbm.at[1, pl.ds(0, JJ)], d0, isem).wait()
    plsc.subcore_barrier()

    pltpu.sync_copy(acc_sh.at[pl.ds(row0, RPT)],
                    out_hbm.at[pl.ds(c * NPAD + row0, RPT)])


def kernel(r, edge_index, W1, b1, W2, b2, W3, b3):
    eye8 = jnp.eye(8, dtype=jnp.float32)
    g = jnp.kron(eye8, jnp.ones((NUM_TYPES, NUM_TYPES), jnp.float32))
    w2s = jnp.kron(eye8, W2)
    b2s = jnp.tile(b2, (8,)).reshape(1, 8 * NUM_TYPES)
    w3s = jnp.kron(eye8, W3)
    b3t = jnp.tile(b3, (8,)).reshape(1, 8 * OUT_DIM)
    p = _compute_p(r, W1, b1.reshape(1, OUT_DIM), w2s, b2s, g)
    ei = edge_index.reshape(2, EROWS, 128)
    acc = _sc_segsum(p.reshape(-1, NUM_TYPES), ei)
    accp = acc.reshape(2 * NPAD // 8, 128)
    return _compute_out(accp, accp, g, w3s, b3t)

# --- scband reference (transcript-rebuilt; emitter-appended) ---
"""Pipeline reference for scband-hade-53704271069639 (READ-ONLY COPY).

The authoritative reference and input builder live on the scoring server;
editing this copy changes nothing except your own understanding.
"""

import jax, jax.numpy as jnp
import numpy as np

N = 100000
E = 3200000
NUM_TYPES = 16
OUT_DIM = 128


def setup_inputs(seed: int = 0) -> dict:
    key = jax.random.key(seed)
    ks = jax.random.split(key, 9)
    r = jax.random.normal(ks[0], (N, NUM_TYPES), dtype=jnp.float32)
    edge_index = jax.random.randint(ks[1], (2, E), 0, N, dtype=jnp.int32)
    # mlp: Linear(num_types -> output_dim) + ReLU
    W1 = jax.random.normal(ks[2], (NUM_TYPES, OUT_DIM), dtype=jnp.float32) / np.sqrt(NUM_TYPES)
    b1 = jnp.zeros((OUT_DIM,), dtype=jnp.float32)
    # to_prototypes: Linear(output_dim -> num_types)
    W2 = jax.random.normal(ks[3], (OUT_DIM, NUM_TYPES), dtype=jnp.float32) / np.sqrt(OUT_DIM)
    b2 = jnp.zeros((NUM_TYPES,), dtype=jnp.float32)
    # final_proj: Linear(num_types -> output_dim)
    W3 = jax.random.normal(ks[4], (NUM_TYPES, OUT_DIM), dtype=jnp.float32) / np.sqrt(NUM_TYPES)
    b3 = jnp.zeros((OUT_DIM,), dtype=jnp.float32)
    return {"r": r, "edge_index": edge_index, "W1": W1, "b1": b1, "W2": W2, "b2": b2, "W3": W3, "b3": b3}


def reference(r, edge_index, W1, b1, W2, b2, W3, b3):
    # z = self.mlp(r)  (one Linear + ReLU layer)
    z = jax.nn.relu(r @ W1 + b1)
    # p = softmax(to_prototypes(z), dim=-1)
    p = jax.nn.softmax(z @ W2 + b2, axis=-1)
    # g.update_all(copy_u('p','m'), mean('m','n_dist')):
    # mean of p over in-neighbors per destination node; zero-in-degree nodes get 0 (DGL semantics)
    src = edge_index[0]
    dst = edge_index[1]
    msg = jnp.take(p, src, axis=0)
    sums = jax.ops.segment_sum(msg, dst, num_segments=N)
    deg = jax.ops.segment_sum(jnp.ones((E,), dtype=jnp.float32), dst, num_segments=N)
    n_dist = jnp.where(deg[:, None] > 0, sums / jnp.maximum(deg, 1.0)[:, None], 0.0)
    # relu(final_proj(n_dist))
    out = jax.nn.relu(n_dist @ W3 + b3)
    return out

if __name__ == "__main__":
    import jax
    _d = setup_inputs()
    print(jax.jit(kernel)(*tuple(_d.values())))

</pallas_src>

<mosaic_0001>
#map = affine_map<(d0, d1) -> (0, 0)>
#map1 = affine_map<(d0, d1) -> (0, 0, 0)>
module attributes {stable_mosaic.version = 14 : i64} {
  func.func @_sc_segsum(%arg0: i32, %arg1: i32, %arg2: memref<100000x16xf32, #tpu.memory_space<hbm>>, %arg3: memref<2x25000x128xi32, #tpu.memory_space<hbm>>, %arg4: memref<224000x16xf32, #tpu.memory_space<hbm>>, %arg5: memref<112000x16xf32, #tpu.memory_space<vmem_shared>>, %arg6: memref<4x128xi32, #tpu.memory_space<vmem>>, %arg7: memref<4x128xi32, #tpu.memory_space<vmem>>, %arg8: memref<4x128xi32, #tpu.memory_space<vmem>>, %arg9: memref<4x128xi32, #tpu.memory_space<vmem>>, %arg10: memref<512x16xf32, #tpu.memory_space<vmem>>, %arg11: memref<512x16xf32, #tpu.memory_space<vmem>>, %arg12: memref<!tpu.dma_semaphore, #tpu.memory_space<semaphore_mem>>, %arg13: memref<!tpu.dma_semaphore, #tpu.memory_space<semaphore_mem>>, %arg14: memref<!tpu.dma_semaphore, #tpu.memory_space<semaphore_mem>>, %arg15: memref<!tpu.dma_semaphore, #tpu.memory_space<semaphore_mem>>) attributes {dimension_semantics = [#tpu.dimension_semantics<core_parallel>, #tpu.dimension_semantics<subcore_parallel>], iteration_bounds = array<i64: 2, 16>, scalar_prefetch = 0 : i64, scratch_operands = 11 : i64, tpu.core_type = #tpu.core_type<sc_vector_subcore>, window_params = [{transform_indices = #map}, {transform_indices = #map1}, {transform_indices = #map}]} {
    %mul3A = arith.constant 16 : i32
    %mul3A_0 = arith.muli %arg0, %mul3A : i32
    %add3A = arith.addi %mul3A_0, %arg1 : i32
    %broadcast_in_dim3A = arith.constant 0.000000e+00 : f32
    %broadcast_in_dim3A_1 = vector.broadcast %broadcast_in_dim3A : f32 to vector<16xf32>
    %swap3A = arith.constant 0 : i32
    %swap3A_2 = arith.index_cast %swap3A : i32 to index
    %swap3A_3 = arith.constant 0 : index
    %swap3A_4 = tpu.vector_load %arg10[%swap3A_2, %swap3A_3] {strides = array<i32>} : memref<512x16xf32, #tpu.memory_space<vmem>>, vector<1x16xf32>,
    %swap3A_5 = vector.shape_cast %swap3A_4 : vector<1x16xf32> to vector<16xf32>
    %swap3A_6 = vector.shape_cast %broadcast_in_dim3A_1 : vector<16xf32> to vector<1x16xf32>
    tpu.vector_store %arg10[%swap3A_2, %swap3A_3], %swap3A_6 {strides = array<i32>} : memref<512x16xf32, #tpu.memory_space<vmem>>, vector<1x16xf32>,
    %swap3A_7 = arith.constant 1 : i32
    %swap3A_8 = arith.index_cast %swap3A_7 : i32 to index
    %swap3A_9 = arith.constant 0 : index
    %swap3A_10 = tpu.vector_load %arg10[%swap3A_8, %swap3A_9] {strides = array<i32>} : memref<512x16xf32, #tpu.memory_space<vmem>>, vector<1x16xf32>,
    %swap3A_11 = vector.shape_cast %swap3A_10 : vector<1x16xf32> to vector<16xf32>
    %swap3A_12 = vector.shape_cast %broadcast_in_dim3A_1 : vector<16xf32> to vector<1x16xf32>
    tpu.vector_store %arg10[%swap3A_8, %swap3A_9], %swap3A_12 {strides = array<i32>} : memref<512x16xf32, #tpu.memory_space<vmem>>, vector<1x16xf32>,
    %swap3A_13 = arith.constant 2 : i32
    %swap3A_14 = arith.index_cast %swap3A_13 : i32 to index
    %swap3A_15 = arith.constant 0 : index
    %swap3A_16 = tpu.vector_load %arg10[%swap3A_14, %swap3A_15] {strides = array<i32>} : memref<512x16xf32, #tpu.memory_space<vmem>>, vector<1x16xf32>,
    %swap3A_17 = vector.shape_cast %swap3A_16 : vector<1x16xf32> to vector<16xf32>
    %swap3A_18 = vector.shape_cast %broadcast_in_dim3A_1 : vector<16xf32> to vector<1x16xf32>
    tpu.vector_store %arg10[%swap3A_14, %swap3A_15], %swap3A_18 {strides = array<i32>} : memref<512x16xf32, #tpu.memory_space<vmem>>, vector<1x16xf32>,
    %swap3A_19 = arith.constant 3 : i32
    %swap3A_20 = arith.index_cast %swap3A_19 : i32 to index
    %swap3A_21 = arith.constant 0 : index
    %swap3A_22 = tpu.vector_load %arg10[%swap3A_20, %swap3A_21] {strides = array<i32>} : memref<512x16xf32, #tpu.memory_space<vmem>>, vector<1x16xf32>,
    %swap3A_23 = vector.shape_cast %swap3A_22 : vector<1x16xf32> to vector<16xf32>
    %swap3A_24 = vector.shape_cast %broadcast_in_dim3A_1 : vector<16xf32> to vector<1x16xf32>
    tpu.vector_store %arg10[%swap3A_20, %swap3A_21], %swap3A_24 {strides = array<i32>} : memref<512x16xf32, #tpu.memory_space<vmem>>, vector<1x16xf32>,
    %swap3A_25 = arith.constant 4 : i32
    %swap3A_26 = arith.index_cast %swap3A_25 : i32 to index
    %swap3A_27 = arith.constant 0 : index
    %swap3A_28 = tpu.vector_load %arg10[%swap3A_26, %swap3A_27] {strides = array<i32>} : memref<512x16xf32, #tpu.memory_space<vmem>>, vector<1x16xf32>,
    %swap3A_29 = vector.shape_cast %swap3A_28 : vector<1x16xf32> to vector<16xf32>
    %swap3A_30 = vector.shape_cast %broadcast_in_dim3A_1 : vector<16xf32> to vector<1x16xf32>
    tpu.vector_store %arg10[%swap3A_26, %swap3A_27], %swap3A_30 {strides = array<i32>} : memref<512x16xf32, #tpu.memory_space<vmem>>, vector<1x16xf32>,
    %swap3A_31 = arith.constant 5 : i32
    %swap3A_32 = arith.index_cast %swap3A_31 : i32 to index
    %swap3A_33 = arith.constant 0 : index
    %swap3A_34 = tpu.vector_load %arg10[%swap3A_32, %swap3A_33] {strides = array<i32>} : memref<512x16xf32, #tpu.memory_space<vmem>>, vector<1x16xf32>,
    %swap3A_35 = vector.shape_cast %swap3A_34 : vector<1x16xf32> to vector<16xf32>
    %swap3A_36 = vector.shape_cast %broadcast_in_dim3A_1 : vector<16xf32> to vector<1x16xf32>
    tpu.vector_store %arg10[%swap3A_32, %swap3A_33], %swap3A_36 {strides = array<i32>} : memref<512x16xf32, #tpu.memory_space<vmem>>, vector<1x16xf32>,
    %swap3A_37 = arith.constant 6 : i32
    %swap3A_38 = arith.index_cast %swap3A_37 : i32 to index
    %swap3A_39 = arith.constant 0 : index
    %swap3A_40 = tpu.vector_load %arg10[%swap3A_38, %swap3A_39] {strides = array<i32>} : memref<512x16xf32, #tpu.memory_space<vmem>>, vector<1x16xf32>,
    %swap3A_41 = vector.shape_cast %swap3A_40 : vector<1x16xf32> to vector<16xf32>
    %swap3A_42 = vector.shape_cast %broadcast_in_dim3A_1 : vector<16xf32> to vector<1x16xf32>
    tpu.vector_store %arg10[%swap3A_38, %swap3A_39], %swap3A_42 {strides = array<i32>} : memref<512x16xf32, #tpu.memory_space<vmem>>, vector<1x16xf32>,
    %swap3A_43 = arith.constant 7 : i32
    %swap3A_44 = arith.index_cast %swap3A_43 : i32 to index
    %swap3A_45 = arith.constant 0 : index
    %swap3A_46 = tpu.vector_load %arg10[%swap3A_44, %swap3A_45] {strides = array<i32>} : memref<512x16xf32, #tpu.memory_space<vmem>>, vector<1x16xf32>,
    %swap3A_47 = vector.shape_cast %swap3A_46 : vector<1x16xf32> to vector<16xf32>
    %swap3A_48 = vector.shape_cast %broadcast_in_dim3A_1 : vector<16xf32> to vector<1x16xf32>
    tpu.vector_store %arg10[%swap3A_44, %swap3A_45], %swap3A_48 {strides = array<i32>} : memref<512x16xf32, #tpu.memory_space<vmem>>, vector<1x16xf32>,
    %swap3A_49 = arith.constant 8 : i32
    %swap3A_50 = arith.index_cast %swap3A_49 : i32 to index
    %swap3A_51 = arith.constant 0 : index
    %swap3A_52 = tpu.vector_load %arg10[%swap3A_50, %swap3A_51] {strides = array<i32>} : memref<512x16xf32, #tpu.memory_space<vmem>>, vector<1x16xf32>,
    %swap3A_53 = vector.shape_cast %swap3A_52 : vector<1x16xf32> to vector<16xf32>
    %swap3A_54 = vector.shape_cast %broadcast_in_dim3A_1 : vector<16xf32> to vector<1x16xf32>
    tpu.vector_store %arg10[%swap3A_50, %swap3A_51], %swap3A_54 {strides = array<i32>} : memref<512x16xf32, #tpu.memory_space<vmem>>, vector<1x16xf32>,
    %swap3A_55 = arith.constant 9 : i32
    %swap3A_56 = arith.index_cast %swap3A_55 : i32 to index
    %swap3A_57 = arith.constant 0 : index
    %swap3A_58 = tpu.vector_load %arg10[%swap3A_56, %swap3A_57] {strides = array<i32>} : memref<512x16xf32, #tpu.memory_space<vmem>>, vector<1x16xf32>,
    %swap3A_59 = vector.shape_cast %swap3A_58 : vector<1x16xf32> to vector<16xf32>
    %swap3A_60 = vector.shape_cast %broadcast_in_dim3A_1 : vector<16xf32> to vector<1x16xf32>
    tpu.vector_store %arg10[%swap3A_56, %swap3A_57], %swap3A_60 {strides = array<i32>} : memref<512x16xf32, #tpu.memory_space<vmem>>, vector<1x16xf32>,
    %swap3A_61 = arith.constant 10 : i32
    %swap3A_62 = arith.index_cast %swap3A_61 : i32 to index
    %swap3A_63 = arith.constant 0 : index
    %swap3A_64 = tpu.vector_load %arg10[%swap3A_62, %swap3A_63] {strides = array<i32>} : memref<512x16xf32, #tpu.memory_space<vmem>>, vector<1x16xf32>,
    %swap3A_65 = vector.shape_cast %swap3A_64 : vector<1x16xf32> to vector<16xf32>
    %swap3A_66 = vector.shape_cast %broadcast_in_dim3A_1 : vector<16xf32> to vector<1x16xf32>
    tpu.vector_store %arg10[%swap3A_62, %swap3A_63], %swap3A_66 {strides = array<i32>} : memref<512x16xf32, #tpu.memory_space<vmem>>, vector<1x16xf32>,
    %swap3A_67 = arith.constant 11 : i32
    %swap3A_68 = arith.index_cast %swap3A_67 : i32 to index
    %swap3A_69 = arith.constant 0 : index
    %swap3A_70 = tpu.vector_load %arg10[%swap3A_68, %swap3A_69] {strides = array<i32>} : memref<512x16xf32, #tpu.memory_space<vmem>>, vector<1x16xf32>,
    %swap3A_71 = vector.shape_cast %swap3A_70 : vector<1x16xf32> to vector<16xf32>
    %swap3A_72 = vector.shape_cast %broadcast_in_dim3A_1 : vector<16xf32> to vector<1x16xf32>
    tpu.vector_store %arg10[%swap3A_68, %swap3A_69], %swap3A_72 {strides = array<i32>} : memref<512x16xf32, #tpu.memory_space<vmem>>, vector<1x16xf32>,
    %swap3A_73 = arith.constant 12 : i32
    %swap3A_74 = arith.index_cast %swap3A_73 : i32 to index
    %swap3A_75 = arith.constant 0 : index
    %swap3A_76 = tpu.vector_load %arg10[%swap3A_74, %swap3A_75] {strides = array<i32>} : memref<512x16xf32, #tpu.memory_space<vmem>>, vector<1x16xf32>,
    %swap3A_77 = vector.shape_cast %swap3A_76 : vector<1x16xf32> to vector<16xf32>
    %swap3A_78 = vector.shape_cast %broadcast_in_dim3A_1 : vector<16xf32> to vector<1x16xf32>
    tpu.vector_store %arg10[%swap3A_74, %swap3A_75], %swap3A_78 {strides = array<i32>} : memref<512x16xf32, #tpu.memory_space<vmem>>, vector<1x16xf32>,
    %swap3A_79 = arith.constant 13 : i32
    %swap3A_80 = arith.index_cast %swap3A_79 : i32 to index
    %swap3A_81 = arith.constant 0 : index
    %swap3A_82 = tpu.vector_load %arg10[%swap3A_80, %swap3A_81] {strides = array<i32>} : memref<512x16xf32, #tpu.memory_space<vmem>>, vector<1x16xf32>,
    %swap3A_83 = vector.shape_cast %swap3A_82 : vector<1x16xf32> to vector<16xf32>
    %swap3A_84 = vector.shape_cast %broadcast_in_dim3A_1 : vector<16xf32> to vector<1x16xf32>
    tpu.vector_store %arg10[%swap3A_80, %swap3A_81], %swap3A_84 {strides = array<i32>} : memref<512x16xf32, #tpu.memory_space<vmem>>, vector<1x16xf32>,
    %swap3A_85 = arith.constant 14 : i32
    %swap3A_86 = arith.index_cast %swap3A_85 : i32 to index
    %swap3A_87 = arith.constant 0 : index
    %swap3A_88 = tpu.vector_load %arg10[%swap3A_86, %swap3A_87] {strides = array<i32>} : memref<512x16xf32, #tpu.memory_space<vmem>>, vector<1x16xf32>,
    %swap3A_89 = vector.shape_cast %swap3A_88 : vector<1x16xf32> to vector<16xf32>
    %swap3A_90 = vector.shape_cast %broadcast_in_dim3A_1 : vector<16xf32> to vector<1x16xf32>
    tpu.vector_store %arg10[%swap3A_86, %swap3A_87], %swap3A_90 {strides = array<i32>} : memref<512x16xf32, #tpu.memory_space<vmem>>, vector<1x16xf32>,
    %swap3A_91 = arith.constant 15 : i32
    %swap3A_92 = arith.index_cast %swap3A_91 : i32 to index
    %swap3A_93 = arith.constant 0 : index
    %swap3A_94 = tpu.vector_load %arg10[%swap3A_92, %swap3A_93] {strides = array<i32>} : memref<512x16xf32, #tpu.memory_space<vmem>>, vector<1x16xf32>,
    %swap3A_95 = vector.shape_cast %swap3A_94 : vector<1x16xf32> to vector<16xf32>
    %swap3A_96 = vector.shape_cast %broadcast_in_dim3A_1 : vector<16xf32> to vector<1x16xf32>
    tpu.vector_store %arg10[%swap3A_92, %swap3A_93], %swap3A_96 {strides = array<i32>} : memref<512x16xf32, #tpu.memory_space<vmem>>, vector<1x16xf32>,
    %swap3A_97 = arith.constant 16 : i32
    %swap3A_98 = arith.index_cast %swap3A_97 : i32 to index
    %swap3A_99 = arith.constant 0 : index
    %swap3A_100 = tpu.vector_load %arg10[%swap3A_98, %swap3A_99] {strides = array<i32>} : memref<512x16xf32, #tpu.memory_space<vmem>>, vector<1x16xf32>,
    %swap3A_101 = vector.shape_cast %swap3A_100 : vector<1x16xf32> to vector<16xf32>
    %swap3A_102 = vector.shape_cast %broadcast_in_dim3A_1 : vector<16xf32> to vector<1x16xf32>
    tpu.vector_store %arg10[%swap3A_98, %swap3A_99], %swap3A_102 {strides = array<i32>} : memref<512x16xf32, #tpu.memory_space<vmem>>, vector<1x16xf32>,
    %swap3A_103 = arith.constant 17 : i32
    %swap3A_104 = arith.index_cast %swap3A_103 : i32 to index
    %swap3A_105 = arith.constant 0 : index
    %swap3A_106 = tpu.vector_load %arg10[%swap3A_104, %swap3A_105] {strides = array<i32>} : memref<512x16xf32, #tpu.memory_space<vmem>>, vector<1x16xf32>,
    %swap3A_107 = vector.shape_cast %swap3A_106 : vector<1x16xf32> to vector<16xf32>
    %swap3A_108 = vector.shape_cast %broadcast_in_dim3A_1 : vector<16xf32> to vector<1x16xf32>
    tpu.vector_store %arg10[%swap3A_104, %swap3A_105], %swap3A_108 {strides = array<i32>} : memref<512x16xf32, #tpu.memory_space<vmem>>, vector<1x16xf32>,
    %swap3A_109 = arith.constant 18 : i32
    %swap3A_110 = arith.index_cast %swap3A_109 : i32 to index
    %swap3A_111 = arith.constant 0 : index
    %swap3A_112 = tpu.vector_load %arg10[%swap3A_110, %swap3A_111] {strides = array<i32>} : memref<512x16xf32, #tpu.memory_space<vmem>>, vector<1x16xf32>,
    %swap3A_113 = vector.shape_cast %swap3A_112 : vector<1x16xf32> to vector<16xf32>
    %swap3A_114 = vector.shape_cast %broadcast_in_dim3A_1 : vector<16xf32> to vector<1x16xf32>
    tpu.vector_store %arg10[%swap3A_110, %swap3A_111], %swap3A_114 {strides = array<i32>} : memref<512x16xf32, #tpu.memory_space<vmem>>, vector<1x16xf32>,
    %swap3A_115 = arith.constant 19 : i32
    %swap3A_116 = arith.index_cast %swap3A_115 : i32 to index
    %swap3A_117 = arith.constant 0 : index
    %swap3A_118 = tpu.vector_load %arg10[%swap3A_116, %swap3A_117] {strides = array<i32>} : memref<512x16xf32, #tpu.memory_space<vmem>>, vector<1x16xf32>,
    %swap3A_119 = vector.shape_cast %swap3A_118 : vector<1x16xf32> to vector<16xf32>
    %swap3A_120 = vector.shape_cast %broadcast_in_dim3A_1 : vector<16xf32> to vector<1x16xf32>
    tpu.vector_store %arg10[%swap3A_116, %swap3A_117], %swap3A_120 {strides = array<i32>} : memref<512x16xf32, #tpu.memory_space<vmem>>, vector<1x16xf32>,
    %swap3A_121 = arith.constant 20 : i32
    %swap3A_122 = arith.index_cast %swap3A_121 : i32 to index
    %swap3A_123 = arith.constant 0 : index
    %swap3A_124 = tpu.vector_load %arg10[%swap3A_122, %swap3A_123] {strides = array<i32>} : memref<512x16xf32, #tpu.memory_space<vmem>>, vector<1x16xf32>,
    %swap3A_125 = vector.shape_cast %swap3A_124 : vector<1x16xf32> to vector<16xf32>
    %swap3A_126 = vector.shape_cast %broadcast_in_dim3A_1 : vector<16xf32> to vector<1x16xf32>
    tpu.vector_store %arg10[%swap3A_122, %swap3A_123], %swap3A_126 {strides = array<i32>} : memref<512x16xf32, #tpu.memory_space<vmem>>, vector<1x16xf32>,
    %swap3A_127 = arith.constant 21 : i32
    %swap3A_128 = arith.index_cast %swap3A_127 : i32 to index
    %swap3A_129 = arith.constant 0 : index
    %swap3A_130 = tpu.vector_load %arg10[%swap3A_128, %swap3A_129] {strides = array<i32>} : memref<512x16xf32, #tpu.memory_space<vmem>>, vector<1x16xf32>,
    %swap3A_131 = vector.shape_cast %swap3A_130 : vector<1x16xf32> to vector<16xf32>
    %swap3A_132 = vector.shape_cast %broadcast_in_dim3A_1 : vector<16xf32> to vector<1x16xf32>
    tpu.vector_store %arg10[%swap3A_128, %swap3A_129], %swap3A_132 {strides = array<i32>} : memref<512x16xf32, #tpu.memory_space<vmem>>, vector<1x16xf32>,
    %swap3A_133 = arith.constant 22 : i32
    %swap3A_134 = arith.index_cast %swap3A_133 : i32 to index
    %swap3A_135 = arith.constant 0 : index
    %swap3A_136 = tpu.vector_load %arg10[%swap3A_134, %swap3A_135] {strides = array<i32>} : memref<512x16xf32, #tpu.memory_space<vmem>>, vector<1x16xf32>,
    %swap3A_137 = vector.shape_cast %swap3A_136 : vector<1x16xf32> to vector<16xf32>
    %swap3A_138 = vector.shape_cast %broadcast_in_dim3A_1 : vector<16xf32> to vector<1x16xf32>
    tpu.vector_store %arg10[%swap3A_134, %swap3A_135], %swap3A_138 {strides = array<i32>} : memref<512x16xf32, #tpu.memory_space<vmem>>, vector<1x16xf32>,
    %swap3A_139 = arith.constant 23 : i32
    %swap3A_140 = arith.index_cast %swap3A_139 : i32 to index
    %swap3A_141 = arith.constant 0 : index
    %swap3A_142 = tpu.vector_load %arg10[%swap3A_140, %swap3A_141] {strides = array<i32>} : memref<512x16xf32, #tpu.memory_space<vmem>>, vector<1x16xf32>,
    %swap3A_143 = vector.shape_cast %swap3A_142 : vector<1x16xf32> to vector<16xf32>
    %swap3A_144 = vector.shape_cast %broadcast_in_dim3A_1 : vector<16xf32> to vector<1x16xf32>
    tpu.vector_store %arg10[%swap3A_140, %swap3A_141], %swap3A_144 {strides = array<i32>} : memref<512x16xf32, #tpu.memory_space<vmem>>, vector<1x16xf32>,
    %swap3A_145 = arith.constant 24 : i32
    %swap3A_146 = arith.index_cast %swap3A_145 : i32 to index
    %swap3A_147 = arith.constant 0 : index
    %swap3A_148 = tpu.vector_load %arg10[%swap3A_146, %swap3A_147] {strides = array<i32>} : memref<512x16xf32, #tpu.memory_space<vmem>>, vector<1x16xf32>,
    %swap3A_149 = vector.shape_cast %swap3A_148 : vector<1x16xf32> to vector<16xf32>
    %swap3A_150 = vector.shape_cast %broadcast_in_dim3A_1 : vector<16xf32> to vector<1x16xf32>
    tpu.vector_store %arg10[%swap3A_146, %swap3A_147], %swap3A_150 {strides = array<i32>} : memref<512x16xf32, #tpu.memory_space<vmem>>, vector<1x16xf32>,
    %swap3A_151 = arith.constant 25 : i32
    %swap3A_152 = arith.index_cast %swap3A_151 : i32 to index
    %swap3A_153 = arith.constant 0 : index
    %swap3A_154 = tpu.vector_load %arg10[%swap3A_152, %swap3A_153] {strides = array<i32>} : memref<512x16xf32, #tpu.memory_space<vmem>>, vector<1x16xf32>,
    %swap3A_155 = vector.shape_cast %swap3A_154 : vector<1x16xf32> to vector<16xf32>
    %swap3A_156 = vector.shape_cast %broadcast_in_dim3A_1 : vector<16xf32> to vector<1x16xf32>
    tpu.vector_store %arg10[%swap3A_152, %swap3A_153], %swap3A_156 {strides = array<i32>} : memref<512x16xf32, #tpu.memory_space<vmem>>, vector<1x16xf32>,
    %swap3A_157 = arith.constant 26 : i32
    %swap3A_158 = arith.index_cast %swap3A_157 : i32 to index
    %swap3A_159 = arith.constant 0 : index
    %swap3A_160 = tpu.vector_load %arg10[%swap3A_158, %swap3A_159] {strides = array<i32>} : memref<512x16xf32, #tpu.memory_space<vmem>>, vector<1x16xf32>,
    %swap3A_161 = vector.shape_cast %swap3A_160 : vector<1x16xf32> to vector<16xf32>
    %swap3A_162 = vector.shape_cast %broadcast_in_dim3A_1 : vector<16xf32> to vector<1x16xf32>
    tpu.vector_store %arg10[%swap3A_158, %swap3A_159], %swap3A_162 {strides = array<i32>} : memref<512x16xf32, #tpu.memory_space<vmem>>, vector<1x16xf32>,
    %swap3A_163 = arith.constant 27 : i32
    %swap3A_164 = arith.index_cast %swap3A_163 : i32 to index
    %swap3A_165 = arith.constant 0 : index
    %swap3A_166 = tpu.vector_load %arg10[%swap3A_164, %swap3A_165] {strides = array<i32>} : memref<512x16xf32, #tpu.memory_space<vmem>>, vector<1x16xf32>,
    %swap3A_167 = vector.shape_cast %swap3A_166 : vector<1x16xf32> to vector<16xf32>
    %swap3A_168 = vector.shape_cast %broadcast_in_dim3A_1 : vector<16xf32> to vector<1x16xf32>
    tpu.vector_store %arg10[%swap3A_164, %swap3A_165], %swap3A_168 {strides = array<i32>} : memref<512x16xf32, #tpu.memory_space<vmem>>, vector<1x16xf32>,
    %swap3A_169 = arith.constant 28 : i32
    %swap3A_170 = arith.index_cast %swap3A_169 : i32 to index
    %swap3A_171 = arith.constant 0 : index
    %swap3A_172 = tpu.vector_load %arg10[%swap3A_170, %swap3A_171] {strides = array<i32>} : memref<512x16xf32, #tpu.memory_space<vmem>>, vector<1x16xf32>,
    %swap3A_173 = vector.shape_cast %swap3A_172 : vector<1x16xf32> to vector<16xf32>
    %swap3A_174 = vector.shape_cast %broadcast_in_dim3A_1 : vector<16xf32> to vector<1x16xf32>
    tpu.vector_store %arg10[%swap3A_170, %swap3A_171], %swap3A_174 {strides = array<i32>} : memref<512x16xf32, #tpu.memory_space<vmem>>, vector<1x16xf32>,
    %swap3A_175 = arith.constant 29 : i32
    %swap3A_176 = arith.index_cast %swap3A_175 : i32 to index
    %swap3A_177 = arith.constant 0 : index
    %swap3A_178 = tpu.vector_load %arg10[%swap3A_176, %swap3A_177] {strides = array<i32>} : memref<512x16xf32, #tpu.memory_space<vmem>>, vector<1x16xf32>,
    %swap3A_179 = vector.shape_cast %swap3A_178 : vector<1x16xf32> to vector<16xf32>
    %swap3A_180 = vector.shape_cast %broadcast_in_dim3A_1 : vector<16xf32> to vector<1x16xf32>
    tpu.vector_store %arg10[%swap3A_176, %swap3A_177], %swap3A_180 {strides = array<i32>} : memref<512x16xf32, #tpu.memory_space<vmem>>, vector<1x16xf32>,
    %swap3A_181 = arith.constant 30 : i32
    %swap3A_182 = arith.index_cast %swap3A_181 : i32 to index
    %swap3A_183 = arith.constant 0 : index
    %swap3A_184 = tpu.vector_load %arg10[%swap3A_182, %swap3A_183] {strides = array<i32>} : memref<512x16xf32, #tpu.memory_space<vmem>>, vector<1x16xf32>,
    %swap3A_185 = vector.shape_cast %swap3A_184 : vector<1x16xf32> to vector<16xf32>
    %swap3A_186 = vector.shape_cast %broadcast_in_dim3A_1 : vector<16xf32> to vector<1x16xf32>
    tpu.vector_store %arg10[%swap3A_182, %swap3A_183], %swap3A_186 {strides = array<i32>} : memref<512x16xf32, #tpu.memory_space<vmem>>, vector<1x16xf32>,
    %swap3A_187 = arith.constant 31 : i32
    %swap3A_188 = arith.index_cast %swap3A_187 : i32 to index
    %swap3A_189 = arith.constant 0 : index
    %swap3A_190 = tpu.vector_load %arg10[%swap3A_188, %swap3A_189] {strides = array<i32>} : memref<512x16xf32, #tpu.memory_space<vmem>>, vector<1x16xf32>,
    %swap3A_191 = vector.shape_cast %swap3A_190 : vector<1x16xf32> to vector<16xf32>
    %swap3A_192 = vector.shape_cast %broadcast_in_dim3A_1 : vector<16xf32> to vector<1x16xf32>
    tpu.vector_store %arg10[%swap3A_188, %swap3A_189], %swap3A_192 {strides = array<i32>} : memref<512x16xf32, #tpu.memory_space<vmem>>, vector<1x16xf32>,
    %swap3A_193 = arith.constant 32 : i32
    %swap3A_194 = arith.index_cast %swap3A_193 : i32 to index
    %swap3A_195 = arith.constant 0 : index
    %swap3A_196 = tpu.vector_load %arg10[%swap3A_194, %swap3A_195] {strides = array<i32>} : memref<512x16xf32, #tpu.memory_space<vmem>>, vector<1x16xf32>,
    %swap3A_197 = vector.shape_cast %swap3A_196 : vector<1x16xf32> to vector<16xf32>
    %swap3A_198 = vector.shape_cast %broadcast_in_dim3A_1 : vector<16xf32> to vector<1x16xf32>
    tpu.vector_store %arg10[%swap3A_194, %swap3A_195], %swap3A_198 {strides = array<i32>} : memref<512x16xf32, #tpu.memory_space<vmem>>, vector<1x16xf32>,
    %swap3A_199 = arith.constant 33 : i32
    %swap3A_200 = arith.index_cast %swap3A_199 : i32 to index
    %swap3A_201 = arith.constant 0 : index
    %swap3A_202 = tpu.vector_load %arg10[%swap3A_200, %swap3A_201] {strides = array<i32>} : memref<512x16xf32, #tpu.memory_space<vmem>>, vector<1x16xf32>,
    %swap3A_203 = vector.shape_cast %swap3A_202 : vector<1x16xf32> to vector<16xf32>
    %swap3A_204 = vector.shape_cast %broadcast_in_dim3A_1 : vector<16xf32> to vector<1x16xf32>
    tpu.vector_store %arg10[%swap3A_200, %swap3A_201], %swap3A_204 {strides = array<i32>} : memref<512x16xf32, #tpu.memory_space<vmem>>, vector<1x16xf32>,
    %swap3A_205 = arith.constant 34 : i32
    %swap3A_206 = arith.index_cast %swap3A_205 : i32 to index
    %swap3A_207 = arith.constant 0 : index
    %swap3A_208 = tpu.vector_load %arg10[%swap3A_206, %swap3A_207] {strides = array<i32>} : memref<512x16xf32, #tpu.memory_space<vmem>>, vector<1x16xf32>,
    %swap3A_209 = vector.shape_cast %swap3A_208 : vector<1x16xf32> to vector<16xf32>
    %swap3A_210 = vector.shape_cast %broadcast_in_dim3A_1 : vector<16xf32> to vector<1x16xf32>
    tpu.vector_store %arg10[%swap3A_206, %swap3A_207], %swap3A_210 {strides = array<i32>} : memref<512x16xf32, #tpu.memory_space<vmem>>, vector<1x16xf32>,
    %swap3A_211 = arith.constant 35 : i32
    %swap3A_212 = arith.index_cast %swap3A_211 : i32 to index
    %swap3A_213 = arith.constant 0 : index
    %swap3A_214 = tpu.vector_load %arg10[%swap3A_212, %swap3A_213] {strides = array<i32>} : memref<512x16xf32, #tpu.memory_space<vmem>>, vector<1x16xf32>,
    %swap3A_215 = vector.shape_cast %swap3A_214 : vector<1x16xf32> to vector<16xf32>
    %swap3A_216 = vector.shape_cast %broadcast_in_dim3A_1 : vector<16xf32> to vector<1x16xf32>
    tpu.vector_store %arg10[%swap3A_212, %swap3A_213], %swap3A_216 {strides = array<i32>} : memref<512x16xf32, #tpu.memory_space<vmem>>, vector<1x16xf32>,
    %swap3A_217 = arith.constant 36 : i32
    %swap3A_218 = arith.index_cast %swap3A_217 : i32 to index
    %swap3A_219 = arith.constant 0 : index
    %swap3A_220 = tpu.vector_load %arg10[%swap3A_218, %swap3A_219] {strides = array<i32>} : memref<512x16xf32, #tpu.memory_space<vmem>>, vector<1x16xf32>,
    %swap3A_221 = vector.shape_cast %swap3A_220 : vector<1x16xf32> to vector<16xf32>
    %swap3A_222 = vector.shape_cast %broadcast_in_dim3A_1 : vector<16xf32> to vector<1x16xf32>
    tpu.vector_store %arg10[%swap3A_218, %swap3A_219], %swap3A_222 {strides = array<i32>} : memref<512x16xf32, #tpu.memory_space<vmem>>, vector<1x16xf32>,
    %swap3A_223 = arith.constant 37 : i32
    %swap3A_224 = arith.index_cast %swap3A_223 : i32 to index
    %swap3A_225 = arith.constant 0 : index
    %swap3A_226 = tpu.vector_load %arg10[%swap3A_224, %swap3A_225] {strides = array<i32>} : memref<512x16xf32, #tpu.memory_space<vmem>>, vector<1x16xf32>,
    %swap3A_227 = vector.shape_cast %swap3A_226 : vector<1x16xf32> to vector<16xf32>
    %swap3A_228 = vector.shape_cast %broadcast_in_dim3A_1 : vector<16xf32> to vector<1x16xf32>
    tpu.vector_store %arg10[%swap3A_224, %swap3A_225], %swap3A_228 {strides = array<i32>} : memref<512x16xf32, #tpu.memory_space<vmem>>, vector<1x16xf32>,
    %swap3A_229 = arith.constant 38 : i32
    %swap3A_230 = arith.index_cast %swap3A_229 : i32 to index
    %swap3A_231 = arith.constant 0 : index
    %swap3A_232 = tpu.vector_load %arg10[%swap3A_230, %swap3A_231] {strides = array<i32>} : memref<512x16xf32, #tpu.memory_space<vmem>>, vector<1x16xf32>,
    %swap3A_233 = vector.shape_cast %swap3A_232 : vector<1x16xf32> to vector<16xf32>
    %swap3A_234 = vector.shape_cast %broadcast_in_dim3A_1 : vector<16xf32> to vector<1x16xf32>
    tpu.vector_store %arg10[%swap3A_230, %swap3A_231], %swap3A_234 {strides = array<i32>} : memref<512x16xf32, #tpu.memory_space<vmem>>, vector<1x16xf32>,
    %swap3A_235 = arith.constant 39 : i32
    %swap3A_236 = arith.index_cast %swap3A_235 : i32 to index
    %swap3A_237 = arith.constant 0 : index
    %swap3A_238 = tpu.vector_load %arg10[%swap3A_236, %swap3A_237] {strides = array<i32>} : memref<512x16xf32, #tpu.memory_space<vmem>>, vector<1x16xf32>,
    %swap3A_239 = vector.shape_cast %swap3A_238 : vector<1x16xf32> to vector<16xf32>
    %swap3A_240 = vector.shape_cast %broadcast_in_dim3A_1 : vector<16xf32> to vector<1x16xf32>
    tpu.vector_store %arg10[%swap3A_236, %swap3A_237], %swap3A_240 {strides = array<i32>} : memref<512x16xf32, #tpu.memory_space<vmem>>, vector<1x16xf32>,
    %swap3A_241 = arith.constant 40 : i32
    %swap3A_242 = arith.index_cast %swap3A_241 : i32 to index
    %swap3A_243 = arith.constant 0 : index
    %swap3A_244 = tpu.vector_load %arg10[%swap3A_242, %swap3A_243] {strides = array<i32>} : memref<512x16xf32, #tpu.memory_space<vmem>>, vector<1x16xf32>,
    %swap3A_245 = vector.shape_cast %swap3A_244 : vector<1x16xf32> to vector<16xf32>
    %swap3A_246 = vector.shape_cast %broadcast_in_dim3A_1 : vector<16xf32> to vector<1x16xf32>
    tpu.vector_store %arg10[%swap3A_242, %swap3A_243], %swap3A_246 {strides = array<i32>} : memref<512x16xf32, #tpu.memory_space<vmem>>, vector<1x16xf32>,
    %swap3A_247 = arith.constant 41 : i32
    %swap3A_248 = arith.index_cast %swap3A_247 : i32 to index
    %swap3A_249 = arith.constant 0 : index
    %swap3A_250 = tpu.vector_load %arg10[%swap3A_248, %swap3A_249] {strides = array<i32>} : memref<512x16xf32, #tpu.memory_space<vmem>>, vector<1x16xf32>,
    %swap3A_251 = vector.shape_cast %swap3A_250 : vector<1x16xf32> to vector<16xf32>
    %swap3A_252 = vector.shape_cast %broadcast_in_dim3A_1 : vector<16xf32> to vector<1x16xf32>
    tpu.vector_store %arg10[%swap3A_248, %swap3A_249], %swap3A_252 {strides = array<i32>} : memref<512x16xf32, #tpu.memory_space<vmem>>, vector<1x16xf32>,
    %swap3A_253 = arith.constant 42 : i32
    %swap3A_254 = arith.index_cast %swap3A_253 : i32 to index
    %swap3A_255 = arith.constant 0 : index
    %swap3A_256 = tpu.vector_load %arg10[%swap3A_254, %swap3A_255] {strides = array<i32>} : memref<512x16xf32, #tpu.memory_space<vmem>>, vector<1x16xf32>,
    %swap3A_257 = vector.shape_cast %swap3A_256 : vector<1x16xf32> to vector<16xf32>
    %swap3A_258 = vector.shape_cast %broadcast_in_dim3A_1 : vector<16xf32> to vector<1x16xf32>
    tpu.vector_store %arg10[%swap3A_254, %swap3A_255], %swap3A_258 {strides = array<i32>} : memref<512x16xf32, #tpu.memory_space<vmem>>, vector<1x16xf32>,
    %swap3A_259 = arith.constant 43 : i32
    %swap3A_260 = arith.index_cast %swap3A_259 : i32 to index
    %swap3A_261 = arith.constant 0 : index
    %swap3A_262 = tpu.vector_load %arg10[%swap3A_260, %swap3A_261] {strides = array<i32>} : memref<512x16xf32, #tpu.memory_space<vmem>>, vector<1x16xf32>,
    %swap3A_263 = vector.shape_cast %swap3A_262 : vector<1x16xf32> to vector<16xf32>
    %swap3A_264 = vector.shape_cast %broadcast_in_dim3A_1 : vector<16xf32> to vector<1x16xf32>
    tpu.vector_store %arg10[%swap3A_260, %swap3A_261], %swap3A_264 {strides = array<i32>} : memref<512x16xf32, #tpu.memory_space<vmem>>, vector<1x16xf32>,
    %swap3A_265 = arith.constant 44 : i32
    %swap3A_266 = arith.index_cast %swap3A_265 : i32 to index
    %swap3A_267 = arith.constant 0 : index
    %swap3A_268 = tpu.vector_load %arg10[%swap3A_266, %swap3A_267] {strides = array<i32>} : memref<512x16xf32, #tpu.memory_space<vmem>>, vector<1x16xf32>,
    %swap3A_269 = vector.shape_cast %swap3A_268 : vector<1x16xf32> to vector<16xf32>
    %swap3A_270 = vector.shape_cast %broadcast_in_dim3A_1 : vector<16xf32> to vector<1x16xf32>
    tpu.vector_store %arg10[%swap3A_266, %swap3A_267], %swap3A_270 {strides = array<i32>} : memref<512x16xf32, #tpu.memory_space<vmem>>, vector<1x16xf32>,
    %swap3A_271 = arith.constant 45 : i32
    %swap3A_272 = arith.index_cast %swap3A_271 : i32 to index
    %swap3A_273 = arith.constant 0 : index
    %swap3A_274 = tpu.vector_load %arg10[%swap3A_272, %swap3A_273] {strides = array<i32>} : memref<512x16xf32, #tpu.memory_space<vmem>>, vector<1x16xf32>,
    %swap3A_275 = vector.shape_cast %swap3A_274 : vector<1x16xf32> to vector<16xf32>
    %swap3A_276 = vector.shape_cast %broadcast_in_dim3A_1 : vector<16xf32> to vector<1x16xf32>
    tpu.vector_store %arg10[%swap3A_272, %swap3A_273], %swap3A_276 {strides = array<i32>} : memref<512x16xf32, #tpu.memory_space<vmem>>, vector<1x16xf32>,
    %swap3A_277 = arith.constant 46 : i32
    %swap3A_278 = arith.index_cast %swap3A_277 : i32 to index
    %swap3A_279 = arith.constant 0 : index
    %swap3A_280 = tpu.vector_load %arg10[%swap3A_278, %swap3A_279] {strides = array<i32>} : memref<512x16xf32, #tpu.memory_space<vmem>>, vector<1x16xf32>,
    %swap3A_281 = vector.shape_cast %swap3A_280 : vector<1x16xf32> to vector<16xf32>
    %swap3A_282 = vector.shape_cast %broadcast_in_dim3A_1 : vector<16xf32> to vector<1x16xf32>
    tpu.vector_store %arg10[%swap3A_278, %swap3A_279], %swap3A_282 {strides = array<i32>} : memref<512x16xf32, #tpu.memory_space<vmem>>, vector<1x16xf32>,
    %swap3A_283 = arith.constant 47 : i32
    %swap3A_284 = arith.index_cast %swap3A_283 : i32 to index
    %swap3A_285 = arith.constant 0 : index
    %swap3A_286 = tpu.vector_load %arg10[%swap3A_284, %swap3A_285] {strides = array<i32>} : memref<512x16xf32, #tpu.memory_space<vmem>>, vector<1x16xf32>,
    %swap3A_287 = vector.shape_cast %swap3A_286 : vector<1x16xf32> to vector<16xf32>
    %swap3A_288 = vector.shape_cast %broadcast_in_dim3A_1 : vector<16xf32> to vector<1x16xf32>
    tpu.vector_store %arg10[%swap3A_284, %swap3A_285], %swap3A_288 {strides = array<i32>} : memref<512x16xf32, #tpu.memory_space<vmem>>, vector<1x16xf32>,
    %swap3A_289 = arith.constant 48 : i32
    %swap3A_290 = arith.index_cast %swap3A_289 : i32 to index
    %swap3A_291 = arith.constant 0 : index
    %swap3A_292 = tpu.vector_load %arg10[%swap3A_290, %swap3A_291] {strides = array<i32>} : memref<512x16xf32, #tpu.memory_space<vmem>>, vector<1x16xf32>,
    %swap3A_293 = vector.shape_cast %swap3A_292 : vector<1x16xf32> to vector<16xf32>
    %swap3A_294 = vector.shape_cast %broadcast_in_dim3A_1 : vector<16xf32> to vector<1x16xf32>
    tpu.vector_store %arg10[%swap3A_290, %swap3A_291], %swap3A_294 {strides = array<i32>} : memref<512x16xf32, #tpu.memory_space<vmem>>, vector<1x16xf32>,
    %swap3A_295 = arith.constant 49 : i32
    %swap3A_296 = arith.index_cast %swap3A_295 : i32 to index
    %swap3A_297 = arith.constant 0 : index
    %swap3A_298 = tpu.vector_load %arg10[%swap3A_296, %swap3A_297] {strides = array<i32>} : memref<512x16xf32, #tpu.memory_space<vmem>>, vector<1x16xf32>,
    %swap3A_299 = vector.shape_cast %swap3A_298 : vector<1x16xf32> to vector<16xf32>
    %swap3A_300 = vector.shape_cast %broadcast_in_dim3A_1 : vector<16xf32> to vector<1x16xf32>
    tpu.vector_store %arg10[%swap3A_296, %swap3A_297], %swap3A_300 {strides = array<i32>} : memref<512x16xf32, #tpu.memory_space<vmem>>, vector<1x16xf32>,
    %swap3A_301 = arith.constant 50 : i32
    %swap3A_302 = arith.index_cast %swap3A_301 : i32 to index
    %swap3A_303 = arith.constant 0 : index
    %swap3A_304 = tpu.vector_load %arg10[%swap3A_302, %swap3A_303] {strides = array<i32>} : memref<512x16xf32, #tpu.memory_space<vmem>>, vector<1x16xf32>,
    %swap3A_305 = vector.shape_cast %swap3A_304 : vector<1x16xf32> to vector<16xf32>
    %swap3A_306 = vector.shape_cast %broadcast_in_dim3A_1 : vector<16xf32> to vector<1x16xf32>
    tpu.vector_store %arg10[%swap3A_302, %swap3A_303], %swap3A_306 {strides = array<i32>} : memref<512x16xf32, #tpu.memory_space<vmem>>, vector<1x16xf32>,
    %swap3A_307 = arith.constant 51 : i32
    %swap3A_308 = arith.index_cast %swap3A_307 : i32 to index
    %swap3A_309 = arith.constant 0 : index
    %swap3A_310 = tpu.vector_load %arg10[%swap3A_308, %swap3A_309] {strides = array<i32>} : memref<512x16xf32, #tpu.memory_space<vmem>>, vector<1x16xf32>,
    %swap3A_311 = vector.shape_cast %swap3A_310 : vector<1x16xf32> to vector<16xf32>
    %swap3A_312 = vector.shape_cast %broadcast_in_dim3A_1 : vector<16xf32> to vector<1x16xf32>
    tpu.vector_store %arg10[%swap3A_308, %swap3A_309], %swap3A_312 {strides = array<i32>} : memref<512x16xf32, #tpu.memory_space<vmem>>, vector<1x16xf32>,
    %swap3A_313 = arith.constant 52 : i32
    %swap3A_314 = arith.index_cast %swap3A_313 : i32 to index
    %swap3A_315 = arith.constant 0 : index
    %swap3A_316 = tpu.vector_load %arg10[%swap3A_314, %swap3A_315] {strides = array<i32>} : memref<512x16xf32, #tpu.memory_space<vmem>>, vector<1x16xf32>,
    %swap3A_317 = vector.shape_cast %swap3A_316 : vector<1x16xf32> to vector<16xf32>
    %swap3A_318 = vector.shape_cast %broadcast_in_dim3A_1 : vector<16xf32> to vector<1x16xf32>
    tpu.vector_store %arg10[%swap3A_314, %swap3A_315], %swap3A_318 {strides = array<i32>} : memref<512x16xf32, #tpu.memory_space<vmem>>, vector<1x16xf32>,
    %swap3A_319 = arith.constant 53 : i32
    %swap3A_320 = arith.index_cast %swap3A_319 : i32 to index
    %swap3A_321 = arith.constant 0 : index
    %swap3A_322 = tpu.vector_load %arg10[%swap3A_320, %swap3A_321] {strides = array<i32>} : memref<512x16xf32, #tpu.memory_space<vmem>>, vector<1x16xf32>,
    %swap3A_323 = vector.shape_cast %swap3A_322 : vector<1x16xf32> to vector<16xf32>
    %swap3A_324 = vector.shape_cast %broadcast_in_dim3A_1 : vector<16xf32> to vector<1x16xf32>
    tpu.vector_store %arg10[%swap3A_320, %swap3A_321], %swap3A_324 {strides = array<i32>} : memref<512x16xf32, #tpu.memory_space<vmem>>, vector<1x16xf32>,
    %swap3A_325 = arith.constant 54 : i32
    %swap3A_326 = arith.index_cast %swap3A_325 : i32 to index
    %swap3A_327 = arith.constant 0 : index
    %swap3A_328 = tpu.vector_load %arg10[%swap3A_326, %swap3A_327] {strides = array<i32>} : memref<512x16xf32, #tpu.memory_space<vmem>>, vector<1x16xf32>,
    %swap3A_329 = vector.shape_cast %swap3A_328 : vector<1x16xf32> to vector<16xf32>
    %swap3A_330 = vector.shape_cast %broadcast_in_dim3A_1 : vector<16xf32> to vector<1x16xf32>
    tpu.vector_store %arg10[%swap3A_326, %swap3A_327], %swap3A_330 {strides = array<i32>} : memref<512x16xf32, #tpu.memory_space<vmem>>, vector<1x16xf32>,
    %swap3A_331 = arith.constant 55 : i32
    %swap3A_332 = arith.index_cast %swap3A_331 : i32 to index
    %swap3A_333 = arith.constant 0 : index
    %swap3A_334 = tpu.vector_load %arg10[%swap3A_332, %swap3A_333] {strides = array<i32>} : memref<512x16xf32, #tpu.memory_space<vmem>>, vector<1x16xf32>,
    %swap3A_335 = vector.shape_cast %swap3A_334 : vector<1x16xf32> to vector<16xf32>
    %swap3A_336 = vector.shape_cast %broadcast_in_dim3A_1 : vector<16xf32> to vector<1x16xf32>
    tpu.vector_store %arg10[%swap3A_332, %swap3A_333], %swap3A_336 {strides = array<i32>} : memref<512x16xf32, #tpu.memory_space<vmem>>, vector<1x16xf32>,
    %mul3A_337 = arith.constant 7000 : i32
    %mul3A_338 = arith.muli %arg1, %mul3A_337 : i32
    %scan3A = arith.constant 0 : i32
    %scan3A_339 = arith.constant 0 : i32
    %scan3A_340 = arith.constant 125 : i32
    %scan3A_341 = arith.addi %scan3A_339, %scan3A_340 : i32
    %scan3A_342 = arith.constant 1 : i32
    scf.for %scan3A_479 = %scan3A_339 to %scan3A_341 step %scan3A_342  : i32 {
      %mul3A_480 = arith.constant 56 : i32
      %mul3A_481 = arith.muli %scan3A_479, %mul3A_480 : i32
      %add3A_482 = arith.addi %mul3A_338, %mul3A_481 : i32
      "tpu.region"() ({
        %run_scoped3A_483 = tpu.sem_alloc : memref<!tpu.dma_semaphore, #tpu.memory_space<semaphore_mem>>
        %dma_start3A_484 = arith.constant 0 : i32
        %dma_start3A_485 = arith.constant 0 : i32
        %dma_start3A_486 = tpu.memref_slice %arg10[%dma_start3A_484, %dma_start3A_485] : memref<512x16xf32, #tpu.memory_space<vmem>> -> memref<56x16xf32, #tpu.memory_space<vmem>>
        %dma_start3A_487 = arith.constant 0 : i32
        %dma_start3A_488 = tpu.memref_slice %arg5[%add3A_482, %dma_start3A_487] : memref<112000x16xf32, #tpu.memory_space<vmem_shared>> -> memref<56x16xf32, #tpu.memory_space<vmem_shared>>
        %dma_start3A_489 = arith.constant 0 : i32
        %dma_start3A_490 = tpu.memref_slice %arg5[%add3A_482, %dma_start3A_489] : memref<112000x16xf32, #tpu.memory_space<vmem_shared>> -> memref<56x16xf32, #tpu.memory_space<vmem_shared>>
        %dma_start3A_491 = arith.constant 0 : i32
        %dma_start3A_492 = arith.constant 0 : i32
        %dma_start3A_493 = tpu.memref_slice %arg10[%dma_start3A_491, %dma_start3A_492] : memref<512x16xf32, #tpu.memory_space<vmem>> -> memref<56x16xf32, #tpu.memory_space<vmem>>
        tpu.enqueue_dma source(%dma_start3A_493 : memref<56x16xf32, #tpu.memory_space<vmem>>) target(%dma_start3A_490 : memref<56x16xf32, #tpu.memory_space<vmem_shared>>) target_semaphore(%run_scoped3A_483 : memref<!tpu.dma_semaphore, #tpu.memory_space<semaphore_mem>>)
        %dma_wait3A_494 = arith.constant 0 : i32
        %dma_wait3A_495 = arith.constant 0 : i32
        %dma_wait3A_496 = tpu.memref_slice %arg10[%dma_wait3A_494, %dma_wait3A_495] : memref<512x16xf32, #tpu.memory_space<vmem>> -> memref<56x16xf32, #tpu.memory_space<vmem>>
        %dma_wait3A_497 = arith.constant 0 : i32
        %dma_wait3A_498 = tpu.memref_slice %arg5[%add3A_482, %dma_wait3A_497] : memref<112000x16xf32, #tpu.memory_space<vmem_shared>> -> memref<56x16xf32, #tpu.memory_space<vmem_shared>>
        %dma_wait3A_499 = arith.constant 0 : i32
        %dma_wait3A_500 = tpu.memref_slice %arg5[%add3A_482, %dma_wait3A_499] : memref<112000x16xf32, #tpu.memory_space<vmem_shared>> -> memref<56x16xf32, #tpu.memory_space<vmem_shared>>
        %dma_wait3A_501 = arith.constant 0 : i32
        %dma_wait3A_502 = arith.constant 0 : i32
        %dma_wait3A_503 = tpu.memref_slice %arg10[%dma_wait3A_501, %dma_wait3A_502] : memref<512x16xf32, #tpu.memory_space<vmem>> -> memref<56x16xf32, #tpu.memory_space<vmem>>
        tpu.wait_dma2 semaphore(%run_scoped3A_483 : memref<!tpu.dma_semaphore, #tpu.memory_space<semaphore_mem>>) src(%dma_wait3A_503 : memref<56x16xf32, #tpu.memory_space<vmem>>) dst(%dma_wait3A_500 : memref<56x16xf32, #tpu.memory_space<vmem_shared>>)
        tpu.yield
      }) : () -> ()
    }
    %scan3A_343 = arith.constant 125 : i32
    %barrier3A = arith.constant 0 : index
    tpu.barrier barrier_id(%barrier3A)
    %mul3A_344 = arith.constant 97 : i32
    %mul3A_345 = arith.muli %add3A, %mul3A_344 : i32
    %min3A = arith.constant 21 : i32
    %min3A_346 = arith.minsi %add3A, %min3A : i32
    %add3A_347 = arith.addi %mul3A_345, %min3A_346 : i32
    %lt3A = arith.constant 21 : i32
    %lt3A_348 = arith.cmpi slt, %add3A, %lt3A : i32
    %jit3A = arith.constant 98 : i32
    %jit3A_349 = arith.constant 97 : i32
    %select_n3A = arith.select %lt3A_348, %jit3A, %jit3A_349 : i32
    %mul3A_350 = arith.constant 2 : i32
    %mul3A_351 = arith.muli %add3A_347, %mul3A_350 : i32
    %mul3A_352 = arith.constant 4 : i32
    %mul3A_353 = arith.muli %mul3A_351, %mul3A_352 : i32
    %run_scoped3A = arith.constant 0 : i32
    "tpu.region"() ({
      %run_scoped3A_479 = tpu.sem_alloc : memref<!tpu.dma_semaphore, #tpu.memory_space<semaphore_mem>>
      %dma_start3A_480 = arith.constant 0 : i32
      %dma_start3A_481 = tpu.memref_slice %arg3[%run_scoped3A, %mul3A_353, %dma_start3A_480] : memref<2x25000x128xi32, #tpu.memory_space<hbm>> -> memref<1x4x128xi32, #tpu.memory_space<hbm>>
      %dma_start3A_482 = tpu.memref_squeeze %dma_start3A_481 : memref<1x4x128xi32, #tpu.memory_space<hbm>> -> memref<4x128xi32, #tpu.memory_space<hbm>>
      %dma_start3A_483 = arith.constant 0 : i32
      %dma_start3A_484 = tpu.memref_slice %arg3[%run_scoped3A, %mul3A_353, %dma_start3A_483] : memref<2x25000x128xi32, #tpu.memory_space<hbm>> -> memref<1x4x128xi32, #tpu.memory_space<hbm>>
      %dma_start3A_485 = tpu.memref_squeeze %dma_start3A_484 : memref<1x4x128xi32, #tpu.memory_space<hbm>> -> memref<4x128xi32, #tpu.memory_space<hbm>>
      tpu.enqueue_dma source(%dma_start3A_485 : memref<4x128xi32, #tpu.memory_space<hbm>>) target(%arg6 : memref<4x128xi32, #tpu.memory_space<vmem>>) target_semaphore(%run_scoped3A_479 : memref<!tpu.dma_semaphore, #tpu.memory_space<semaphore_mem>>)
      %dma_wait3A_486 = arith.constant 0 : i32
      %dma_wait3A_487 = tpu.memref_slice %arg3[%run_scoped3A, %mul3A_353, %dma_wait3A_486] : memref<2x25000x128xi32, #tpu.memory_space<hbm>> -> memref<1x4x128xi32, #tpu.memory_space<hbm>>
      %dma_wait3A_488 = tpu.memref_squeeze %dma_wait3A_487 : memref<1x4x128xi32, #tpu.memory_space<hbm>> -> memref<4x128xi32, #tpu.memory_space<hbm>>
      %dma_wait3A_489 = arith.constant 0 : i32
      %dma_wait3A_490 = tpu.memref_slice %arg3[%run_scoped3A, %mul3A_353, %dma_wait3A_489] : memref<2x25000x128xi32, #tpu.memory_space<hbm>> -> memref<1x4x128xi32, #tpu.memory_space<hbm>>
      %dma_wait3A_491 = tpu.memref_squeeze %dma_wait3A_490 : memref<1x4x128xi32, #tpu.memory_space<hbm>> -> memref<4x128xi32, #tpu.memory_space<hbm>>
      tpu.wait_dma2 semaphore(%run_scoped3A_479 : memref<!tpu.dma_semaphore, #tpu.memory_space<semaphore_mem>>) src(%dma_wait3A_491 : memref<4x128xi32, #tpu.memory_space<hbm>>) dst(%arg6 : memref<4x128xi32, #tpu.memory_space<vmem>>)
      tpu.yield
    }) : () -> ()
    %dma_start3A = arith.constant 0 : i32
    %dma_start3A_354 = arith.constant 0 : i32
    %dma_start3A_355 = arith.constant 0 : i32
    %dma_start3A_356 = tpu.memref_slice %arg10[%dma_start3A_354, %dma_start3A_355] : memref<512x16xf32, #tpu.memory_space<vmem>> -> memref<128x16xf32, #tpu.memory_space<vmem>>
    %dma_start3A_357 = arith.constant 0 : i32
    %dma_start3A_358 = tpu.memref_slice %arg6[%dma_start3A, %dma_start3A_357] : memref<4x128xi32, #tpu.memory_space<vmem>> -> memref<1x128xi32, #tpu.memory_space<vmem>>
    %dma_start3A_359 = tpu.memref_squeeze %dma_start3A_358 : memref<1x128xi32, #tpu.memory_space<vmem>> -> memref<128xi32, #tpu.memory_space<vmem>>
    %dma_start3A_360 = arith.constant 0 : i32
    %dma_start3A_361 = arith.constant 0 : i32
    %dma_start3A_362 = tpu.memref_slice %arg2[%dma_start3A_360, %dma_start3A_361] : memref<100000x16xf32, #tpu.memory_space<hbm>> -> memref<100000x16xf32, #tpu.memory_space<hbm>>
    tpu.enqueue_indirect_dma source(%dma_start3A_362 : memref<100000x16xf32, #tpu.memory_space<hbm>>) target(%dma_start3A_356 : memref<128x16xf32, #tpu.memory_space<vmem>>) offsets(%dma_start3A_359 : memref<128xi32, #tpu.memory_space<vmem>>) semaphore(%arg12 : memref<!tpu.dma_semaphore, #tpu.memory_space<semaphore_mem>>)
    %dma_start3A_363 = arith.constant 1 : i32
    %dma_start3A_364 = arith.constant 128 : i32
    %dma_start3A_365 = arith.constant 0 : i32
    %dma_start3A_366 = tpu.memref_slice %arg10[%dma_start3A_364, %dma_start3A_365] : memref<512x16xf32, #tpu.memory_space<vmem>> -> memref<128x16xf32, #tpu.memory_space<vmem>>
    %dma_start3A_367 = arith.constant 0 : i32
    %dma_start3A_368 = tpu.memref_slice %arg6[%dma_start3A_363, %dma_start3A_367] : memref<4x128xi32, #tpu.memory_space<vmem>> -> memref<1x128xi32, #tpu.memory_space<vmem>>
    %dma_start3A_369 = tpu.memref_squeeze %dma_start3A_368 : memref<1x128xi32, #tpu.memory_space<vmem>> -> memref<128xi32, #tpu.memory_space<vmem>>
    %dma_start3A_370 = arith.constant 0 : i32
    %dma_start3A_371 = arith.constant 0 : i32
    %dma_start3A_372 = tpu.memref_slice %arg2[%dma_start3A_370, %dma_start3A_371] : memref<100000x16xf32, #tpu.memory_space<hbm>> -> memref<100000x16xf32, #tpu.memory_space<hbm>>
    tpu.enqueue_indirect_dma source(%dma_start3A_372 : memref<100000x16xf32, #tpu.memory_space<hbm>>) target(%dma_start3A_366 : memref<128x16xf32, #tpu.memory_space<vmem>>) offsets(%dma_start3A_369 : memref<128xi32, #tpu.memory_space<vmem>>) semaphore(%arg12 : memref<!tpu.dma_semaphore, #tpu.memory_space<semaphore_mem>>)
    %dma_start3A_373 = arith.constant 2 : i32
    %dma_start3A_374 = arith.constant 256 : i32
    %dma_start3A_375 = arith.constant 0 : i32
    %dma_start3A_376 = tpu.memref_slice %arg10[%dma_start3A_374, %dma_start3A_375] : memref<512x16xf32, #tpu.memory_space<vmem>> -> memref<128x16xf32, #tpu.memory_space<vmem>>
    %dma_start3A_377 = arith.constant 0 : i32
    %dma_start3A_378 = tpu.memref_slice %arg6[%dma_start3A_373, %dma_start3A_377] : memref<4x128xi32, #tpu.memory_space<vmem>> -> memref<1x128xi32, #tpu.memory_space<vmem>>
    %dma_start3A_379 = tpu.memref_squeeze %dma_start3A_378 : memref<1x128xi32, #tpu.memory_space<vmem>> -> memref<128xi32, #tpu.memory_space<vmem>>
    %dma_start3A_380 = arith.constant 0 : i32
    %dma_start3A_381 = arith.constant 0 : i32
    %dma_start3A_382 = tpu.memref_slice %arg2[%dma_start3A_380, %dma_start3A_381] : memref<100000x16xf32, #tpu.memory_space<hbm>> -> memref<100000x16xf32, #tpu.memory_space<hbm>>
    tpu.enqueue_indirect_dma source(%dma_start3A_382 : memref<100000x16xf32, #tpu.memory_space<hbm>>) target(%dma_start3A_376 : memref<128x16xf32, #tpu.memory_space<vmem>>) offsets(%dma_start3A_379 : memref<128xi32, #tpu.memory_space<vmem>>) semaphore(%arg12 : memref<!tpu.dma_semaphore, #tpu.memory_space<semaphore_mem>>)
    %dma_start3A_383 = arith.constant 3 : i32
    %dma_start3A_384 = arith.constant 384 : i32
    %dma_start3A_385 = arith.constant 0 : i32
    %dma_start3A_386 = tpu.memref_slice %arg10[%dma_start3A_384, %dma_start3A_385] : memref<512x16xf32, #tpu.memory_space<vmem>> -> memref<128x16xf32, #tpu.memory_space<vmem>>
    %dma_start3A_387 = arith.constant 0 : i32
    %dma_start3A_388 = tpu.memref_slice %arg6[%dma_start3A_383, %dma_start3A_387] : memref<4x128xi32, #tpu.memory_space<vmem>> -> memref<1x128xi32, #tpu.memory_space<vmem>>
    %dma_start3A_389 = tpu.memref_squeeze %dma_start3A_388 : memref<1x128xi32, #tpu.memory_space<vmem>> -> memref<128xi32, #tpu.memory_space<vmem>>
    %dma_start3A_390 = arith.constant 0 : i32
    %dma_start3A_391 = arith.constant 0 : i32
    %dma_start3A_392 = tpu.memref_slice %arg2[%dma_start3A_390, %dma_start3A_391] : memref<100000x16xf32, #tpu.memory_space<hbm>> -> memref<100000x16xf32, #tpu.memory_space<hbm>>
    tpu.enqueue_indirect_dma source(%dma_start3A_392 : memref<100000x16xf32, #tpu.memory_space<hbm>>) target(%dma_start3A_386 : memref<128x16xf32, #tpu.memory_space<vmem>>) offsets(%dma_start3A_389 : memref<128xi32, #tpu.memory_space<vmem>>) semaphore(%arg12 : memref<!tpu.dma_semaphore, #tpu.memory_space<semaphore_mem>>)
    %add3A_393 = arith.constant 4 : i32
    %add3A_394 = arith.addi %mul3A_353, %add3A_393 : i32
    %dma_start3A_395 = arith.constant 0 : i32
    %dma_start3A_396 = arith.constant 0 : i32
    %dma_start3A_397 = tpu.memref_slice %arg3[%dma_start3A_395, %add3A_394, %dma_start3A_396] : memref<2x25000x128xi32, #tpu.memory_space<hbm>> -> memref<1x4x128xi32, #tpu.memory_space<hbm>>
    %dma_start3A_398 = tpu.memref_squeeze %dma_start3A_397 : memref<1x4x128xi32, #tpu.memory_space<hbm>> -> memref<4x128xi32, #tpu.memory_space<hbm>>
    %dma_start3A_399 = arith.constant 0 : i32
    %dma_start3A_400 = tpu.memref_slice %arg3[%dma_start3A_395, %add3A_394, %dma_start3A_399] : memref<2x25000x128xi32, #tpu.memory_space<hbm>> -> memref<1x4x128xi32, #tpu.memory_space<hbm>>
    %dma_start3A_401 = tpu.memref_squeeze %dma_start3A_400 : memref<1x4x128xi32, #tpu.memory_space<hbm>> -> memref<4x128xi32, #tpu.memory_space<hbm>>
    tpu.enqueue_dma source(%dma_start3A_401 : memref<4x128xi32, #tpu.memory_space<hbm>>) target(%arg7 : memref<4x128xi32, #tpu.memory_space<vmem>>) target_semaphore(%arg14 : memref<!tpu.dma_semaphore, #tpu.memory_space<semaphore_mem>>)
    %dma_start3A_402 = arith.constant 1 : i32
    %dma_start3A_403 = arith.constant 0 : i32
    %dma_start3A_404 = tpu.memref_slice %arg3[%dma_start3A_402, %mul3A_353, %dma_start3A_403] : memref<2x25000x128xi32, #tpu.memory_space<hbm>> -> memref<1x4x128xi32, #tpu.memory_space<hbm>>
    %dma_start3A_405 = tpu.memref_squeeze %dma_start3A_404 : memref<1x4x128xi32, #tpu.memory_space<hbm>> -> memref<4x128xi32, #tpu.memory_space<hbm>>
    %dma_start3A_406 = arith.constant 0 : i32
    %dma_start3A_407 = tpu.memref_slice %arg3[%dma_start3A_402, %mul3A_353, %dma_start3A_406] : memref<2x25000x128xi32, #tpu.memory_space<hbm>> -> memref<1x4x128xi32, #tpu.memory_space<hbm>>
    %dma_start3A_408 = tpu.memref_squeeze %dma_start3A_407 : memref<1x4x128xi32, #tpu.memory_space<hbm>> -> memref<4x128xi32, #tpu.memory_space<hbm>>
    tpu.enqueue_dma source(%dma_start3A_408 : memref<4x128xi32, #tpu.memory_space<hbm>>) target(%arg8 : memref<4x128xi32, #tpu.memory_space<vmem>>) target_semaphore(%arg14 : memref<!tpu.dma_semaphore, #tpu.memory_space<semaphore_mem>>)
    %while3A = arith.constant 0 : i32
    %while3A_409 = arith.constant 0 : i32
    %while3A_410 = arith.subi %select_n3A, %while3A_409 : i32
    %while3A_411 = arith.addi %while3A_409, %while3A_410 : i32
    %while3A_412 = arith.constant 1 : i32
    %while3A_413 = arith.divsi %while3A_410, %while3A_412 : i32
    %while3A_414 = arith.muli %while3A_413, %while3A_412 : i32
    %while3A_415 = arith.addi %while3A_409, %while3A_414 : i32
    %while3A_416 = arith.constant 1 : i32
    scf.for %while3A_479 = %while3A_409 to %while3A_415 step %while3A_416  : i32 {
      %mul3A_480 = arith.constant 2 : i32
      %mul3A_481 = arith.muli %while3A_479, %mul3A_480 : i32
      %add3A_482 = arith.constant 0 : i32
      %add3A_483 = arith.addi %mul3A_481, %add3A_482 : i32
      %mul3A_484 = arith.constant 4 : i32
      %mul3A_485 = arith.muli %add3A_483, %mul3A_484 : i32
      %add3A_486 = arith.addi %mul3A_353, %mul3A_485 : i32
      %dma_wait3A_487 = arith.constant 0 : i32
      %dma_wait3A_488 = arith.constant 0 : i32
      %dma_wait3A_489 = arith.constant 0 : i32
      %dma_wait3A_490 = tpu.memref_slice %arg10[%dma_wait3A_488, %dma_wait3A_489] : memref<512x16xf32, #tpu.memory_space<vmem>> -> memref<128x16xf32, #tpu.memory_space<vmem>>
      %dma_wait3A_491 = arith.constant 0 : i32
      %dma_wait3A_492 = tpu.memref_slice %arg6[%dma_wait3A_487, %dma_wait3A_491] : memref<4x128xi32, #tpu.memory_space<vmem>> -> memref<1x128xi32, #tpu.memory_space<vmem>>
      %dma_wait3A_493 = tpu.memref_squeeze %dma_wait3A_492 : memref<1x128xi32, #tpu.memory_space<vmem>> -> memref<128xi32, #tpu.memory_space<vmem>>
      %dma_wait3A_494 = arith.constant 0 : i32
      %dma_wait3A_495 = arith.constant 0 : i32
      %dma_wait3A_496 = tpu.memref_slice %arg2[%dma_wait3A_494, %dma_wait3A_495] : memref<100000x16xf32, #tpu.memory_space<hbm>> -> memref<100000x16xf32, #tpu.memory_space<hbm>>
      tpu.wait_indirect_dma semaphore(%arg12 : memref<!tpu.dma_semaphore, #tpu.memory_space<semaphore_mem>>) src(%dma_wait3A_496 : memref<100000x16xf32, #tpu.memory_space<hbm>>) dst(%dma_wait3A_490 : memref<128x16xf32, #tpu.memory_space<vmem>>)
      %dma_wait3A_497 = arith.constant 1 : i32
      %dma_wait3A_498 = arith.constant 128 : i32
      %dma_wait3A_499 = arith.constant 0 : i32
      %dma_wait3A_500 = tpu.memref_slice %arg10[%dma_wait3A_498, %dma_wait3A_499] : memref<512x16xf32, #tpu.memory_space<vmem>> -> memref<128x16xf32, #tpu.memory_space<vmem>>
      %dma_wait3A_501 = arith.constant 0 : i32
      %dma_wait3A_502 = tpu.memref_slice %arg6[%dma_wait3A_497, %dma_wait3A_501] : memref<4x128xi32, #tpu.memory_space<vmem>> -> memref<1x128xi32, #tpu.memory_space<vmem>>
      %dma_wait3A_503 = tpu.memref_squeeze %dma_wait3A_502 : memref<1x128xi32, #tpu.memory_space<vmem>> -> memref<128xi32, #tpu.memory_space<vmem>>
      %dma_wait3A_504 = arith.constant 0 : i32
      %dma_wait3A_505 = arith.constant 0 : i32
      %dma_wait3A_506 = tpu.memref_slice %arg2[%dma_wait3A_504, %dma_wait3A_505] : memref<100000x16xf32, #tpu.memory_space<hbm>> -> memref<100000x16xf32, #tpu.memory_space<hbm>>
      tpu.wait_indirect_dma semaphore(%arg12 : memref<!tpu.dma_semaphore, #tpu.memory_space<semaphore_mem>>) src(%dma_wait3A_506 : memref<100000x16xf32, #tpu.memory_space<hbm>>) dst(%dma_wait3A_500 : memref<128x16xf32, #tpu.memory_space<vmem>>)
      %dma_wait3A_507 = arith.constant 2 : i32
      %dma_wait3A_508 = arith.constant 256 : i32
      %dma_wait3A_509 = arith.constant 0 : i32
      %dma_wait3A_510 = tpu.memref_slice %arg10[%dma_wait3A_508, %dma_wait3A_509] : memref<512x16xf32, #tpu.memory_space<vmem>> -> memref<128x16xf32, #tpu.memory_space<vmem>>
      %dma_wait3A_511 = arith.constant 0 : i32
      %dma_wait3A_512 = tpu.memref_slice %arg6[%dma_wait3A_507, %dma_wait3A_511] : memref<4x128xi32, #tpu.memory_space<vmem>> -> memref<1x128xi32, #tpu.memory_space<vmem>>
      %dma_wait3A_513 = tpu.memref_squeeze %dma_wait3A_512 : memref<1x128xi32, #tpu.memory_space<vmem>> -> memref<128xi32, #tpu.memory_space<vmem>>
      %dma_wait3A_514 = arith.constant 0 : i32
      %dma_wait3A_515 = arith.constant 0 : i32
      %dma_wait3A_516 = tpu.memref_slice %arg2[%dma_wait3A_514, %dma_wait3A_515] : memref<100000x16xf32, #tpu.memory_space<hbm>> -> memref<100000x16xf32, #tpu.memory_space<hbm>>
      tpu.wait_indirect_dma semaphore(%arg12 : memref<!tpu.dma_semaphore, #tpu.memory_space<semaphore_mem>>) src(%dma_wait3A_516 : memref<100000x16xf32, #tpu.memory_space<hbm>>) dst(%dma_wait3A_510 : memref<128x16xf32, #tpu.memory_space<vmem>>)
      %dma_wait3A_517 = arith.constant 3 : i32
      %dma_wait3A_518 = arith.constant 384 : i32
      %dma_wait3A_519 = arith.constant 0 : i32
      %dma_wait3A_520 = tpu.memref_slice %arg10[%dma_wait3A_518, %dma_wait3A_519] : memref<512x16xf32, #tpu.memory_space<vmem>> -> memref<128x16xf32, #tpu.memory_space<vmem>>
      %dma_wait3A_521 = arith.constant 0 : i32
      %dma_wait3A_522 = tpu.memref_slice %arg6[%dma_wait3A_517, %dma_wait3A_521] : memref<4x128xi32, #tpu.memory_space<vmem>> -> memref<1x128xi32, #tpu.memory_space<vmem>>
      %dma_wait3A_523 = tpu.memref_squeeze %dma_wait3A_522 : memref<1x128xi32, #tpu.memory_space<vmem>> -> memref<128xi32, #tpu.memory_space<vmem>>
      %dma_wait3A_524 = arith.constant 0 : i32
      %dma_wait3A_525 = arith.constant 0 : i32
      %dma_wait3A_526 = tpu.memref_slice %arg2[%dma_wait3A_524, %dma_wait3A_525] : memref<100000x16xf32, #tpu.memory_space<hbm>> -> memref<100000x16xf32, #tpu.memory_space<hbm>>
      tpu.wait_indirect_dma semaphore(%arg12 : memref<!tpu.dma_semaphore, #tpu.memory_space<semaphore_mem>>) src(%dma_wait3A_526 : memref<100000x16xf32, #tpu.memory_space<hbm>>) dst(%dma_wait3A_520 : memref<128x16xf32, #tpu.memory_space<vmem>>)
      %dma_wait3A_527 = arith.constant 0 : i32
      %dma_wait3A_528 = arith.constant 0 : i32
      %dma_wait3A_529 = tpu.memref_slice %arg3[%dma_wait3A_527, %add3A_486, %dma_wait3A_528] : memref<2x25000x128xi32, #tpu.memory_space<hbm>> -> memref<1x4x128xi32, #tpu.memory_space<hbm>>
      %dma_wait3A_530 = tpu.memref_squeeze %dma_wait3A_529 : memref<1x4x128xi32, #tpu.memory_space<hbm>> -> memref<4x128xi32, #tpu.memory_space<hbm>>
      %dma_wait3A_531 = arith.constant 0 : i32
      %dma_wait3A_532 = tpu.memref_slice %arg3[%dma_wait3A_527, %add3A_486, %dma_wait3A_531] : memref<2x25000x128xi32, #tpu.memory_space<hbm>> -> memref<1x4x128xi32, #tpu.memory_space<hbm>>
      %dma_wait3A_533 = tpu.memref_squeeze %dma_wait3A_532 : memref<1x4x128xi32, #tpu.memory_space<hbm>> -> memref<4x128xi32, #tpu.memory_space<hbm>>
      tpu.wait_dma2 semaphore(%arg14 : memref<!tpu.dma_semaphore, #tpu.memory_space<semaphore_mem>>) src(%dma_wait3A_533 : memref<4x128xi32, #tpu.memory_space<hbm>>) dst(%arg7 : memref<4x128xi32, #tpu.memory_space<vmem>>)
      %dma_wait3A_534 = arith.constant 1 : i32
      %dma_wait3A_535 = arith.constant 0 : i32
      %dma_wait3A_536 = tpu.memref_slice %arg3[%dma_wait3A_534, %add3A_486, %dma_wait3A_535] : memref<2x25000x128xi32, #tpu.memory_space<hbm>> -> memref<1x4x128xi32, #tpu.memory_space<hbm>>
      %dma_wait3A_537 = tpu.memref_squeeze %dma_wait3A_536 : memref<1x4x128xi32, #tpu.memory_space<hbm>> -> memref<4x128xi32, #tpu.memory_space<hbm>>
      %dma_wait3A_538 = arith.constant 0 : i32
      %dma_wait3A_539 = tpu.memref_slice %arg3[%dma_wait3A_534, %add3A_486, %dma_wait3A_538] : memref<2x25000x128xi32, #tpu.memory_space<hbm>> -> memref<1x4x128xi32, #tpu.memory_space<hbm>>
      %dma_wait3A_540 = tpu.memref_squeeze %dma_wait3A_539 : memref<1x4x128xi32, #tpu.memory_space<hbm>> -> memref<4x128xi32, #tpu.memory_space<hbm>>
      tpu.wait_dma2 semaphore(%arg14 : memref<!tpu.dma_semaphore, #tpu.memory_space<semaphore_mem>>) src(%dma_wait3A_540 : memref<4x128xi32, #tpu.memory_space<hbm>>) dst(%arg8 : memref<4x128xi32, #tpu.memory_space<vmem>>)
      %dma_start3A_541 = arith.constant 0 : i32
      %dma_start3A_542 = arith.constant 0 : i32
      %dma_start3A_543 = arith.constant 0 : i32
      %dma_start3A_544 = tpu.memref_slice %arg11[%dma_start3A_542, %dma_start3A_543] : memref<512x16xf32, #tpu.memory_space<vmem>> -> memref<128x16xf32, #tpu.memory_space<vmem>>
      %dma_start3A_545 = arith.constant 0 : i32
      %dma_start3A_546 = tpu.memref_slice %arg7[%dma_start3A_541, %dma_start3A_545] : memref<4x128xi32, #tpu.memory_space<vmem>> -> memref<1x128xi32, #tpu.memory_space<vmem>>
      %dma_start3A_547 = tpu.memref_squeeze %dma_start3A_546 : memref<1x128xi32, #tpu.memory_space<vmem>> -> memref<128xi32, #tpu.memory_space<vmem>>
      %dma_start3A_548 = arith.constant 0 : i32
      %dma_start3A_549 = arith.constant 0 : i32
      %dma_start3A_550 = tpu.memref_slice %arg2[%dma_start3A_548, %dma_start3A_549] : memref<100000x16xf32, #tpu.memory_space<hbm>> -> memref<100000x16xf32, #tpu.memory_space<hbm>>
      tpu.enqueue_indirect_dma source(%dma_start3A_550 : memref<100000x16xf32, #tpu.memory_space<hbm>>) target(%dma_start3A_544 : memref<128x16xf32, #tpu.memory_space<vmem>>) offsets(%dma_start3A_547 : memref<128xi32, #tpu.memory_space<vmem>>) semaphore(%arg13 : memref<!tpu.dma_semaphore, #tpu.memory_space<semaphore_mem>>)
      %dma_start3A_551 = arith.constant 1 : i32
      %dma_start3A_552 = arith.constant 128 : i32
      %dma_start3A_553 = arith.constant 0 : i32
      %dma_start3A_554 = tpu.memref_slice %arg11[%dma_start3A_552, %dma_start3A_553] : memref<512x16xf32, #tpu.memory_space<vmem>> -> memref<128x16xf32, #tpu.memory_space<vmem>>
      %dma_start3A_555 = arith.constant 0 : i32
      %dma_start3A_556 = tpu.memref_slice %arg7[%dma_start3A_551, %dma_start3A_555] : memref<4x128xi32, #tpu.memory_space<vmem>> -> memref<1x128xi32, #tpu.memory_space<vmem>>
      %dma_start3A_557 = tpu.memref_squeeze %dma_start3A_556 : memref<1x128xi32, #tpu.memory_space<vmem>> -> memref<128xi32, #tpu.memory_space<vmem>>
      %dma_start3A_558 = arith.constant 0 : i32
      %dma_start3A_559 = arith.constant 0 : i32
      %dma_start3A_560 = tpu.memref_slice %arg2[%dma_start3A_558, %dma_start3A_559] : memref<100000x16xf32, #tpu.memory_space<hbm>> -> memref<100000x16xf32, #tpu.memory_space<hbm>>
      tpu.enqueue_indirect_dma source(%dma_start3A_560 : memref<100000x16xf32, #tpu.memory_space<hbm>>) target(%dma_start3A_554 : memref<128x16xf32, #tpu.memory_space<vmem>>) offsets(%dma_start3A_557 : memref<128xi32, #tpu.memory_space<vmem>>) semaphore(%arg13 : memref<!tpu.dma_semaphore, #tpu.memory_space<semaphore_mem>>)
      %dma_start3A_561 = arith.constant 2 : i32
      %dma_start3A_562 = arith.constant 256 : i32
      %dma_start3A_563 = arith.constant 0 : i32
      %dma_start3A_564 = tpu.memref_slice %arg11[%dma_start3A_562, %dma_start3A_563] : memref<512x16xf32, #tpu.memory_space<vmem>> -> memref<128x16xf32, #tpu.memory_space<vmem>>
      %dma_start3A_565 = arith.constant 0 : i32
      %dma_start3A_566 = tpu.memref_slice %arg7[%dma_start3A_561, %dma_start3A_565] : memref<4x128xi32, #tpu.memory_space<vmem>> -> memref<1x128xi32, #tpu.memory_space<vmem>>
      %dma_start3A_567 = tpu.memref_squeeze %dma_start3A_566 : memref<1x128xi32, #tpu.memory_space<vmem>> -> memref<128xi32, #tpu.memory_space<vmem>>
      %dma_start3A_568 = arith.constant 0 : i32
      %dma_start3A_569 = arith.constant 0 : i32
      %dma_start3A_570 = tpu.memref_slice %arg2[%dma_start3A_568, %dma_start3A_569] : memref<100000x16xf32, #tpu.memory_space<hbm>> -> memref<100000x16xf32, #tpu.memory_space<hbm>>
      tpu.enqueue_indirect_dma source(%dma_start3A_570 : memref<100000x16xf32, #tpu.memory_space<hbm>>) target(%dma_start3A_564 : memref<128x16xf32, #tpu.memory_space<vmem>>) offsets(%dma_start3A_567 : memref<128xi32, #tpu.memory_space<vmem>>) semaphore(%arg13 : memref<!tpu.dma_semaphore, #tpu.memory_space<semaphore_mem>>)
      %dma_start3A_571 = arith.constant 3 : i32
      %dma_start3A_572 = arith.constant 384 : i32
      %dma_start3A_573 = arith.constant 0 : i32
      %dma_start3A_574 = tpu.memref_slice %arg11[%dma_start3A_572, %dma_start3A_573] : memref<512x16xf32, #tpu.memory_space<vmem>> -> memref<128x16xf32, #tpu.memory_space<vmem>>
      %dma_start3A_575 = arith.constant 0 : i32
      %dma_start3A_576 = tpu.memref_slice %arg7[%dma_start3A_571, %dma_start3A_575] : memref<4x128xi32, #tpu.memory_space<vmem>> -> memref<1x128xi32, #tpu.memory_space<vmem>>
      %dma_start3A_577 = tpu.memref_squeeze %dma_start3A_576 : memref<1x128xi32, #tpu.memory_space<vmem>> -> memref<128xi32, #tpu.memory_space<vmem>>
      %dma_start3A_578 = arith.constant 0 : i32
      %dma_start3A_579 = arith.constant 0 : i32
      %dma_start3A_580 = tpu.memref_slice %arg2[%dma_start3A_578, %dma_start3A_579] : memref<100000x16xf32, #tpu.memory_space<hbm>> -> memref<100000x16xf32, #tpu.memory_space<hbm>>
      tpu.enqueue_indirect_dma source(%dma_start3A_580 : memref<100000x16xf32, #tpu.memory_space<hbm>>) target(%dma_start3A_574 : memref<128x16xf32, #tpu.memory_space<vmem>>) offsets(%dma_start3A_577 : memref<128xi32, #tpu.memory_space<vmem>>) semaphore(%arg13 : memref<!tpu.dma_semaphore, #tpu.memory_space<semaphore_mem>>)
      %add3A_581 = arith.constant 8 : i32
      %add3A_582 = arith.addi %add3A_486, %add3A_581 : i32
      %min3A_583 = arith.constant 24996 : i32
      %min3A_584 = arith.minsi %add3A_582, %min3A_583 : i32
      %dma_start3A_585 = arith.constant 0 : i32
      %dma_start3A_586 = arith.constant 0 : i32
      %dma_start3A_587 = tpu.memref_slice %arg3[%dma_start3A_585, %min3A_584, %dma_start3A_586] : memref<2x25000x128xi32, #tpu.memory_space<hbm>> -> memref<1x4x128xi32, #tpu.memory_space<hbm>>
      %dma_start3A_588 = tpu.memref_squeeze %dma_start3A_587 : memref<1x4x128xi32, #tpu.memory_space<hbm>> -> memref<4x128xi32, #tpu.memory_space<hbm>>
      %dma_start3A_589 = arith.constant 0 : i32
      %dma_start3A_590 = tpu.memref_slice %arg3[%dma_start3A_585, %min3A_584, %dma_start3A_589] : memref<2x25000x128xi32, #tpu.memory_space<hbm>> -> memref<1x4x128xi32, #tpu.memory_space<hbm>>
      %dma_start3A_591 = tpu.memref_squeeze %dma_start3A_590 : memref<1x4x128xi32, #tpu.memory_space<hbm>> -> memref<4x128xi32, #tpu.memory_space<hbm>>
      tpu.enqueue_dma source(%dma_start3A_591 : memref<4x128xi32, #tpu.memory_space<hbm>>) target(%arg6 : memref<4x128xi32, #tpu.memory_space<vmem>>) target_semaphore(%arg14 : memref<!tpu.dma_semaphore, #tpu.memory_space<semaphore_mem>>)
      %add3A_592 = arith.constant 4 : i32
      %add3A_593 = arith.addi %add3A_486, %add3A_592 : i32
      %min3A_594 = arith.constant 24996 : i32
      %min3A_595 = arith.minsi %add3A_593, %min3A_594 : i32
      %dma_start3A_596 = arith.constant 1 : i32
      %dma_start3A_597 = arith.constant 0 : i32
      %dma_start3A_598 = tpu.memref_slice %arg3[%dma_start3A_596, %min3A_595, %dma_start3A_597] : memref<2x25000x128xi32, #tpu.memory_space<hbm>> -> memref<1x4x128xi32, #tpu.memory_space<hbm>>
      %dma_start3A_599 = tpu.memref_squeeze %dma_start3A_598 : memref<1x4x128xi32, #tpu.memory_space<hbm>> -> memref<4x128xi32, #tpu.memory_space<hbm>>
      %dma_start3A_600 = arith.constant 0 : i32
      %dma_start3A_601 = tpu.memref_slice %arg3[%dma_start3A_596, %min3A_595, %dma_start3A_600] : memref<2x25000x128xi32, #tpu.memory_space<hbm>> -> memref<1x4x128xi32, #tpu.memory_space<hbm>>
      %dma_start3A_602 = tpu.memref_squeeze %dma_start3A_601 : memref<1x4x128xi32, #tpu.memory_space<hbm>> -> memref<4x128xi32, #tpu.memory_space<hbm>>
      tpu.enqueue_dma source(%dma_start3A_602 : memref<4x128xi32, #tpu.memory_space<hbm>>) target(%arg9 : memref<4x128xi32, #tpu.memory_space<vmem>>) target_semaphore(%arg14 : memref<!tpu.dma_semaphore, #tpu.memory_space<semaphore_mem>>)
      %dma_start3A_603 = arith.constant 0 : i32
      %dma_start3A_604 = arith.constant 0 : i32
      %dma_start3A_605 = arith.constant 0 : i32
      %dma_start3A_606 = tpu.memref_slice %arg10[%dma_start3A_604, %dma_start3A_605] : memref<512x16xf32, #tpu.memory_space<vmem>> -> memref<128x16xf32, #tpu.memory_space<vmem>>
      %dma_start3A_607 = arith.constant 0 : i32
      %dma_start3A_608 = tpu.memref_slice %arg8[%dma_start3A_603, %dma_start3A_607] : memref<4x128xi32, #tpu.memory_space<vmem>> -> memref<1x128xi32, #tpu.memory_space<vmem>>
      %dma_start3A_609 = tpu.memref_squeeze %dma_start3A_608 : memref<1x128xi32, #tpu.memory_space<vmem>> -> memref<128xi32, #tpu.memory_space<vmem>>
      %dma_start3A_610 = arith.constant 0 : i32
      %dma_start3A_611 = arith.constant 0 : i32
      %dma_start3A_612 = tpu.memref_slice %arg5[%dma_start3A_610, %dma_start3A_611] : memref<112000x16xf32, #tpu.memory_space<vmem_shared>> -> memref<112000x16xf32, #tpu.memory_space<vmem_shared>>
      tpu.enqueue_indirect_dma source(%dma_start3A_606 : memref<128x16xf32, #tpu.memory_space<vmem>>) target(%dma_start3A_612 : memref<112000x16xf32, #tpu.memory_space<vmem_shared>>) offsets(%dma_start3A_609 : memref<128xi32, #tpu.memory_space<vmem>>) semaphore(%arg15 : memref<!tpu.dma_semaphore, #tpu.memory_space<semaphore_mem>>) {add = true}
      %dma_start3A_613 = arith.constant 1 : i32
      %dma_start3A_614 = arith.constant 128 : i32
      %dma_start3A_615 = arith.constant 0 : i32
      %dma_start3A_616 = tpu.memref_slice %arg10[%dma_start3A_614, %dma_start3A_615] : memref<512x16xf32, #tpu.memory_space<vmem>> -> memref<128x16xf32, #tpu.memory_space<vmem>>
      %dma_start3A_617 = arith.constant 0 : i32
      %dma_start3A_618 = tpu.memref_slice %arg8[%dma_start3A_613, %dma_start3A_617] : memref<4x128xi32, #tpu.memory_space<vmem>> -> memref<1x128xi32, #tpu.memory_space<vmem>>
      %dma_start3A_619 = tpu.memref_squeeze %dma_start3A_618 : memref<1x128xi32, #tpu.memory_space<vmem>> -> memref<128xi32, #tpu.memory_space<vmem>>
      %dma_start3A_620 = arith.constant 0 : i32
      %dma_start3A_621 = arith.constant 0 : i32
      %dma_start3A_622 = tpu.memref_slice %arg5[%dma_start3A_620, %dma_start3A_621] : memref<112000x16xf32, #tpu.memory_space<vmem_shared>> -> memref<112000x16xf32, #tpu.memory_space<vmem_shared>>
      tpu.enqueue_indirect_dma source(%dma_start3A_616 : memref<128x16xf32, #tpu.memory_space<vmem>>) target(%dma_start3A_622 : memref<112000x16xf32, #tpu.memory_space<vmem_shared>>) offsets(%dma_start3A_619 : memref<128xi32, #tpu.memory_space<vmem>>) semaphore(%arg15 : memref<!tpu.dma_semaphore, #tpu.memory_space<semaphore_mem>>) {add = true}
      %dma_start3A_623 = arith.constant 2 : i32
      %dma_start3A_624 = arith.constant 256 : i32
      %dma_start3A_625 = arith.constant 0 : i32
      %dma_start3A_626 = tpu.memref_slice %arg10[%dma_start3A_624, %dma_start3A_625] : memref<512x16xf32, #tpu.memory_space<vmem>> -> memref<128x16xf32, #tpu.memory_space<vmem>>
      %dma_start3A_627 = arith.constant 0 : i32
      %dma_start3A_628 = tpu.memref_slice %arg8[%dma_start3A_623, %dma_start3A_627] : memref<4x128xi32, #tpu.memory_space<vmem>> -> memref<1x128xi32, #tpu.memory_space<vmem>>
      %dma_start3A_629 = tpu.memref_squeeze %dma_start3A_628 : memref<1x128xi32, #tpu.memory_space<vmem>> -> memref<128xi32, #tpu.memory_space<vmem>>
      %dma_start3A_630 = arith.constant 0 : i32
      %dma_start3A_631 = arith.constant 0 : i32
      %dma_start3A_632 = tpu.memref_slice %arg5[%dma_start3A_630, %dma_start3A_631] : memref<112000x16xf32, #tpu.memory_space<vmem_shared>> -> memref<112000x16xf32, #tpu.memory_space<vmem_shared>>
      tpu.enqueue_indirect_dma source(%dma_start3A_626 : memref<128x16xf32, #tpu.memory_space<vmem>>) target(%dma_start3A_632 : memref<112000x16xf32, #tpu.memory_space<vmem_shared>>) offsets(%dma_start3A_629 : memref<128xi32, #tpu.memory_space<vmem>>) semaphore(%arg15 : memref<!tpu.dma_semaphore, #tpu.memory_space<semaphore_mem>>) {add = true}
      %dma_start3A_633 = arith.constant 3 : i32
      %dma_start3A_634 = arith.constant 384 : i32
      %dma_start3A_635 = arith.constant 0 : i32
      %dma_start3A_636 = tpu.memref_slice %arg10[%dma_start3A_634, %dma_start3A_635] : memref<512x16xf32, #tpu.memory_space<vmem>> -> memref<128x16xf32, #tpu.memory_space<vmem>>
      %dma_start3A_637 = arith.constant 0 : i32
      %dma_start3A_638 = tpu.memref_slice %arg8[%dma_start3A_633, %dma_start3A_637] : memref<4x128xi32, #tpu.memory_space<vmem>> -> memref<1x128xi32, #tpu.memory_space<vmem>>
      %dma_start3A_639 = tpu.memref_squeeze %dma_start3A_638 : memref<1x128xi32, #tpu.memory_space<vmem>> -> memref<128xi32, #tpu.memory_space<vmem>>
      %dma_start3A_640 = arith.constant 0 : i32
      %dma_start3A_641 = arith.constant 0 : i32
      %dma_start3A_642 = tpu.memref_slice %arg5[%dma_start3A_640, %dma_start3A_641] : memref<112000x16xf32, #tpu.memory_space<vmem_shared>> -> memref<112000x16xf32, #tpu.memory_space<vmem_shared>>
      tpu.enqueue_indirect_dma source(%dma_start3A_636 : memref<128x16xf32, #tpu.memory_space<vmem>>) target(%dma_start3A_642 : memref<112000x16xf32, #tpu.memory_space<vmem_shared>>) offsets(%dma_start3A_639 : memref<128xi32, #tpu.memory_space<vmem>>) semaphore(%arg15 : memref<!tpu.dma_semaphore, #tpu.memory_space<semaphore_mem>>) {add = true}
      %dma_wait3A_643 = arith.constant 0 : i32
      %dma_wait3A_644 = arith.constant 0 : i32
      %dma_wait3A_645 = arith.constant 0 : i32
      %dma_wait3A_646 = tpu.memref_slice %arg10[%dma_wait3A_644, %dma_wait3A_645] : memref<512x16xf32, #tpu.memory_space<vmem>> -> memref<128x16xf32, #tpu.memory_space<vmem>>
      %dma_wait3A_647 = arith.constant 0 : i32
      %dma_wait3A_648 = tpu.memref_slice %arg8[%dma_wait3A_643, %dma_wait3A_647] : memref<4x128xi32, #tpu.memory_space<vmem>> -> memref<1x128xi32, #tpu.memory_space<vmem>>
      %dma_wait3A_649 = tpu.memref_squeeze %dma_wait3A_648 : memref<1x128xi32, #tpu.memory_space<vmem>> -> memref<128xi32, #tpu.memory_space<vmem>>
      %dma_wait3A_650 = arith.constant 0 : i32
      %dma_wait3A_651 = arith.constant 0 : i32
      %dma_wait3A_652 = tpu.memref_slice %arg5[%dma_wait3A_650, %dma_wait3A_651] : memref<112000x16xf32, #tpu.memory_space<vmem_shared>> -> memref<112000x16xf32, #tpu.memory_space<vmem_shared>>
      tpu.wait_indirect_dma semaphore(%arg15 : memref<!tpu.dma_semaphore, #tpu.memory_space<semaphore_mem>>) src(%dma_wait3A_646 : memref<128x16xf32, #tpu.memory_space<vmem>>) dst(%dma_wait3A_652 : memref<112000x16xf32, #tpu.memory_space<vmem_shared>>)
      %dma_wait3A_653 = arith.constant 1 : i32
      %dma_wait3A_654 = arith.constant 128 : i32
      %dma_wait3A_655 = arith.constant 0 : i32
      %dma_wait3A_656 = tpu.memref_slice %arg10[%dma_wait3A_654, %dma_wait3A_655] : memref<512x16xf32, #tpu.memory_space<vmem>> -> memref<128x16xf32, #tpu.memory_space<vmem>>
      %dma_wait3A_657 = arith.constant 0 : i32
      %dma_wait3A_658 = tpu.memref_slice %arg8[%dma_wait3A_653, %dma_wait3A_657] : memref<4x128xi32, #tpu.memory_space<vmem>> -> memref<1x128xi32, #tpu.memory_space<vmem>>
      %dma_wait3A_659 = tpu.memref_squeeze %dma_wait3A_658 : memref<1x128xi32, #tpu.memory_space<vmem>> -> memref<128xi32, #tpu.memory_space<vmem>>
      %dma_wait3A_660 = arith.constant 0 : i32
      %dma_wait3A_661 = arith.constant 0 : i32
      %dma_wait3A_662 = tpu.memref_slice %arg5[%dma_wait3A_660, %dma_wait3A_661] : memref<112000x16xf32, #tpu.memory_space<vmem_shared>> -> memref<112000x16xf32, #tpu.memory_space<vmem_shared>>
      tpu.wait_indirect_dma semaphore(%arg15 : memref<!tpu.dma_semaphore, #tpu.memory_space<semaphore_mem>>) src(%dma_wait3A_656 : memref<128x16xf32, #tpu.memory_space<vmem>>) dst(%dma_wait3A_662 : memref<112000x16xf32, #tpu.memory_space<vmem_shared>>)
      %dma_wait3A_663 = arith.constant 2 : i32
      %dma_wait3A_664 = arith.constant 256 : i32
      %dma_wait3A_665 = arith.constant 0 : i32
      %dma_wait3A_666 = tpu.memref_slice %arg10[%dma_wait3A_664, %dma_wait3A_665] : memref<512x16xf32, #tpu.memory_space<vmem>> -> memref<128x16xf32, #tpu.memory_space<vmem>>
      %dma_wait3A_667 = arith.constant 0 : i32
      %dma_wait3A_668 = tpu.memref_slice %arg8[%dma_wait3A_663, %dma_wait3A_667] : memref<4x128xi32, #tpu.memory_space<vmem>> -> memref<1x128xi32, #tpu.memory_space<vmem>>
      %dma_wait3A_669 = tpu.memref_squeeze %dma_wait3A_668 : memref<1x128xi32, #tpu.memory_space<vmem>> -> memref<128xi32, #tpu.memory_space<vmem>>
      %dma_wait3A_670 = arith.constant 0 : i32
      %dma_wait3A_671 = arith.constant 0 : i32
      %dma_wait3A_672 = tpu.memref_slice %arg5[%dma_wait3A_670, %dma_wait3A_671] : memref<112000x16xf32, #tpu.memory_space<vmem_shared>> -> memref<112000x16xf32, #tpu.memory_space<vmem_shared>>
      tpu.wait_indirect_dma semaphore(%arg15 : memref<!tpu.dma_semaphore, #tpu.memory_space<semaphore_mem>>) src(%dma_wait3A_666 : memref<128x16xf32, #tpu.memory_space<vmem>>) dst(%dma_wait3A_672 : memref<112000x16xf32, #tpu.memory_space<vmem_shared>>)
      %dma_wait3A_673 = arith.constant 3 : i32
      %dma_wait3A_674 = arith.constant 384 : i32
      %dma_wait3A_675 = arith.constant 0 : i32
      %dma_wait3A_676 = tpu.memref_slice %arg10[%dma_wait3A_674, %dma_wait3A_675] : memref<512x16xf32, #tpu.memory_space<vmem>> -> memref<128x16xf32, #tpu.memory_space<vmem>>
      %dma_wait3A_677 = arith.constant 0 : i32
      %dma_wait3A_678 = tpu.memref_slice %arg8[%dma_wait3A_673, %dma_wait3A_677] : memref<4x128xi32, #tpu.memory_space<vmem>> -> memref<1x128xi32, #tpu.memory_space<vmem>>
      %dma_wait3A_679 = tpu.memref_squeeze %dma_wait3A_678 : memref<1x128xi32, #tpu.memory_space<vmem>> -> memref<128xi32, #tpu.memory_space<vmem>>
      %dma_wait3A_680 = arith.constant 0 : i32
      %dma_wait3A_681 = arith.constant 0 : i32
      %dma_wait3A_682 = tpu.memref_slice %arg5[%dma_wait3A_680, %dma_wait3A_681] : memref<112000x16xf32, #tpu.memory_space<vmem_shared>> -> memref<112000x16xf32, #tpu.memory_space<vmem_shared>>
      tpu.wait_indirect_dma semaphore(%arg15 : memref<!tpu.dma_semaphore, #tpu.memory_space<semaphore_mem>>) src(%dma_wait3A_676 : memref<128x16xf32, #tpu.memory_space<vmem>>) dst(%dma_wait3A_682 : memref<112000x16xf32, #tpu.memory_space<vmem_shared>>)
      %mul3A_683 = arith.constant 2 : i32
      %mul3A_684 = arith.muli %while3A_479, %mul3A_683 : i32
      %add3A_685 = arith.constant 1 : i32
      %add3A_686 = arith.addi %mul3A_684, %add3A_685 : i32
      %mul3A_687 = arith.constant 4 : i32
      %mul3A_688 = arith.muli %add3A_686, %mul3A_687 : i32
      %add3A_689 = arith.addi %mul3A_353, %mul3A_688 : i32
      %dma_wait3A_690 = arith.constant 0 : i32
      %dma_wait3A_691 = arith.constant 0 : i32
      %dma_wait3A_692 = arith.constant 0 : i32
      %dma_wait3A_693 = tpu.memref_slice %arg11[%dma_wait3A_691, %dma_wait3A_692] : memref<512x16xf32, #tpu.memory_space<vmem>> -> memref<128x16xf32, #tpu.memory_space<vmem>>
      %dma_wait3A_694 = arith.constant 0 : i32
      %dma_wait3A_695 = tpu.memref_slice %arg7[%dma_wait3A_690, %dma_wait3A_694] : memref<4x128xi32, #tpu.memory_space<vmem>> -> memref<1x128xi32, #tpu.memory_space<vmem>>
      %dma_wait3A_696 = tpu.memref_squeeze %dma_wait3A_695 : memref<1x128xi32, #tpu.memory_space<vmem>> -> memref<128xi32, #tpu.memory_space<vmem>>
      %dma_wait3A_697 = arith.constant 0 : i32
      %dma_wait3A_698 = arith.constant 0 : i32
      %dma_wait3A_699 = tpu.memref_slice %arg2[%dma_wait3A_697, %dma_wait3A_698] : memref<100000x16xf32, #tpu.memory_space<hbm>> -> memref<100000x16xf32, #tpu.memory_space<hbm>>
      tpu.wait_indirect_dma semaphore(%arg13 : memref<!tpu.dma_semaphore, #tpu.memory_space<semaphore_mem>>) src(%dma_wait3A_699 : memref<100000x16xf32, #tpu.memory_space<hbm>>) dst(%dma_wait3A_693 : memref<128x16xf32, #tpu.memory_space<vmem>>)
      %dma_wait3A_700 = arith.constant 1 : i32
      %dma_wait3A_701 = arith.constant 128 : i32
      %dma_wait3A_702 = arith.constant 0 : i32
      %dma_wait3A_703 = tpu.memref_slice %arg11[%dma_wait3A_701, %dma_wait3A_702] : memref<512x16xf32, #tpu.memory_space<vmem>> -> memref<128x16xf32, #tpu.memory_space<vmem>>
      %dma_wait3A_704 = arith.constant 0 : i32
      %dma_wait3A_705 = tpu.memref_slice %arg7[%dma_wait3A_700, %dma_wait3A_704] : memref<4x128xi32, #tpu.memory_space<vmem>> -> memref<1x128xi32, #tpu.memory_space<vmem>>
      %dma_wait3A_706 = tpu.memref_squeeze %dma_wait3A_705 : memref<1x128xi32, #tpu.memory_space<vmem>> -> memref<128xi32, #tpu.memory_space<vmem>>
      %dma_wait3A_707 = arith.constant 0 : i32
      %dma_wait3A_708 = arith.constant 0 : i32
      %dma_wait3A_709 = tpu.memref_slice %arg2[%dma_wait3A_707, %dma_wait3A_708] : memref<100000x16xf32, #tpu.memory_space<hbm>> -> memref<100000x16xf32, #tpu.memory_space<hbm>>
      tpu.wait_indirect_dma semaphore(%arg13 : memref<!tpu.dma_semaphore, #tpu.memory_space<semaphore_mem>>) src(%dma_wait3A_709 : memref<100000x16xf32, #tpu.memory_space<hbm>>) dst(%dma_wait3A_703 : memref<128x16xf32, #tpu.memory_space<vmem>>)
      %dma_wait3A_710 = arith.constant 2 : i32
      %dma_wait3A_711 = arith.constant 256 : i32
      %dma_wait3A_712 = arith.constant 0 : i32
      %dma_wait3A_713 = tpu.memref_slice %arg11[%dma_wait3A_711, %dma_wait3A_712] : memref<512x16xf32, #tpu.memory_space<vmem>> -> memref<128x16xf32, #tpu.memory_space<vmem>>
      %dma_wait3A_714 = arith.constant 0 : i32
      %dma_wait3A_715 = tpu.memref_slice %arg7[%dma_wait3A_710, %dma_wait3A_714] : memref<4x128xi32, #tpu.memory_space<vmem>> -> memref<1x128xi32, #tpu.memory_space<vmem>>
      %dma_wait3A_716 = tpu.memref_squeeze %dma_wait3A_715 : memref<1x128xi32, #tpu.memory_space<vmem>> -> memref<128xi32, #tpu.memory_space<vmem>>
      %dma_wait3A_717 = arith.constant 0 : i32
      %dma_wait3A_718 = arith.constant 0 : i32
      %dma_wait3A_719 = tpu.memref_slice %arg2[%dma_wait3A_717, %dma_wait3A_718] : memref<100000x16xf32, #tpu.memory_space<hbm>> -> memref<100000x16xf32, #tpu.memory_space<hbm>>
      tpu.wait_indirect_dma semaphore(%arg13 : memref<!tpu.dma_semaphore, #tpu.memory_space<semaphore_mem>>) src(%dma_wait3A_719 : memref<100000x16xf32, #tpu.memory_space<hbm>>) dst(%dma_wait3A_713 : memref<128x16xf32, #tpu.memory_space<vmem>>)
      %dma_wait3A_720 = arith.constant 3 : i32
      %dma_wait3A_721 = arith.constant 384 : i32
      %dma_wait3A_722 = arith.constant 0 : i32
      %dma_wait3A_723 = tpu.memref_slice %arg11[%dma_wait3A_721, %dma_wait3A_722] : memref<512x16xf32, #tpu.memory_space<vmem>> -> memref<128x16xf32, #tpu.memory_space<vmem>>
      %dma_wait3A_724 = arith.constant 0 : i32
      %dma_wait3A_725 = tpu.memref_slice %arg7[%dma_wait3A_720, %dma_wait3A_724] : memref<4x128xi32, #tpu.memory_space<vmem>> -> memref<1x128xi32, #tpu.memory_space<vmem>>
      %dma_wait3A_726 = tpu.memref_squeeze %dma_wait3A_725 : memref<1x128xi32, #tpu.memory_space<vmem>> -> memref<128xi32, #tpu.memory_space<vmem>>
      %dma_wait3A_727 = arith.constant 0 : i32
      %dma_wait3A_728 = arith.constant 0 : i32
      %dma_wait3A_729 = tpu.memref_slice %arg2[%dma_wait3A_727, %dma_wait3A_728] : memref<100000x16xf32, #tpu.memory_space<hbm>> -> memref<100000x16xf32, #tpu.memory_space<hbm>>
      tpu.wait_indirect_dma semaphore(%arg13 : memref<!tpu.dma_semaphore, #tpu.memory_space<semaphore_mem>>) src(%dma_wait3A_729 : memref<100000x16xf32, #tpu.memory_space<hbm>>) dst(%dma_wait3A_723 : memref<128x16xf32, #tpu.memory_space<vmem>>)
      %dma_wait3A_730 = arith.constant 0 : i32
      %dma_wait3A_731 = arith.constant 0 : i32
      %dma_wait3A_732 = tpu.memref_slice %arg3[%dma_wait3A_730, %add3A_689, %dma_wait3A_731] : memref<2x25000x128xi32, #tpu.memory_space<hbm>> -> memref<1x4x128xi32, #tpu.memory_space<hbm>>
      %dma_wait3A_733 = tpu.memref_squeeze %dma_wait3A_732 : memref<1x4x128xi32, #tpu.memory_space<hbm>> -> memref<4x128xi32, #tpu.memory_space<hbm>>
      %dma_wait3A_734 = arith.constant 0 : i32
      %dma_wait3A_735 = tpu.memref_slice %arg3[%dma_wait3A_730, %add3A_689, %dma_wait3A_734] : memref<2x25000x128xi32, #tpu.memory_space<hbm>> -> memref<1x4x128xi32, #tpu.memory_space<hbm>>
      %dma_wait3A_736 = tpu.memref_squeeze %dma_wait3A_735 : memref<1x4x128xi32, #tpu.memory_space<hbm>> -> memref<4x128xi32, #tpu.memory_space<hbm>>
      tpu.wait_dma2 semaphore(%arg14 : memref<!tpu.dma_semaphore, #tpu.memory_space<semaphore_mem>>) src(%dma_wait3A_736 : memref<4x128xi32, #tpu.memory_space<hbm>>) dst(%arg6 : memref<4x128xi32, #tpu.memory_space<vmem>>)
      %dma_wait3A_737 = arith.constant 1 : i32
      %dma_wait3A_738 = arith.constant 0 : i32
      %dma_wait3A_739 = tpu.memref_slice %arg3[%dma_wait3A_737, %add3A_689, %dma_wait3A_738] : memref<2x25000x128xi32, #tpu.memory_space<hbm>> -> memref<1x4x128xi32, #tpu.memory_space<hbm>>
      %dma_wait3A_740 = tpu.memref_squeeze %dma_wait3A_739 : memref<1x4x128xi32, #tpu.memory_space<hbm>> -> memref<4x128xi32, #tpu.memory_space<hbm>>
      %dma_wait3A_741 = arith.constant 0 : i32
      %dma_wait3A_742 = tpu.memref_slice %arg3[%dma_wait3A_737, %add3A_689, %dma_wait3A_741] : memref<2x25000x128xi32, #tpu.memory_space<hbm>> -> memref<1x4x128xi32, #tpu.memory_space<hbm>>
      %dma_wait3A_743 = tpu.memref_squeeze %dma_wait3A_742 : memref<1x4x128xi32, #tpu.memory_space<hbm>> -> memref<4x128xi32, #tpu.memory_space<hbm>>
      tpu.wait_dma2 semaphore(%arg14 : memref<!tpu.dma_semaphore, #tpu.memory_space<semaphore_mem>>) src(%dma_wait3A_743 : memref<4x128xi32, #tpu.memory_space<hbm>>) dst(%arg9 : memref<4x128xi32, #tpu.memory_space<vmem>>)
      %dma_start3A_744 = arith.constant 0 : i32
      %dma_start3A_745 = arith.constant 0 : i32
      %dma_start3A_746 = arith.constant 0 : i32
      %dma_start3A_747 = tpu.memref_slice %arg10[%dma_start3A_745, %dma_start3A_746] : memref<512x16xf32, #tpu.memory_space<vmem>> -> memref<128x16xf32, #tpu.memory_space<vmem>>
      %dma_start3A_748 = arith.constant 0 : i32
      %dma_start3A_749 = tpu.memref_slice %arg6[%dma_start3A_744, %dma_start3A_748] : memref<4x128xi32, #tpu.memory_space<vmem>> -> memref<1x128xi32, #tpu.memory_space<vmem>>
      %dma_start3A_750 = tpu.memref_squeeze %dma_start3A_749 : memref<1x128xi32, #tpu.memory_space<vmem>> -> memref<128xi32, #tpu.memory_space<vmem>>
      %dma_start3A_751 = arith.constant 0 : i32
      %dma_start3A_752 = arith.constant 0 : i32
      %dma_start3A_753 = tpu.memref_slice %arg2[%dma_start3A_751, %dma_start3A_752] : memref<100000x16xf32, #tpu.memory_space<hbm>> -> memref<100000x16xf32, #tpu.memory_space<hbm>>
      tpu.enqueue_indirect_dma source(%dma_start3A_753 : memref<100000x16xf32, #tpu.memory_space<hbm>>) target(%dma_start3A_747 : memref<128x16xf32, #tpu.memory_space<vmem>>) offsets(%dma_start3A_750 : memref<128xi32, #tpu.memory_space<vmem>>) semaphore(%arg12 : memref<!tpu.dma_semaphore, #tpu.memory_space<semaphore_mem>>)
      %dma_start3A_754 = arith.constant 1 : i32
      %dma_start3A_755 = arith.constant 128 : i32
      %dma_start3A_756 = arith.constant 0 : i32
      %dma_start3A_757 = tpu.memref_slice %arg10[%dma_start3A_755, %dma_start3A_756] : memref<512x16xf32, #tpu.memory_space<vmem>> -> memref<128x16xf32, #tpu.memory_space<vmem>>
      %dma_start3A_758 = arith.constant 0 : i32
      %dma_start3A_759 = tpu.memref_slice %arg6[%dma_start3A_754, %dma_start3A_758] : memref<4x128xi32, #tpu.memory_space<vmem>> -> memref<1x128xi32, #tpu.memory_space<vmem>>
      %dma_start3A_760 = tpu.memref_squeeze %dma_start3A_759 : memref<1x128xi32, #tpu.memory_space<vmem>> -> memref<128xi32, #tpu.memory_space<vmem>>
      %dma_start3A_761 = arith.constant 0 : i32
      %dma_start3A_762 = arith.constant 0 : i32
      %dma_start3A_763 = tpu.memref_slice %arg2[%dma_start3A_761, %dma_start3A_762] : memref<100000x16xf32, #tpu.memory_space<hbm>> -> memref<100000x16xf32, #tpu.memory_space<hbm>>
      tpu.enqueue_indirect_dma source(%dma_start3A_763 : memref<100000x16xf32, #tpu.memory_space<hbm>>) target(%dma_start3A_757 : memref<128x16xf32, #tpu.memory_space<vmem>>) offsets(%dma_start3A_760 : memref<128xi32, #tpu.memory_space<vmem>>) semaphore(%arg12 : memref<!tpu.dma_semaphore, #tpu.memory_space<semaphore_mem>>)
      %dma_start3A_764 = arith.constant 2 : i32
      %dma_start3A_765 = arith.constant 256 : i32
      %dma_start3A_766 = arith.constant 0 : i32
      %dma_start3A_767 = tpu.memref_slice %arg10[%dma_start3A_765, %dma_start3A_766] : memref<512x16xf32, #tpu.memory_space<vmem>> -> memref<128x16xf32, #tpu.memory_space<vmem>>
      %dma_start3A_768 = arith.constant 0 : i32
      %dma_start3A_769 = tpu.memref_slice %arg6[%dma_start3A_764, %dma_start3A_768] : memref<4x128xi32, #tpu.memory_space<vmem>> -> memref<1x128xi32, #tpu.memory_space<vmem>>
      %dma_start3A_770 = tpu.memref_squeeze %dma_start3A_769 : memref<1x128xi32, #tpu.memory_space<vmem>> -> memref<128xi32, #tpu.memory_space<vmem>>
      %dma_start3A_771 = arith.constant 0 : i32
      %dma_start3A_772 = arith.constant 0 : i32
      %dma_start3A_773 = tpu.memref_slice %arg2[%dma_start3A_771, %dma_start3A_772] : memref<100000x16xf32, #tpu.memory_space<hbm>> -> memref<100000x16xf32, #tpu.memory_space<hbm>>
      tpu.enqueue_indirect_dma source(%dma_start3A_773 : memref<100000x16xf32, #tpu.memory_space<hbm>>) target(%dma_start3A_767 : memref<128x16xf32, #tpu.memory_space<vmem>>) offsets(%dma_start3A_770 : memref<128xi32, #tpu.memory_space<vmem>>) semaphore(%arg12 : memref<!tpu.dma_semaphore, #tpu.memory_space<semaphore_mem>>)
      %dma_start3A_774 = arith.constant 3 : i32
      %dma_start3A_775 = arith.constant 384 : i32
      %dma_start3A_776 = arith.constant 0 : i32
      %dma_start3A_777 = tpu.memref_slice %arg10[%dma_start3A_775, %dma_start3A_776] : memref<512x16xf32, #tpu.memory_space<vmem>> -> memref<128x16xf32, #tpu.memory_space<vmem>>
      %dma_start3A_778 = arith.constant 0 : i32
      %dma_start3A_779 = tpu.memref_slice %arg6[%dma_start3A_774, %dma_start3A_778] : memref<4x128xi32, #tpu.memory_space<vmem>> -> memref<1x128xi32, #tpu.memory_space<vmem>>
      %dma_start3A_780 = tpu.memref_squeeze %dma_start3A_779 : memref<1x128xi32, #tpu.memory_space<vmem>> -> memref<128xi32, #tpu.memory_space<vmem>>
      %dma_start3A_781 = arith.constant 0 : i32
      %dma_start3A_782 = arith.constant 0 : i32
      %dma_start3A_783 = tpu.memref_slice %arg2[%dma_start3A_781, %dma_start3A_782] : memref<100000x16xf32, #tpu.memory_space<hbm>> -> memref<100000x16xf32, #tpu.memory_space<hbm>>
      tpu.enqueue_indirect_dma source(%dma_start3A_783 : memref<100000x16xf32, #tpu.memory_space<hbm>>) target(%dma_start3A_777 : memref<128x16xf32, #tpu.memory_space<vmem>>) offsets(%dma_start3A_780 : memref<128xi32, #tpu.memory_space<vmem>>) semaphore(%arg12 : memref<!tpu.dma_semaphore, #tpu.memory_space<semaphore_mem>>)
      %add3A_784 = arith.constant 8 : i32
      %add3A_785 = arith.addi %add3A_689, %add3A_784 : i32
      %min3A_786 = arith.constant 24996 : i32
      %min3A_787 = arith.minsi %add3A_785, %min3A_786 : i32
      %dma_start3A_788 = arith.constant 0 : i32
      %dma_start3A_789 = arith.constant 0 : i32
      %dma_start3A_790 = tpu.memref_slice %arg3[%dma_start3A_788, %min3A_787, %dma_start3A_789] : memref<2x25000x128xi32, #tpu.memory_space<hbm>> -> memref<1x4x128xi32, #tpu.memory_space<hbm>>
      %dma_start3A_791 = tpu.memref_squeeze %dma_start3A_790 : memref<1x4x128xi32, #tpu.memory_space<hbm>> -> memref<4x128xi32, #tpu.memory_space<hbm>>
      %dma_start3A_792 = arith.constant 0 : i32
      %dma_start3A_793 = tpu.memref_slice %arg3[%dma_start3A_788, %min3A_787, %dma_start3A_792] : memref<2x25000x128xi32, #tpu.memory_space<hbm>> -> memref<1x4x128xi32, #tpu.memory_space<hbm>>
      %dma_start3A_794 = tpu.memref_squeeze %dma_start3A_793 : memref<1x4x128xi32, #tpu.memory_space<hbm>> -> memref<4x128xi32, #tpu.memory_space<hbm>>
      tpu.enqueue_dma source(%dma_start3A_794 : memref<4x128xi32, #tpu.memory_space<hbm>>) target(%arg7 : memref<4x128xi32, #tpu.memory_space<vmem>>) target_semaphore(%arg14 : memref<!tpu.dma_semaphore, #tpu.memory_space<semaphore_mem>>)
      %add3A_795 = arith.constant 4 : i32
      %add3A_796 = arith.addi %add3A_689, %add3A_795 : i32
      %min3A_797 = arith.constant 24996 : i32
      %min3A_798 = arith.minsi %add3A_796, %min3A_797 : i32
      %dma_start3A_799 = arith.constant 1 : i32
      %dma_start3A_800 = arith.constant 0 : i32
      %dma_start3A_801 = tpu.memref_slice %arg3[%dma_start3A_799, %min3A_798, %dma_start3A_800] : memref<2x25000x128xi32, #tpu.memory_space<hbm>> -> memref<1x4x128xi32, #tpu.memory_space<hbm>>
      %dma_start3A_802 = tpu.memref_squeeze %dma_start3A_801 : memref<1x4x128xi32, #tpu.memory_space<hbm>> -> memref<4x128xi32, #tpu.memory_space<hbm>>
      %dma_start3A_803 = arith.constant 0 : i32
      %dma_start3A_804 = tpu.memref_slice %arg3[%dma_start3A_799, %min3A_798, %dma_start3A_803] : memref<2x25000x128xi32, #tpu.memory_space<hbm>> -> memref<1x4x128xi32, #tpu.memory_space<hbm>>
      %dma_start3A_805 = tpu.memref_squeeze %dma_start3A_804 : memref<1x4x128xi32, #tpu.memory_space<hbm>> -> memref<4x128xi32, #tpu.memory_space<hbm>>
      tpu.enqueue_dma source(%dma_start3A_805 : memref<4x128xi32, #tpu.memory_space<hbm>>) target(%arg8 : memref<4x128xi32, #tpu.memory_space<vmem>>) target_semaphore(%arg14 : memref<!tpu.dma_semaphore, #tpu.memory_space<semaphore_mem>>)
      %dma_start3A_806 = arith.constant 0 : i32
      %dma_start3A_807 = arith.constant 0 : i32
      %dma_start3A_808 = arith.constant 0 : i32
      %dma_start3A_809 = tpu.memref_slice %arg11[%dma_start3A_807, %dma_start3A_808] : memref<512x16xf32, #tpu.memory_space<vmem>> -> memref<128x16xf32, #tpu.memory_space<vmem>>
      %dma_start3A_810 = arith.constant 0 : i32
      %dma_start3A_811 = tpu.memref_slice %arg9[%dma_start3A_806, %dma_start3A_810] : memref<4x128xi32, #tpu.memory_space<vmem>> -> memref<1x128xi32, #tpu.memory_space<vmem>>
      %dma_start3A_812 = tpu.memref_squeeze %dma_start3A_811 : memref<1x128xi32, #tpu.memory_space<vmem>> -> memref<128xi32, #tpu.memory_space<vmem>>
      %dma_start3A_813 = arith.constant 0 : i32
      %dma_start3A_814 = arith.constant 0 : i32
      %dma_start3A_815 = tpu.memref_slice %arg5[%dma_start3A_813, %dma_start3A_814] : memref<112000x16xf32, #tpu.memory_space<vmem_shared>> -> memref<112000x16xf32, #tpu.memory_space<vmem_shared>>
      tpu.enqueue_indirect_dma source(%dma_start3A_809 : memref<128x16xf32, #tpu.memory_space<vmem>>) target(%dma_start3A_815 : memref<112000x16xf32, #tpu.memory_space<vmem_shared>>) offsets(%dma_start3A_812 : memref<128xi32, #tpu.memory_space<vmem>>) semaphore(%arg15 : memref<!tpu.dma_semaphore, #tpu.memory_space<semaphore_mem>>) {add = true}
      %dma_start3A_816 = arith.constant 1 : i32
      %dma_start3A_817 = arith.constant 128 : i32
      %dma_start3A_818 = arith.constant 0 : i32
      %dma_start3A_819 = tpu.memref_slice %arg11[%dma_start3A_817, %dma_start3A_818] : memref<512x16xf32, #tpu.memory_space<vmem>> -> memref<128x16xf32, #tpu.memory_space<vmem>>
      %dma_start3A_820 = arith.constant 0 : i32
      %dma_start3A_821 = tpu.memref_slice %arg9[%dma_start3A_816, %dma_start3A_820] : memref<4x128xi32, #tpu.memory_space<vmem>> -> memref<1x128xi32, #tpu.memory_space<vmem>>
      %dma_start3A_822 = tpu.memref_squeeze %dma_start3A_821 : memref<1x128xi32, #tpu.memory_space<vmem>> -> memref<128xi32, #tpu.memory_space<vmem>>
      %dma_start3A_823 = arith.constant 0 : i32
      %dma_start3A_824 = arith.constant 0 : i32
      %dma_start3A_825 = tpu.memref_slice %arg5[%dma_start3A_823, %dma_start3A_824] : memref<112000x16xf32, #tpu.memory_space<vmem_shared>> -> memref<112000x16xf32, #tpu.memory_space<vmem_shared>>
      tpu.enqueue_indirect_dma source(%dma_start3A_819 : memref<128x16xf32, #tpu.memory_space<vmem>>) target(%dma_start3A_825 : memref<112000x16xf32, #tpu.memory_space<vmem_shared>>) offsets(%dma_start3A_822 : memref<128xi32, #tpu.memory_space<vmem>>) semaphore(%arg15 : memref<!tpu.dma_semaphore, #tpu.memory_space<semaphore_mem>>) {add = true}
      %dma_start3A_826 = arith.constant 2 : i32
      %dma_start3A_827 = arith.constant 256 : i32
      %dma_start3A_828 = arith.constant 0 : i32
      %dma_start3A_829 = tpu.memref_slice %arg11[%dma_start3A_827, %dma_start3A_828] : memref<512x16xf32, #tpu.memory_space<vmem>> -> memref<128x16xf32, #tpu.memory_space<vmem>>
      %dma_start3A_830 = arith.constant 0 : i32
      %dma_start3A_831 = tpu.memref_slice %arg9[%dma_start3A_826, %dma_start3A_830] : memref<4x128xi32, #tpu.memory_space<vmem>> -> memref<1x128xi32, #tpu.memory_space<vmem>>
      %dma_start3A_832 = tpu.memref_squeeze %dma_start3A_831 : memref<1x128xi32, #tpu.memory_space<vmem>> -> memref<128xi32, #tpu.memory_space<vmem>>
      %dma_start3A_833 = arith.constant 0 : i32
      %dma_start3A_834 = arith.constant 0 : i32
      %dma_start3A_835 = tpu.memref_slice %arg5[%dma_start3A_833, %dma_start3A_834] : memref<112000x16xf32, #tpu.memory_space<vmem_shared>> -> memref<112000x16xf32, #tpu.memory_space<vmem_shared>>
      tpu.enqueue_indirect_dma source(%dma_start3A_829 : memref<128x16xf32, #tpu.memory_space<vmem>>) target(%dma_start3A_835 : memref<112000x16xf32, #tpu.memory_space<vmem_shared>>) offsets(%dma_start3A_832 : memref<128xi32, #tpu.memory_space<vmem>>) semaphore(%arg15 : memref<!tpu.dma_semaphore, #tpu.memory_space<semaphore_mem>>) {add = true}
      %dma_start3A_836 = arith.constant 3 : i32
      %dma_start3A_837 = arith.constant 384 : i32
      %dma_start3A_838 = arith.constant 0 : i32
      %dma_start3A_839 = tpu.memref_slice %arg11[%dma_start3A_837, %dma_start3A_838] : memref<512x16xf32, #tpu.memory_space<vmem>> -> memref<128x16xf32, #tpu.memory_space<vmem>>
      %dma_start3A_840 = arith.constant 0 : i32
      %dma_start3A_841 = tpu.memref_slice %arg9[%dma_start3A_836, %dma_start3A_840] : memref<4x128xi32, #tpu.memory_space<vmem>> -> memref<1x128xi32, #tpu.memory_space<vmem>>
      %dma_start3A_842 = tpu.memref_squeeze %dma_start3A_841 : memref<1x128xi32, #tpu.memory_space<vmem>> -> memref<128xi32, #tpu.memory_space<vmem>>
      %dma_start3A_843 = arith.constant 0 : i32
      %dma_start3A_844 = arith.constant 0 : i32
      %dma_start3A_845 = tpu.memref_slice %arg5[%dma_start3A_843, %dma_start3A_844] : memref<112000x16xf32, #tpu.memory_space<vmem_shared>> -> memref<112000x16xf32, #tpu.memory_space<vmem_shared>>
      tpu.enqueue_indirect_dma source(%dma_start3A_839 : memref<128x16xf32, #tpu.memory_space<vmem>>) target(%dma_start3A_845 : memref<112000x16xf32, #tpu.memory_space<vmem_shared>>) offsets(%dma_start3A_842 : memref<128xi32, #tpu.memory_space<vmem>>) semaphore(%arg15 : memref<!tpu.dma_semaphore, #tpu.memory_space<semaphore_mem>>) {add = true}
      %dma_wait3A_846 = arith.constant 0 : i32
      %dma_wait3A_847 = arith.constant 0 : i32
      %dma_wait3A_848 = arith.constant 0 : i32
      %dma_wait3A_849 = tpu.memref_slice %arg11[%dma_wait3A_847, %dma_wait3A_848] : memref<512x16xf32, #tpu.memory_space<vmem>> -> memref<128x16xf32, #tpu.memory_space<vmem>>
      %dma_wait3A_850 = arith.constant 0 : i32
      %dma_wait3A_851 = tpu.memref_slice %arg9[%dma_wait3A_846, %dma_wait3A_850] : memref<4x128xi32, #tpu.memory_space<vmem>> -> memref<1x128xi32, #tpu.memory_space<vmem>>
      %dma_wait3A_852 = tpu.memref_squeeze %dma_wait3A_851 : memref<1x128xi32, #tpu.memory_space<vmem>> -> memref<128xi32, #tpu.memory_space<vmem>>
      %dma_wait3A_853 = arith.constant 0 : i32
      %dma_wait3A_854 = arith.constant 0 : i32
      %dma_wait3A_855 = tpu.memref_slice %arg5[%dma_wait3A_853, %dma_wait3A_854] : memref<112000x16xf32, #tpu.memory_space<vmem_shared>> -> memref<112000x16xf32, #tpu.memory_space<vmem_shared>>
      tpu.wait_indirect_dma semaphore(%arg15 : memref<!tpu.dma_semaphore, #tpu.memory_space<semaphore_mem>>) src(%dma_wait3A_849 : memref<128x16xf32, #tpu.memory_space<vmem>>) dst(%dma_wait3A_855 : memref<112000x16xf32, #tpu.memory_space<vmem_shared>>)
      %dma_wait3A_856 = arith.constant 1 : i32
      %dma_wait3A_857 = arith.constant 128 : i32
      %dma_wait3A_858 = arith.constant 0 : i32
      %dma_wait3A_859 = tpu.memref_slice %arg11[%dma_wait3A_857, %dma_wait3A_858] : memref<512x16xf32, #tpu.memory_space<vmem>> -> memref<128x16xf32, #tpu.memory_space<vmem>>
      %dma_wait3A_860 = arith.constant 0 : i32
      %dma_wait3A_861 = tpu.memref_slice %arg9[%dma_wait3A_856, %dma_wait3A_860] : memref<4x128xi32, #tpu.memory_space<vmem>> -> memref<1x128xi32, #tpu.memory_space<vmem>>
      %dma_wait3A_862 = tpu.memref_squeeze %dma_wait3A_861 : memref<1x128xi32, #tpu.memory_space<vmem>> -> memref<128xi32, #tpu.memory_space<vmem>>
      %dma_wait3A_863 = arith.constant 0 : i32
      %dma_wait3A_864 = arith.constant 0 : i32
      %dma_wait3A_865 = tpu.memref_slice %arg5[%dma_wait3A_863, %dma_wait3A_864] : memref<112000x16xf32, #tpu.memory_space<vmem_shared>> -> memref<112000x16xf32, #tpu.memory_space<vmem_shared>>
      tpu.wait_indirect_dma semaphore(%arg15 : memref<!tpu.dma_semaphore, #tpu.memory_space<semaphore_mem>>) src(%dma_wait3A_859 : memref<128x16xf32, #tpu.memory_space<vmem>>) dst(%dma_wait3A_865 : memref<112000x16xf32, #tpu.memory_space<vmem_shared>>)
      %dma_wait3A_866 = arith.constant 2 : i32
      %dma_wait3A_867 = arith.constant 256 : i32
      %dma_wait3A_868 = arith.constant 0 : i32
      %dma_wait3A_869 = tpu.memref_slice %arg11[%dma_wait3A_867, %dma_wait3A_868] : memref<512x16xf32, #tpu.memory_space<vmem>> -> memref<128x16xf32, #tpu.memory_space<vmem>>
      %dma_wait3A_870 = arith.constant 0 : i32
      %dma_wait3A_871 = tpu.memref_slice %arg9[%dma_wait3A_866, %dma_wait3A_870] : memref<4x128xi32, #tpu.memory_space<vmem>> -> memref<1x128xi32, #tpu.memory_space<vmem>>
      %dma_wait3A_872 = tpu.memref_squeeze %dma_wait3A_871 : memref<1x128xi32, #tpu.memory_space<vmem>> -> memref<128xi32, #tpu.memory_space<vmem>>
      %dma_wait3A_873 = arith.constant 0 : i32
      %dma_wait3A_874 = arith.constant 0 : i32
      %dma_wait3A_875 = tpu.memref_slice %arg5[%dma_wait3A_873, %dma_wait3A_874] : memref<112000x16xf32, #tpu.memory_space<vmem_shared>> -> memref<112000x16xf32, #tpu.memory_space<vmem_shared>>
      tpu.wait_indirect_dma semaphore(%arg15 : memref<!tpu.dma_semaphore, #tpu.memory_space<semaphore_mem>>) src(%dma_wait3A_869 : memref<128x16xf32, #tpu.memory_space<vmem>>) dst(%dma_wait3A_875 : memref<112000x16xf32, #tpu.memory_space<vmem_shared>>)
      %dma_wait3A_876 = arith.constant 3 : i32
      %dma_wait3A_877 = arith.constant 384 : i32
      %dma_wait3A_878 = arith.constant 0 : i32
      %dma_wait3A_879 = tpu.memref_slice %arg11[%dma_wait3A_877, %dma_wait3A_878] : memref<512x16xf32, #tpu.memory_space<vmem>> -> memref<128x16xf32, #tpu.memory_space<vmem>>
      %dma_wait3A_880 = arith.constant 0 : i32
      %dma_wait3A_881 = tpu.memref_slice %arg9[%dma_wait3A_876, %dma_wait3A_880] : memref<4x128xi32, #tpu.memory_space<vmem>> -> memref<1x128xi32, #tpu.memory_space<vmem>>
      %dma_wait3A_882 = tpu.memref_squeeze %dma_wait3A_881 : memref<1x128xi32, #tpu.memory_space<vmem>> -> memref<128xi32, #tpu.memory_space<vmem>>
      %dma_wait3A_883 = arith.constant 0 : i32
      %dma_wait3A_884 = arith.constant 0 : i32
      %dma_wait3A_885 = tpu.memref_slice %arg5[%dma_wait3A_883, %dma_wait3A_884] : memref<112000x16xf32, #tpu.memory_space<vmem_shared>> -> memref<112000x16xf32, #tpu.memory_space<vmem_shared>>
      tpu.wait_indirect_dma semaphore(%arg15 : memref<!tpu.dma_semaphore, #tpu.memory_space<semaphore_mem>>) src(%dma_wait3A_879 : memref<128x16xf32, #tpu.memory_space<vmem>>) dst(%dma_wait3A_885 : memref<112000x16xf32, #tpu.memory_space<vmem_shared>>)
    }
    %while3A_417 = arith.constant 1 : i32
    scf.for %while3A_479 = %while3A_415 to %while3A_411 step %while3A_417  : i32 {
      %mul3A_480 = arith.constant 2 : i32
      %mul3A_481 = arith.muli %while3A_479, %mul3A_480 : i32
      %add3A_482 = arith.constant 0 : i32
      %add3A_483 = arith.addi %mul3A_481, %add3A_482 : i32
      %mul3A_484 = arith.constant 4 : i32
      %mul3A_485 = arith.muli %add3A_483, %mul3A_484 : i32
      %add3A_486 = arith.addi %mul3A_353, %mul3A_485 : i32
      %dma_wait3A_487 = arith.constant 0 : i32
      %dma_wait3A_488 = arith.constant 0 : i32
      %dma_wait3A_489 = arith.constant 0 : i32
      %dma_wait3A_490 = tpu.memref_slice %arg10[%dma_wait3A_488, %dma_wait3A_489] : memref<512x16xf32, #tpu.memory_space<vmem>> -> memref<128x16xf32, #tpu.memory_space<vmem>>
      %dma_wait3A_491 = arith.constant 0 : i32
      %dma_wait3A_492 = tpu.memref_slice %arg6[%dma_wait3A_487, %dma_wait3A_491] : memref<4x128xi32, #tpu.memory_space<vmem>> -> memref<1x128xi32, #tpu.memory_space<vmem>>
      %dma_wait3A_493 = tpu.memref_squeeze %dma_wait3A_492 : memref<1x128xi32, #tpu.memory_space<vmem>> -> memref<128xi32, #tpu.memory_space<vmem>>
      %dma_wait3A_494 = arith.constant 0 : i32
      %dma_wait3A_495 = arith.constant 0 : i32
      %dma_wait3A_496 = tpu.memref_slice %arg2[%dma_wait3A_494, %dma_wait3A_495] : memref<100000x16xf32, #tpu.memory_space<hbm>> -> memref<100000x16xf32, #tpu.memory_space<hbm>>
      tpu.wait_indirect_dma semaphore(%arg12 : memref<!tpu.dma_semaphore, #tpu.memory_space<semaphore_mem>>) src(%dma_wait3A_496 : memref<100000x16xf32, #tpu.memory_space<hbm>>) dst(%dma_wait3A_490 : memref<128x16xf32, #tpu.memory_space<vmem>>)
      %dma_wait3A_497 = arith.constant 1 : i32
      %dma_wait3A_498 = arith.constant 128 : i32
      %dma_wait3A_499 = arith.constant 0 : i32
      %dma_wait3A_500 = tpu.memref_slice %arg10[%dma_wait3A_498, %dma_wait3A_499] : memref<512x16xf32, #tpu.memory_space<vmem>> -> memref<128x16xf32, #tpu.memory_space<vmem>>
      %dma_wait3A_501 = arith.constant 0 : i32
      %dma_wait3A_502 = tpu.memref_slice %arg6[%dma_wait3A_497, %dma_wait3A_501] : memref<4x128xi32, #tpu.memory_space<vmem>> -> memref<1x128xi32, #tpu.memory_space<vmem>>
      %dma_wait3A_503 = tpu.memref_squeeze %dma_wait3A_502 : memref<1x128xi32, #tpu.memory_space<vmem>> -> memref<128xi32, #tpu.memory_space<vmem>>
      %dma_wait3A_504 = arith.constant 0 : i32
      %dma_wait3A_505 = arith.constant 0 : i32
      %dma_wait3A_506 = tpu.memref_slice %arg2[%dma_wait3A_504, %dma_wait3A_505] : memref<100000x16xf32, #tpu.memory_space<hbm>> -> memref<100000x16xf32, #tpu.memory_space<hbm>>
      tpu.wait_indirect_dma semaphore(%arg12 : memref<!tpu.dma_semaphore, #tpu.memory_space<semaphore_mem>>) src(%dma_wait3A_506 : memref<100000x16xf32, #tpu.memory_space<hbm>>) dst(%dma_wait3A_500 : memref<128x16xf32, #tpu.memory_space<vmem>>)
      %dma_wait3A_507 = arith.constant 2 : i32
      %dma_wait3A_508 = arith.constant 256 : i32
      %dma_wait3A_509 = arith.constant 0 : i32
      %dma_wait3A_510 = tpu.memref_slice %arg10[%dma_wait3A_508, %dma_wait3A_509] : memref<512x16xf32, #tpu.memory_space<vmem>> -> memref<128x16xf32, #tpu.memory_space<vmem>>
      %dma_wait3A_511 = arith.constant 0 : i32
      %dma_wait3A_512 = tpu.memref_slice %arg6[%dma_wait3A_507, %dma_wait3A_511] : memref<4x128xi32, #tpu.memory_space<vmem>> -> memref<1x128xi32, #tpu.memory_space<vmem>>
      %dma_wait3A_513 = tpu.memref_squeeze %dma_wait3A_512 : memref<1x128xi32, #tpu.memory_space<vmem>> -> memref<128xi32, #tpu.memory_space<vmem>>
      %dma_wait3A_514 = arith.constant 0 : i32
      %dma_wait3A_515 = arith.constant 0 : i32
      %dma_wait3A_516 = tpu.memref_slice %arg2[%dma_wait3A_514, %dma_wait3A_515] : memref<100000x16xf32, #tpu.memory_space<hbm>> -> memref<100000x16xf32, #tpu.memory_space<hbm>>
      tpu.wait_indirect_dma semaphore(%arg12 : memref<!tpu.dma_semaphore, #tpu.memory_space<semaphore_mem>>) src(%dma_wait3A_516 : memref<100000x16xf32, #tpu.memory_space<hbm>>) dst(%dma_wait3A_510 : memref<128x16xf32, #tpu.memory_space<vmem>>)
      %dma_wait3A_517 = arith.constant 3 : i32
      %dma_wait3A_518 = arith.constant 384 : i32
      %dma_wait3A_519 = arith.constant 0 : i32
      %dma_wait3A_520 = tpu.memref_slice %arg10[%dma_wait3A_518, %dma_wait3A_519] : memref<512x16xf32, #tpu.memory_space<vmem>> -> memref<128x16xf32, #tpu.memory_space<vmem>>
      %dma_wait3A_521 = arith.constant 0 : i32
      %dma_wait3A_522 = tpu.memref_slice %arg6[%dma_wait3A_517, %dma_wait3A_521] : memref<4x128xi32, #tpu.memory_space<vmem>> -> memref<1x128xi32, #tpu.memory_space<vmem>>
      %dma_wait3A_523 = tpu.memref_squeeze %dma_wait3A_522 : memref<1x128xi32, #tpu.memory_space<vmem>> -> memref<128xi32, #tpu.memory_space<vmem>>
      %dma_wait3A_524 = arith.constant 0 : i32
      %dma_wait3A_525 = arith.constant 0 : i32
      %dma_wait3A_526 = tpu.memref_slice %arg2[%dma_wait3A_524, %dma_wait3A_525] : memref<100000x16xf32, #tpu.memory_space<hbm>> -> memref<100000x16xf32, #tpu.memory_space<hbm>>
      tpu.wait_indirect_dma semaphore(%arg12 : memref<!tpu.dma_semaphore, #tpu.memory_space<semaphore_mem>>) src(%dma_wait3A_526 : memref<100000x16xf32, #tpu.memory_space<hbm>>) dst(%dma_wait3A_520 : memref<128x16xf32, #tpu.memory_space<vmem>>)
      %dma_wait3A_527 = arith.constant 0 : i32
      %dma_wait3A_528 = arith.constant 0 : i32
      %dma_wait3A_529 = tpu.memref_slice %arg3[%dma_wait3A_527, %add3A_486, %dma_wait3A_528] : memref<2x25000x128xi32, #tpu.memory_space<hbm>> -> memref<1x4x128xi32, #tpu.memory_space<hbm>>
      %dma_wait3A_530 = tpu.memref_squeeze %dma_wait3A_529 : memref<1x4x128xi32, #tpu.memory_space<hbm>> -> memref<4x128xi32, #tpu.memory_space<hbm>>
      %dma_wait3A_531 = arith.constant 0 : i32
      %dma_wait3A_532 = tpu.memref_slice %arg3[%dma_wait3A_527, %add3A_486, %dma_wait3A_531] : memref<2x25000x128xi32, #tpu.memory_space<hbm>> -> memref<1x4x128xi32, #tpu.memory_space<hbm>>
      %dma_wait3A_533 = tpu.memref_squeeze %dma_wait3A_532 : memref<1x4x128xi32, #tpu.memory_space<hbm>> -> memref<4x128xi32, #tpu.memory_space<hbm>>
      tpu.wait_dma2 semaphore(%arg14 : memref<!tpu.dma_semaphore, #tpu.memory_space<semaphore_mem>>) src(%dma_wait3A_533 : memref<4x128xi32, #tpu.memory_space<hbm>>) dst(%arg7 : memref<4x128xi32, #tpu.memory_space<vmem>>)
      %dma_wait3A_534 = arith.constant 1 : i32
      %dma_wait3A_535 = arith.constant 0 : i32
      %dma_wait3A_536 = tpu.memref_slice %arg3[%dma_wait3A_534, %add3A_486, %dma_wait3A_535] : memref<2x25000x128xi32, #tpu.memory_space<hbm>> -> memref<1x4x128xi32, #tpu.memory_space<hbm>>
      %dma_wait3A_537 = tpu.memref_squeeze %dma_wait3A_536 : memref<1x4x128xi32, #tpu.memory_space<hbm>> -> memref<4x128xi32, #tpu.memory_space<hbm>>
      %dma_wait3A_538 = arith.constant 0 : i32
      %dma_wait3A_539 = tpu.memref_slice %arg3[%dma_wait3A_534, %add3A_486, %dma_wait3A_538] : memref<2x25000x128xi32, #tpu.memory_space<hbm>> -> memref<1x4x128xi32, #tpu.memory_space<hbm>>
      %dma_wait3A_540 = tpu.memref_squeeze %dma_wait3A_539 : memref<1x4x128xi32, #tpu.memory_space<hbm>> -> memref<4x128xi32, #tpu.memory_space<hbm>>
      tpu.wait_dma2 semaphore(%arg14 : memref<!tpu.dma_semaphore, #tpu.memory_space<semaphore_mem>>) src(%dma_wait3A_540 : memref<4x128xi32, #tpu.memory_space<hbm>>) dst(%arg8 : memref<4x128xi32, #tpu.memory_space<vmem>>)
      %dma_start3A_541 = arith.constant 0 : i32
      %dma_start3A_542 = arith.constant 0 : i32
      %dma_start3A_543 = arith.constant 0 : i32
      %dma_start3A_544 = tpu.memref_slice %arg11[%dma_start3A_542, %dma_start3A_543] : memref<512x16xf32, #tpu.memory_space<vmem>> -> memref<128x16xf32, #tpu.memory_space<vmem>>
      %dma_start3A_545 = arith.constant 0 : i32
      %dma_start3A_546 = tpu.memref_slice %arg7[%dma_start3A_541, %dma_start3A_545] : memref<4x128xi32, #tpu.memory_space<vmem>> -> memref<1x128xi32, #tpu.memory_space<vmem>>
      %dma_start3A_547 = tpu.memref_squeeze %dma_start3A_546 : memref<1x128xi32, #tpu.memory_space<vmem>> -> memref<128xi32, #tpu.memory_space<vmem>>
      %dma_start3A_548 = arith.constant 0 : i32
      %dma_start3A_549 = arith.constant 0 : i32
      %dma_start3A_550 = tpu.memref_slice %arg2[%dma_start3A_548, %dma_start3A_549] : memref<100000x16xf32, #tpu.memory_space<hbm>> -> memref<100000x16xf32, #tpu.memory_space<hbm>>
      tpu.enqueue_indirect_dma source(%dma_start3A_550 : memref<100000x16xf32, #tpu.memory_space<hbm>>) target(%dma_start3A_544 : memref<128x16xf32, #tpu.memory_space<vmem>>) offsets(%dma_start3A_547 : memref<128xi32, #tpu.memory_space<vmem>>) semaphore(%arg13 : memref<!tpu.dma_semaphore, #tpu.memory_space<semaphore_mem>>)
      %dma_start3A_551 = arith.constant 1 : i32
      %dma_start3A_552 = arith.constant 128 : i32
      %dma_start3A_553 = arith.constant 0 : i32
      %dma_start3A_554 = tpu.memref_slice %arg11[%dma_start3A_552, %dma_start3A_553] : memref<512x16xf32, #tpu.memory_space<vmem>> -> memref<128x16xf32, #tpu.memory_space<vmem>>
      %dma_start3A_555 = arith.constant 0 : i32
      %dma_start3A_556 = tpu.memref_slice %arg7[%dma_start3A_551, %dma_start3A_555] : memref<4x128xi32, #tpu.memory_space<vmem>> -> memref<1x128xi32, #tpu.memory_space<vmem>>
      %dma_start3A_557 = tpu.memref_squeeze %dma_start3A_556 : memref<1x128xi32, #tpu.memory_space<vmem>> -> memref<128xi32, #tpu.memory_space<vmem>>
      %dma_start3A_558 = arith.constant 0 : i32
      %dma_start3A_559 = arith.constant 0 : i32
      %dma_start3A_560 = tpu.memref_slice %arg2[%dma_start3A_558, %dma_start3A_559] : memref<100000x16xf32, #tpu.memory_space<hbm>> -> memref<100000x16xf32, #tpu.memory_space<hbm>>
      tpu.enqueue_indirect_dma source(%dma_start3A_560 : memref<100000x16xf32, #tpu.memory_space<hbm>>) target(%dma_start3A_554 : memref<128x16xf32, #tpu.memory_space<vmem>>) offsets(%dma_start3A_557 : memref<128xi32, #tpu.memory_space<vmem>>) semaphore(%arg13 : memref<!tpu.dma_semaphore, #tpu.memory_space<semaphore_mem>>)
      %dma_start3A_561 = arith.constant 2 : i32
      %dma_start3A_562 = arith.constant 256 : i32
      %dma_start3A_563 = arith.constant 0 : i32
      %dma_start3A_564 = tpu.memref_slice %arg11[%dma_start3A_562, %dma_start3A_563] : memref<512x16xf32, #tpu.memory_space<vmem>> -> memref<128x16xf32, #tpu.memory_space<vmem>>
      %dma_start3A_565 = arith.constant 0 : i32
      %dma_start3A_566 = tpu.memref_slice %arg7[%dma_start3A_561, %dma_start3A_565] : memref<4x128xi32, #tpu.memory_space<vmem>> -> memref<1x128xi32, #tpu.memory_space<vmem>>
      %dma_start3A_567 = tpu.memref_squeeze %dma_start3A_566 : memref<1x128xi32, #tpu.memory_space<vmem>> -> memref<128xi32, #tpu.memory_space<vmem>>
      %dma_start3A_568 = arith.constant 0 : i32
      %dma_start3A_569 = arith.constant 0 : i32
      %dma_start3A_570 = tpu.memref_slice %arg2[%dma_start3A_568, %dma_start3A_569] : memref<100000x16xf32, #tpu.memory_space<hbm>> -> memref<100000x16xf32, #tpu.memory_space<hbm>>
      tpu.enqueue_indirect_dma source(%dma_start3A_570 : memref<100000x16xf32, #tpu.memory_space<hbm>>) target(%dma_start3A_564 : memref<128x16xf32, #tpu.memory_space<vmem>>) offsets(%dma_start3A_567 : memref<128xi32, #tpu.memory_space<vmem>>) semaphore(%arg13 : memref<!tpu.dma_semaphore, #tpu.memory_space<semaphore_mem>>)
      %dma_start3A_571 = arith.constant 3 : i32
      %dma_start3A_572 = arith.constant 384 : i32
      %dma_start3A_573 = arith.constant 0 : i32
      %dma_start3A_574 = tpu.memref_slice %arg11[%dma_start3A_572, %dma_start3A_573] : memref<512x16xf32, #tpu.memory_space<vmem>> -> memref<128x16xf32, #tpu.memory_space<vmem>>
      %dma_start3A_575 = arith.constant 0 : i32
      %dma_start3A_576 = tpu.memref_slice %arg7[%dma_start3A_571, %dma_start3A_575] : memref<4x128xi32, #tpu.memory_space<vmem>> -> memref<1x128xi32, #tpu.memory_space<vmem>>
      %dma_start3A_577 = tpu.memref_squeeze %dma_start3A_576 : memref<1x128xi32, #tpu.memory_space<vmem>> -> memref<128xi32, #tpu.memory_space<vmem>>
      %dma_start3A_578 = arith.constant 0 : i32
      %dma_start3A_579 = arith.constant 0 : i32
      %dma_start3A_580 = tpu.memref_slice %arg2[%dma_start3A_578, %dma_start3A_579] : memref<100000x16xf32, #tpu.memory_space<hbm>> -> memref<100000x16xf32, #tpu.memory_space<hbm>>
      tpu.enqueue_indirect_dma source(%dma_start3A_580 : memref<100000x16xf32, #tpu.memory_space<hbm>>) target(%dma_start3A_574 : memref<128x16xf32, #tpu.memory_space<vmem>>) offsets(%dma_start3A_577 : memref<128xi32, #tpu.memory_space<vmem>>) semaphore(%arg13 : memref<!tpu.dma_semaphore, #tpu.memory_space<semaphore_mem>>)
      %add3A_581 = arith.constant 8 : i32
      %add3A_582 = arith.addi %add3A_486, %add3A_581 : i32
      %min3A_583 = arith.constant 24996 : i32
      %min3A_584 = arith.minsi %add3A_582, %min3A_583 : i32
      %dma_start3A_585 = arith.constant 0 : i32
      %dma_start3A_586 = arith.constant 0 : i32
      %dma_start3A_587 = tpu.memref_slice %arg3[%dma_start3A_585, %min3A_584, %dma_start3A_586] : memref<2x25000x128xi32, #tpu.memory_space<hbm>> -> memref<1x4x128xi32, #tpu.memory_space<hbm>>
      %dma_start3A_588 = tpu.memref_squeeze %dma_start3A_587 : memref<1x4x128xi32, #tpu.memory_space<hbm>> -> memref<4x128xi32, #tpu.memory_space<hbm>>
      %dma_start3A_589 = arith.constant 0 : i32
      %dma_start3A_590 = tpu.memref_slice %arg3[%dma_start3A_585, %min3A_584, %dma_start3A_589] : memref<2x25000x128xi32, #tpu.memory_space<hbm>> -> memref<1x4x128xi32, #tpu.memory_space<hbm>>
      %dma_start3A_591 = tpu.memref_squeeze %dma_start3A_590 : memref<1x4x128xi32, #tpu.memory_space<hbm>> -> memref<4x128xi32, #tpu.memory_space<hbm>>
      tpu.enqueue_dma source(%dma_start3A_591 : memref<4x128xi32, #tpu.memory_space<hbm>>) target(%arg6 : memref<4x128xi32, #tpu.memory_space<vmem>>) target_semaphore(%arg14 : memref<!tpu.dma_semaphore, #tpu.memory_space<semaphore_mem>>)
      %add3A_592 = arith.constant 4 : i32
      %add3A_593 = arith.addi %add3A_486, %add3A_592 : i32
      %min3A_594 = arith.constant 24996 : i32
      %min3A_595 = arith.minsi %add3A_593, %min3A_594 : i32
      %dma_start3A_596 = arith.constant 1 : i32
      %dma_start3A_597 = arith.constant 0 : i32
      %dma_start3A_598 = tpu.memref_slice %arg3[%dma_start3A_596, %min3A_595, %dma_start3A_597] : memref<2x25000x128xi32, #tpu.memory_space<hbm>> -> memref<1x4x128xi32, #tpu.memory_space<hbm>>
      %dma_start3A_599 = tpu.memref_squeeze %dma_start3A_598 : memref<1x4x128xi32, #tpu.memory_space<hbm>> -> memref<4x128xi32, #tpu.memory_space<hbm>>
      %dma_start3A_600 = arith.constant 0 : i32
      %dma_start3A_601 = tpu.memref_slice %arg3[%dma_start3A_596, %min3A_595, %dma_start3A_600] : memref<2x25000x128xi32, #tpu.memory_space<hbm>> -> memref<1x4x128xi32, #tpu.memory_space<hbm>>
      %dma_start3A_602 = tpu.memref_squeeze %dma_start3A_601 : memref<1x4x128xi32, #tpu.memory_space<hbm>> -> memref<4x128xi32, #tpu.memory_space<hbm>>
      tpu.enqueue_dma source(%dma_start3A_602 : memref<4x128xi32, #tpu.memory_space<hbm>>) target(%arg9 : memref<4x128xi32, #tpu.memory_space<vmem>>) target_semaphore(%arg14 : memref<!tpu.dma_semaphore, #tpu.memory_space<semaphore_mem>>)
      %dma_start3A_603 = arith.constant 0 : i32
      %dma_start3A_604 = arith.constant 0 : i32
      %dma_start3A_605 = arith.constant 0 : i32
      %dma_start3A_606 = tpu.memref_slice %arg10[%dma_start3A_604, %dma_start3A_605] : memref<512x16xf32, #tpu.memory_space<vmem>> -> memref<128x16xf32, #tpu.memory_space<vmem>>
      %dma_start3A_607 = arith.constant 0 : i32
      %dma_start3A_608 = tpu.memref_slice %arg8[%dma_start3A_603, %dma_start3A_607] : memref<4x128xi32, #tpu.memory_space<vmem>> -> memref<1x128xi32, #tpu.memory_space<vmem>>
      %dma_start3A_609 = tpu.memref_squeeze %dma_start3A_608 : memref<1x128xi32, #tpu.memory_space<vmem>> -> memref<128xi32, #tpu.memory_space<vmem>>
      %dma_start3A_610 = arith.constant 0 : i32
      %dma_start3A_611 = arith.constant 0 : i32
      %dma_start3A_612 = tpu.memref_slice %arg5[%dma_start3A_610, %dma_start3A_611] : memref<112000x16xf32, #tpu.memory_space<vmem_shared>> -> memref<112000x16xf32, #tpu.memory_space<vmem_shared>>
      tpu.enqueue_indirect_dma source(%dma_start3A_606 : memref<128x16xf32, #tpu.memory_space<vmem>>) target(%dma_start3A_612 : memref<112000x16xf32, #tpu.memory_space<vmem_shared>>) offsets(%dma_start3A_609 : memref<128xi32, #tpu.memory_space<vmem>>) semaphore(%arg15 : memref<!tpu.dma_semaphore, #tpu.memory_space<semaphore_mem>>) {add = true}
      %dma_start3A_613 = arith.constant 1 : i32
      %dma_start3A_614 = arith.constant 128 : i32
      %dma_start3A_615 = arith.constant 0 : i32
      %dma_start3A_616 = tpu.memref_slice %arg10[%dma_start3A_614, %dma_start3A_615] : memref<512x16xf32, #tpu.memory_space<vmem>> -> memref<128x16xf32, #tpu.memory_space<vmem>>
      %dma_start3A_617 = arith.constant 0 : i32
      %dma_start3A_618 = tpu.memref_slice %arg8[%dma_start3A_613, %dma_start3A_617] : memref<4x128xi32, #tpu.memory_space<vmem>> -> memref<1x128xi32, #tpu.memory_space<vmem>>
      %dma_start3A_619 = tpu.memref_squeeze %dma_start3A_618 : memref<1x128xi32, #tpu.memory_space<vmem>> -> memref<128xi32, #tpu.memory_space<vmem>>
      %dma_start3A_620 = arith.constant 0 : i32
      %dma_start3A_621 = arith.constant 0 : i32
      %dma_start3A_622 = tpu.memref_slice %arg5[%dma_start3A_620, %dma_start3A_621] : memref<112000x16xf32, #tpu.memory_space<vmem_shared>> -> memref<112000x16xf32, #tpu.memory_space<vmem_shared>>
      tpu.enqueue_indirect_dma source(%dma_start3A_616 : memref<128x16xf32, #tpu.memory_space<vmem>>) target(%dma_start3A_622 : memref<112000x16xf32, #tpu.memory_space<vmem_shared>>) offsets(%dma_start3A_619 : memref<128xi32, #tpu.memory_space<vmem>>) semaphore(%arg15 : memref<!tpu.dma_semaphore, #tpu.memory_space<semaphore_mem>>) {add = true}
      %dma_start3A_623 = arith.constant 2 : i32
      %dma_start3A_624 = arith.constant 256 : i32
      %dma_start3A_625 = arith.constant 0 : i32
      %dma_start3A_626 = tpu.memref_slice %arg10[%dma_start3A_624, %dma_start3A_625] : memref<512x16xf32, #tpu.memory_space<vmem>> -> memref<128x16xf32, #tpu.memory_space<vmem>>
      %dma_start3A_627 = arith.constant 0 : i32
      %dma_start3A_628 = tpu.memref_slice %arg8[%dma_start3A_623, %dma_start3A_627] : memref<4x128xi32, #tpu.memory_space<vmem>> -> memref<1x128xi32, #tpu.memory_space<vmem>>
      %dma_start3A_629 = tpu.memref_squeeze %dma_start3A_628 : memref<1x128xi32, #tpu.memory_space<vmem>> -> memref<128xi32, #tpu.memory_space<vmem>>
      %dma_start3A_630 = arith.constant 0 : i32
      %dma_start3A_631 = arith.constant 0 : i32
      %dma_start3A_632 = tpu.memref_slice %arg5[%dma_start3A_630, %dma_start3A_631] : memref<112000x16xf32, #tpu.memory_space<vmem_shared>> -> memref<112000x16xf32, #tpu.memory_space<vmem_shared>>
      tpu.enqueue_indirect_dma source(%dma_start3A_626 : memref<128x16xf32, #tpu.memory_space<vmem>>) target(%dma_start3A_632 : memref<112000x16xf32, #tpu.memory_space<vmem_shared>>) offsets(%dma_start3A_629 : memref<128xi32, #tpu.memory_space<vmem>>) semaphore(%arg15 : memref<!tpu.dma_semaphore, #tpu.memory_space<semaphore_mem>>) {add = true}
      %dma_start3A_633 = arith.constant 3 : i32
      %dma_start3A_634 = arith.constant 384 : i32
      %dma_start3A_635 = arith.constant 0 : i32
      %dma_start3A_636 = tpu.memref_slice %arg10[%dma_start3A_634, %dma_start3A_635] : memref<512x16xf32, #tpu.memory_space<vmem>> -> memref<128x16xf32, #tpu.memory_space<vmem>>
      %dma_start3A_637 = arith.constant 0 : i32
      %dma_start3A_638 = tpu.memref_slice %arg8[%dma_start3A_633, %dma_start3A_637] : memref<4x128xi32, #tpu.memory_space<vmem>> -> memref<1x128xi32, #tpu.memory_space<vmem>>
      %dma_start3A_639 = tpu.memref_squeeze %dma_start3A_638 : memref<1x128xi32, #tpu.memory_space<vmem>> -> memref<128xi32, #tpu.memory_space<vmem>>
      %dma_start3A_640 = arith.constant 0 : i32
      %dma_start3A_641 = arith.constant 0 : i32
      %dma_start3A_642 = tpu.memref_slice %arg5[%dma_start3A_640, %dma_start3A_641] : memref<112000x16xf32, #tpu.memory_space<vmem_shared>> -> memref<112000x16xf32, #tpu.memory_space<vmem_shared>>
      tpu.enqueue_indirect_dma source(%dma_start3A_636 : memref<128x16xf32, #tpu.memory_space<vmem>>) target(%dma_start3A_642 : memref<112000x16xf32, #tpu.memory_space<vmem_shared>>) offsets(%dma_start3A_639 : memref<128xi32, #tpu.memory_space<vmem>>) semaphore(%arg15 : memref<!tpu.dma_semaphore, #tpu.memory_space<semaphore_mem>>) {add = true}
      %dma_wait3A_643 = arith.constant 0 : i32
      %dma_wait3A_644 = arith.constant 0 : i32
      %dma_wait3A_645 = arith.constant 0 : i32
      %dma_wait3A_646 = tpu.memref_slice %arg10[%dma_wait3A_644, %dma_wait3A_645] : memref<512x16xf32, #tpu.memory_space<vmem>> -> memref<128x16xf32, #tpu.memory_space<vmem>>
      %dma_wait3A_647 = arith.constant 0 : i32
      %dma_wait3A_648 = tpu.memref_slice %arg8[%dma_wait3A_643, %dma_wait3A_647] : memref<4x128xi32, #tpu.memory_space<vmem>> -> memref<1x128xi32, #tpu.memory_space<vmem>>
      %dma_wait3A_649 = tpu.memref_squeeze %dma_wait3A_648 : memref<1x128xi32, #tpu.memory_space<vmem>> -> memref<128xi32, #tpu.memory_space<vmem>>
      %dma_wait3A_650 = arith.constant 0 : i32
      %dma_wait3A_651 = arith.constant 0 : i32
      %dma_wait3A_652 = tpu.memref_slice %arg5[%dma_wait3A_650, %dma_wait3A_651] : memref<112000x16xf32, #tpu.memory_space<vmem_shared>> -> memref<112000x16xf32, #tpu.memory_space<vmem_shared>>
      tpu.wait_indirect_dma semaphore(%arg15 : memref<!tpu.dma_semaphore, #tpu.memory_space<semaphore_mem>>) src(%dma_wait3A_646 : memref<128x16xf32, #tpu.memory_space<vmem>>) dst(%dma_wait3A_652 : memref<112000x16xf32, #tpu.memory_space<vmem_shared>>)
      %dma_wait3A_653 = arith.constant 1 : i32
      %dma_wait3A_654 = arith.constant 128 : i32
      %dma_wait3A_655 = arith.constant 0 : i32
      %dma_wait3A_656 = tpu.memref_slice %arg10[%dma_wait3A_654, %dma_wait3A_655] : memref<512x16xf32, #tpu.memory_space<vmem>> -> memref<128x16xf32, #tpu.memory_space<vmem>>
      %dma_wait3A_657 = arith.constant 0 : i32
      %dma_wait3A_658 = tpu.memref_slice %arg8[%dma_wait3A_653, %dma_wait3A_657] : memref<4x128xi32, #tpu.memory_space<vmem>> -> memref<1x128xi32, #tpu.memory_space<vmem>>
      %dma_wait3A_659 = tpu.memref_squeeze %dma_wait3A_658 : memref<1x128xi32, #tpu.memory_space<vmem>> -> memref<128xi32, #tpu.memory_space<vmem>>
      %dma_wait3A_660 = arith.constant 0 : i32
      %dma_wait3A_661 = arith.constant 0 : i32
      %dma_wait3A_662 = tpu.memref_slice %arg5[%dma_wait3A_660, %dma_wait3A_661] : memref<112000x16xf32, #tpu.memory_space<vmem_shared>> -> memref<112000x16xf32, #tpu.memory_space<vmem_shared>>
      tpu.wait_indirect_dma semaphore(%arg15 : memref<!tpu.dma_semaphore, #tpu.memory_space<semaphore_mem>>) src(%dma_wait3A_656 : memref<128x16xf32, #tpu.memory_space<vmem>>) dst(%dma_wait3A_662 : memref<112000x16xf32, #tpu.memory_space<vmem_shared>>)
      %dma_wait3A_663 = arith.constant 2 : i32
      %dma_wait3A_664 = arith.constant 256 : i32
      %dma_wait3A_665 = arith.constant 0 : i32
      %dma_wait3A_666 = tpu.memref_slice %arg10[%dma_wait3A_664, %dma_wait3A_665] : memref<512x16xf32, #tpu.memory_space<vmem>> -> memref<128x16xf32, #tpu.memory_space<vmem>>
      %dma_wait3A_667 = arith.constant 0 : i32
      %dma_wait3A_668 = tpu.memref_slice %arg8[%dma_wait3A_663, %dma_wait3A_667] : memref<4x128xi32, #tpu.memory_space<vmem>> -> memref<1x128xi32, #tpu.memory_space<vmem>>
      %dma_wait3A_669 = tpu.memref_squeeze %dma_wait3A_668 : memref<1x128xi32, #tpu.memory_space<vmem>> -> memref<128xi32, #tpu.memory_space<vmem>>
      %dma_wait3A_670 = arith.constant 0 : i32
      %dma_wait3A_671 = arith.constant 0 : i32
      %dma_wait3A_672 = tpu.memref_slice %arg5[%dma_wait3A_670, %dma_wait3A_671] : memref<112000x16xf32, #tpu.memory_space<vmem_shared>> -> memref<112000x16xf32, #tpu.memory_space<vmem_shared>>
      tpu.wait_indirect_dma semaphore(%arg15 : memref<!tpu.dma_semaphore, #tpu.memory_space<semaphore_mem>>) src(%dma_wait3A_666 : memref<128x16xf32, #tpu.memory_space<vmem>>) dst(%dma_wait3A_672 : memref<112000x16xf32, #tpu.memory_space<vmem_shared>>)
      %dma_wait3A_673 = arith.constant 3 : i32
      %dma_wait3A_674 = arith.constant 384 : i32
      %dma_wait3A_675 = arith.constant 0 : i32
      %dma_wait3A_676 = tpu.memref_slice %arg10[%dma_wait3A_674, %dma_wait3A_675] : memref<512x16xf32, #tpu.memory_space<vmem>> -> memref<128x16xf32, #tpu.memory_space<vmem>>
      %dma_wait3A_677 = arith.constant 0 : i32
      %dma_wait3A_678 = tpu.memref_slice %arg8[%dma_wait3A_673, %dma_wait3A_677] : memref<4x128xi32, #tpu.memory_space<vmem>> -> memref<1x128xi32, #tpu.memory_space<vmem>>
      %dma_wait3A_679 = tpu.memref_squeeze %dma_wait3A_678 : memref<1x128xi32, #tpu.memory_space<vmem>> -> memref<128xi32, #tpu.memory_space<vmem>>
      %dma_wait3A_680 = arith.constant 0 : i32
      %dma_wait3A_681 = arith.constant 0 : i32
      %dma_wait3A_682 = tpu.memref_slice %arg5[%dma_wait3A_680, %dma_wait3A_681] : memref<112000x16xf32, #tpu.memory_space<vmem_shared>> -> memref<112000x16xf32, #tpu.memory_space<vmem_shared>>
      tpu.wait_indirect_dma semaphore(%arg15 : memref<!tpu.dma_semaphore, #tpu.memory_space<semaphore_mem>>) src(%dma_wait3A_676 : memref<128x16xf32, #tpu.memory_space<vmem>>) dst(%dma_wait3A_682 : memref<112000x16xf32, #tpu.memory_space<vmem_shared>>)
      %mul3A_683 = arith.constant 2 : i32
      %mul3A_684 = arith.muli %while3A_479, %mul3A_683 : i32
      %add3A_685 = arith.constant 1 : i32
      %add3A_686 = arith.addi %mul3A_684, %add3A_685 : i32
      %mul3A_687 = arith.constant 4 : i32
      %mul3A_688 = arith.muli %add3A_686, %mul3A_687 : i32
      %add3A_689 = arith.addi %mul3A_353, %mul3A_688 : i32
      %dma_wait3A_690 = arith.constant 0 : i32
      %dma_wait3A_691 = arith.constant 0 : i32
      %dma_wait3A_692 = arith.constant 0 : i32
      %dma_wait3A_693 = tpu.memref_slice %arg11[%dma_wait3A_691, %dma_wait3A_692] : memref<512x16xf32, #tpu.memory_space<vmem>> -> memref<128x16xf32, #tpu.memory_space<vmem>>
      %dma_wait3A_694 = arith.constant 0 : i32
      %dma_wait3A_695 = tpu.memref_slice %arg7[%dma_wait3A_690, %dma_wait3A_694] : memref<4x128xi32, #tpu.memory_space<vmem>> -> memref<1x128xi32, #tpu.memory_space<vmem>>
      %dma_wait3A_696 = tpu.memref_squeeze %dma_wait3A_695 : memref<1x128xi32, #tpu.memory_space<vmem>> -> memref<128xi32, #tpu.memory_space<vmem>>
      %dma_wait3A_697 = arith.constant 0 : i32
      %dma_wait3A_698 = arith.constant 0 : i32
      %dma_wait3A_699 = tpu.memref_slice %arg2[%dma_wait3A_697, %dma_wait3A_698] : memref<100000x16xf32, #tpu.memory_space<hbm>> -> memref<100000x16xf32, #tpu.memory_space<hbm>>
      tpu.wait_indirect_dma semaphore(%arg13 : memref<!tpu.dma_semaphore, #tpu.memory_space<semaphore_mem>>) src(%dma_wait3A_699 : memref<100000x16xf32, #tpu.memory_space<hbm>>) dst(%dma_wait3A_693 : memref<128x16xf32, #tpu.memory_space<vmem>>)
      %dma_wait3A_700 = arith.constant 1 : i32
      %dma_wait3A_701 = arith.constant 128 : i32
      %dma_wait3A_702 = arith.constant 0 : i32
      %dma_wait3A_703 = tpu.memref_slice %arg11[%dma_wait3A_701, %dma_wait3A_702] : memref<512x16xf32, #tpu.memory_space<vmem>> -> memref<128x16xf32, #tpu.memory_space<vmem>>
      %dma_wait3A_704 = arith.constant 0 : i32
      %dma_wait3A_705 = tpu.memref_slice %arg7[%dma_wait3A_700, %dma_wait3A_704] : memref<4x128xi32, #tpu.memory_space<vmem>> -> memref<1x128xi32, #tpu.memory_space<vmem>>
      %dma_wait3A_706 = tpu.memref_squeeze %dma_wait3A_705 : memref<1x128xi32, #tpu.memory_space<vmem>> -> memref<128xi32, #tpu.memory_space<vmem>>
      %dma_wait3A_707 = arith.constant 0 : i32
      %dma_wait3A_708 = arith.constant 0 : i32
      %dma_wait3A_709 = tpu.memref_slice %arg2[%dma_wait3A_707, %dma_wait3A_708] : memref<100000x16xf32, #tpu.memory_space<hbm>> -> memref<100000x16xf32, #tpu.memory_space<hbm>>
      tpu.wait_indirect_dma semaphore(%arg13 : memref<!tpu.dma_semaphore, #tpu.memory_space<semaphore_mem>>) src(%dma_wait3A_709 : memref<100000x16xf32, #tpu.memory_space<hbm>>) dst(%dma_wait3A_703 : memref<128x16xf32, #tpu.memory_space<vmem>>)
      %dma_wait3A_710 = arith.constant 2 : i32
      %dma_wait3A_711 = arith.constant 256 : i32
      %dma_wait3A_712 = arith.constant 0 : i32
      %dma_wait3A_713 = tpu.memref_slice %arg11[%dma_wait3A_711, %dma_wait3A_712] : memref<512x16xf32, #tpu.memory_space<vmem>> -> memref<128x16xf32, #tpu.memory_space<vmem>>
      %dma_wait3A_714 = arith.constant 0 : i32
      %dma_wait3A_715 = tpu.memref_slice %arg7[%dma_wait3A_710, %dma_wait3A_714] : memref<4x128xi32, #tpu.memory_space<vmem>> -> memref<1x128xi32, #tpu.memory_space<vmem>>
      %dma_wait3A_716 = tpu.memref_squeeze %dma_wait3A_715 : memref<1x128xi32, #tpu.memory_space<vmem>> -> memref<128xi32, #tpu.memory_space<vmem>>
      %dma_wait3A_717 = arith.constant 0 : i32
      %dma_wait3A_718 = arith.constant 0 : i32
      %dma_wait3A_719 = tpu.memref_slice %arg2[%dma_wait3A_717, %dma_wait3A_718] : memref<100000x16xf32, #tpu.memory_space<hbm>> -> memref<100000x16xf32, #tpu.memory_space<hbm>>
      tpu.wait_indirect_dma semaphore(%arg13 : memref<!tpu.dma_semaphore, #tpu.memory_space<semaphore_mem>>) src(%dma_wait3A_719 : memref<100000x16xf32, #tpu.memory_space<hbm>>) dst(%dma_wait3A_713 : memref<128x16xf32, #tpu.memory_space<vmem>>)
      %dma_wait3A_720 = arith.constant 3 : i32
      %dma_wait3A_721 = arith.constant 384 : i32
      %dma_wait3A_722 = arith.constant 0 : i32
      %dma_wait3A_723 = tpu.memref_slice %arg11[%dma_wait3A_721, %dma_wait3A_722] : memref<512x16xf32, #tpu.memory_space<vmem>> -> memref<128x16xf32, #tpu.memory_space<vmem>>
      %dma_wait3A_724 = arith.constant 0 : i32
      %dma_wait3A_725 = tpu.memref_slice %arg7[%dma_wait3A_720, %dma_wait3A_724] : memref<4x128xi32, #tpu.memory_space<vmem>> -> memref<1x128xi32, #tpu.memory_space<vmem>>
      %dma_wait3A_726 = tpu.memref_squeeze %dma_wait3A_725 : memref<1x128xi32, #tpu.memory_space<vmem>> -> memref<128xi32, #tpu.memory_space<vmem>>
      %dma_wait3A_727 = arith.constant 0 : i32
      %dma_wait3A_728 = arith.constant 0 : i32
      %dma_wait3A_729 = tpu.memref_slice %arg2[%dma_wait3A_727, %dma_wait3A_728] : memref<100000x16xf32, #tpu.memory_space<hbm>> -> memref<100000x16xf32, #tpu.memory_space<hbm>>
      tpu.wait_indirect_dma semaphore(%arg13 : memref<!tpu.dma_semaphore, #tpu.memory_space<semaphore_mem>>) src(%dma_wait3A_729 : memref<100000x16xf32, #tpu.memory_space<hbm>>) dst(%dma_wait3A_723 : memref<128x16xf32, #tpu.memory_space<vmem>>)
      %dma_wait3A_730 = arith.constant 0 : i32
      %dma_wait3A_731 = arith.constant 0 : i32
      %dma_wait3A_732 = tpu.memref_slice %arg3[%dma_wait3A_730, %add3A_689, %dma_wait3A_731] : memref<2x25000x128xi32, #tpu.memory_space<hbm>> -> memref<1x4x128xi32, #tpu.memory_space<hbm>>
      %dma_wait3A_733 = tpu.memref_squeeze %dma_wait3A_732 : memref<1x4x128xi32, #tpu.memory_space<hbm>> -> memref<4x128xi32, #tpu.memory_space<hbm>>
      %dma_wait3A_734 = arith.constant 0 : i32
      %dma_wait3A_735 = tpu.memref_slice %arg3[%dma_wait3A_730, %add3A_689, %dma_wait3A_734] : memref<2x25000x128xi32, #tpu.memory_space<hbm>> -> memref<1x4x128xi32, #tpu.memory_space<hbm>>
      %dma_wait3A_736 = tpu.memref_squeeze %dma_wait3A_735 : memref<1x4x128xi32, #tpu.memory_space<hbm>> -> memref<4x128xi32, #tpu.memory_space<hbm>>
      tpu.wait_dma2 semaphore(%arg14 : memref<!tpu.dma_semaphore, #tpu.memory_space<semaphore_mem>>) src(%dma_wait3A_736 : memref<4x128xi32, #tpu.memory_space<hbm>>) dst(%arg6 : memref<4x128xi32, #tpu.memory_space<vmem>>)
      %dma_wait3A_737 = arith.constant 1 : i32
      %dma_wait3A_738 = arith.constant 0 : i32
      %dma_wait3A_739 = tpu.memref_slice %arg3[%dma_wait3A_737, %add3A_689, %dma_wait3A_738] : memref<2x25000x128xi32, #tpu.memory_space<hbm>> -> memref<1x4x128xi32, #tpu.memory_space<hbm>>
      %dma_wait3A_740 = tpu.memref_squeeze %dma_wait3A_739 : memref<1x4x128xi32, #tpu.memory_space<hbm>> -> memref<4x128xi32, #tpu.memory_space<hbm>>
      %dma_wait3A_741 = arith.constant 0 : i32
      %dma_wait3A_742 = tpu.memref_slice %arg3[%dma_wait3A_737, %add3A_689, %dma_wait3A_741] : memref<2x25000x128xi32, #tpu.memory_space<hbm>> -> memref<1x4x128xi32, #tpu.memory_space<hbm>>
      %dma_wait3A_743 = tpu.memref_squeeze %dma_wait3A_742 : memref<1x4x128xi32, #tpu.memory_space<hbm>> -> memref<4x128xi32, #tpu.memory_space<hbm>>
      tpu.wait_dma2 semaphore(%arg14 : memref<!tpu.dma_semaphore, #tpu.memory_space<semaphore_mem>>) src(%dma_wait3A_743 : memref<4x128xi32, #tpu.memory_space<hbm>>) dst(%arg9 : memref<4x128xi32, #tpu.memory_space<vmem>>)
      %dma_start3A_744 = arith.constant 0 : i32
      %dma_start3A_745 = arith.constant 0 : i32
      %dma_start3A_746 = arith.constant 0 : i32
      %dma_start3A_747 = tpu.memref_slice %arg10[%dma_start3A_745, %dma_start3A_746] : memref<512x16xf32, #tpu.memory_space<vmem>> -> memref<128x16xf32, #tpu.memory_space<vmem>>
      %dma_start3A_748 = arith.constant 0 : i32
      %dma_start3A_749 = tpu.memref_slice %arg6[%dma_start3A_744, %dma_start3A_748] : memref<4x128xi32, #tpu.memory_space<vmem>> -> memref<1x128xi32, #tpu.memory_space<vmem>>
      %dma_start3A_750 = tpu.memref_squeeze %dma_start3A_749 : memref<1x128xi32, #tpu.memory_space<vmem>> -> memref<128xi32, #tpu.memory_space<vmem>>
      %dma_start3A_751 = arith.constant 0 : i32
      %dma_start3A_752 = arith.constant 0 : i32
      %dma_start3A_753 = tpu.memref_slice %arg2[%dma_start3A_751, %dma_start3A_752] : memref<100000x16xf32, #tpu.memory_space<hbm>> -> memref<100000x16xf32, #tpu.memory_space<hbm>>
      tpu.enqueue_indirect_dma source(%dma_start3A_753 : memref<100000x16xf32, #tpu.memory_space<hbm>>) target(%dma_start3A_747 : memref<128x16xf32, #tpu.memory_space<vmem>>) offsets(%dma_start3A_750 : memref<128xi32, #tpu.memory_space<vmem>>) semaphore(%arg12 : memref<!tpu.dma_semaphore, #tpu.memory_space<semaphore_mem>>)
      %dma_start3A_754 = arith.constant 1 : i32
      %dma_start3A_755 = arith.constant 128 : i32
      %dma_start3A_756 = arith.constant 0 : i32
      %dma_start3A_757 = tpu.memref_slice %arg10[%dma_start3A_755, %dma_start3A_756] : memref<512x16xf32, #tpu.memory_space<vmem>> -> memref<128x16xf32, #tpu.memory_space<vmem>>
      %dma_start3A_758 = arith.constant 0 : i32
      %dma_start3A_759 = tpu.memref_slice %arg6[%dma_start3A_754, %dma_start3A_758] : memref<4x128xi32, #tpu.memory_space<vmem>> -> memref<1x128xi32, #tpu.memory_space<vmem>>
      %dma_start3A_760 = tpu.memref_squeeze %dma_start3A_759 : memref<1x128xi32, #tpu.memory_space<vmem>> -> memref<128xi32, #tpu.memory_space<vmem>>
      %dma_start3A_761 = arith.constant 0 : i32
      %dma_start3A_762 = arith.constant 0 : i32
      %dma_start3A_763 = tpu.memref_slice %arg2[%dma_start3A_761, %dma_start3A_762] : memref<100000x16xf32, #tpu.memory_space<hbm>> -> memref<100000x16xf32, #tpu.memory_space<hbm>>
      tpu.enqueue_indirect_dma source(%dma_start3A_763 : memref<100000x16xf32, #tpu.memory_space<hbm>>) target(%dma_start3A_757 : memref<128x16xf32, #tpu.memory_space<vmem>>) offsets(%dma_start3A_760 : memref<128xi32, #tpu.memory_space<vmem>>) semaphore(%arg12 : memref<!tpu.dma_semaphore, #tpu.memory_space<semaphore_mem>>)
      %dma_start3A_764 = arith.constant 2 : i32
      %dma_start3A_765 = arith.constant 256 : i32
      %dma_start3A_766 = arith.constant 0 : i32
      %dma_start3A_767 = tpu.memref_slice %arg10[%dma_start3A_765, %dma_start3A_766] : memref<512x16xf32, #tpu.memory_space<vmem>> -> memref<128x16xf32, #tpu.memory_space<vmem>>
      %dma_start3A_768 = arith.constant 0 : i32
      %dma_start3A_769 = tpu.memref_slice %arg6[%dma_start3A_764, %dma_start3A_768] : memref<4x128xi32, #tpu.memory_space<vmem>> -> memref<1x128xi32, #tpu.memory_space<vmem>>
      %dma_start3A_770 = tpu.memref_squeeze %dma_start3A_769 : memref<1x128xi32, #tpu.memory_space<vmem>> -> memref<128xi32, #tpu.memory_space<vmem>>
      %dma_start3A_771 = arith.constant 0 : i32
      %dma_start3A_772 = arith.constant 0 : i32
      %dma_start3A_773 = tpu.memref_slice %arg2[%dma_start3A_771, %dma_start3A_772] : memref<100000x16xf32, #tpu.memory_space<hbm>> -> memref<100000x16xf32, #tpu.memory_space<hbm>>
      tpu.enqueue_indirect_dma source(%dma_start3A_773 : memref<100000x16xf32, #tpu.memory_space<hbm>>) target(%dma_start3A_767 : memref<128x16xf32, #tpu.memory_space<vmem>>) offsets(%dma_start3A_770 : memref<128xi32, #tpu.memory_space<vmem>>) semaphore(%arg12 : memref<!tpu.dma_semaphore, #tpu.memory_space<semaphore_mem>>)
      %dma_start3A_774 = arith.constant 3 : i32
      %dma_start3A_775 = arith.constant 384 : i32
      %dma_start3A_776 = arith.constant 0 : i32
      %dma_start3A_777 = tpu.memref_slice %arg10[%dma_start3A_775, %dma_start3A_776] : memref<512x16xf32, #tpu.memory_space<vmem>> -> memref<128x16xf32, #tpu.memory_space<vmem>>
      %dma_start3A_778 = arith.constant 0 : i32
      %dma_start3A_779 = tpu.memref_slice %arg6[%dma_start3A_774, %dma_start3A_778] : memref<4x128xi32, #tpu.memory_space<vmem>> -> memref<1x128xi32, #tpu.memory_space<vmem>>
      %dma_start3A_780 = tpu.memref_squeeze %dma_start3A_779 : memref<1x128xi32, #tpu.memory_space<vmem>> -> memref<128xi32, #tpu.memory_space<vmem>>
      %dma_start3A_781 = arith.constant 0 : i32
      %dma_start3A_782 = arith.constant 0 : i32
      %dma_start3A_783 = tpu.memref_slice %arg2[%dma_start3A_781, %dma_start3A_782] : memref<100000x16xf32, #tpu.memory_space<hbm>> -> memref<100000x16xf32, #tpu.memory_space<hbm>>
      tpu.enqueue_indirect_dma source(%dma_start3A_783 : memref<100000x16xf32, #tpu.memory_space<hbm>>) target(%dma_start3A_777 : memref<128x16xf32, #tpu.memory_space<vmem>>) offsets(%dma_start3A_780 : memref<128xi32, #tpu.memory_space<vmem>>) semaphore(%arg12 : memref<!tpu.dma_semaphore, #tpu.memory_space<semaphore_mem>>)
      %add3A_784 = arith.constant 8 : i32
      %add3A_785 = arith.addi %add3A_689, %add3A_784 : i32
      %min3A_786 = arith.constant 24996 : i32
      %min3A_787 = arith.minsi %add3A_785, %min3A_786 : i32
      %dma_start3A_788 = arith.constant 0 : i32
      %dma_start3A_789 = arith.constant 0 : i32
      %dma_start3A_790 = tpu.memref_slice %arg3[%dma_start3A_788, %min3A_787, %dma_start3A_789] : memref<2x25000x128xi32, #tpu.memory_space<hbm>> -> memref<1x4x128xi32, #tpu.memory_space<hbm>>
      %dma_start3A_791 = tpu.memref_squeeze %dma_start3A_790 : memref<1x4x128xi32, #tpu.memory_space<hbm>> -> memref<4x128xi32, #tpu.memory_space<hbm>>
      %dma_start3A_792 = arith.constant 0 : i32
      %dma_start3A_793 = tpu.memref_slice %arg3[%dma_start3A_788, %min3A_787, %dma_start3A_792] : memref<2x25000x128xi32, #tpu.memory_space<hbm>> -> memref<1x4x128xi32, #tpu.memory_space<hbm>>
      %dma_start3A_794 = tpu.memref_squeeze %dma_start3A_793 : memref<1x4x128xi32, #tpu.memory_space<hbm>> -> memref<4x128xi32, #tpu.memory_space<hbm>>
      tpu.enqueue_dma source(%dma_start3A_794 : memref<4x128xi32, #tpu.memory_space<hbm>>) target(%arg7 : memref<4x128xi32, #tpu.memory_space<vmem>>) target_semaphore(%arg14 : memref<!tpu.dma_semaphore, #tpu.memory_space<semaphore_mem>>)
      %add3A_795 = arith.constant 4 : i32
      %add3A_796 = arith.addi %add3A_689, %add3A_795 : i32
      %min3A_797 = arith.constant 24996 : i32
      %min3A_798 = arith.minsi %add3A_796, %min3A_797 : i32
      %dma_start3A_799 = arith.constant 1 : i32
      %dma_start3A_800 = arith.constant 0 : i32
      %dma_start3A_801 = tpu.memref_slice %arg3[%dma_start3A_799, %min3A_798, %dma_start3A_800] : memref<2x25000x128xi32, #tpu.memory_space<hbm>> -> memref<1x4x128xi32, #tpu.memory_space<hbm>>
      %dma_start3A_802 = tpu.memref_squeeze %dma_start3A_801 : memref<1x4x128xi32, #tpu.memory_space<hbm>> -> memref<4x128xi32, #tpu.memory_space<hbm>>
      %dma_start3A_803 = arith.constant 0 : i32
      %dma_start3A_804 = tpu.memref_slice %arg3[%dma_start3A_799, %min3A_798, %dma_start3A_803] : memref<2x25000x128xi32, #tpu.memory_space<hbm>> -> memref<1x4x128xi32, #tpu.memory_space<hbm>>
      %dma_start3A_805 = tpu.memref_squeeze %dma_start3A_804 : memref<1x4x128xi32, #tpu.memory_space<hbm>> -> memref<4x128xi32, #tpu.memory_space<hbm>>
      tpu.enqueue_dma source(%dma_start3A_805 : memref<4x128xi32, #tpu.memory_space<hbm>>) target(%arg8 : memref<4x128xi32, #tpu.memory_space<vmem>>) target_semaphore(%arg14 : memref<!tpu.dma_semaphore, #tpu.memory_space<semaphore_mem>>)
      %dma_start3A_806 = arith.constant 0 : i32
      %dma_start3A_807 = arith.constant 0 : i32
      %dma_start3A_808 = arith.constant 0 : i32
      %dma_start3A_809 = tpu.memref_slice %arg11[%dma_start3A_807, %dma_start3A_808] : memref<512x16xf32, #tpu.memory_space<vmem>> -> memref<128x16xf32, #tpu.memory_space<vmem>>
      %dma_start3A_810 = arith.constant 0 : i32
      %dma_start3A_811 = tpu.memref_slice %arg9[%dma_start3A_806, %dma_start3A_810] : memref<4x128xi32, #tpu.memory_space<vmem>> -> memref<1x128xi32, #tpu.memory_space<vmem>>
      %dma_start3A_812 = tpu.memref_squeeze %dma_start3A_811 : memref<1x128xi32, #tpu.memory_space<vmem>> -> memref<128xi32, #tpu.memory_space<vmem>>
      %dma_start3A_813 = arith.constant 0 : i32
      %dma_start3A_814 = arith.constant 0 : i32
      %dma_start3A_815 = tpu.memref_slice %arg5[%dma_start3A_813, %dma_start3A_814] : memref<112000x16xf32, #tpu.memory_space<vmem_shared>> -> memref<112000x16xf32, #tpu.memory_space<vmem_shared>>
      tpu.enqueue_indirect_dma source(%dma_start3A_809 : memref<128x16xf32, #tpu.memory_space<vmem>>) target(%dma_start3A_815 : memref<112000x16xf32, #tpu.memory_space<vmem_shared>>) offsets(%dma_start3A_812 : memref<128xi32, #tpu.memory_space<vmem>>) semaphore(%arg15 : memref<!tpu.dma_semaphore, #tpu.memory_space<semaphore_mem>>) {add = true}
      %dma_start3A_816 = arith.constant 1 : i32
      %dma_start3A_817 = arith.constant 128 : i32
      %dma_start3A_818 = arith.constant 0 : i32
      %dma_start3A_819 = tpu.memref_slice %arg11[%dma_start3A_817, %dma_start3A_818] : memref<512x16xf32, #tpu.memory_space<vmem>> -> memref<128x16xf32, #tpu.memory_space<vmem>>
      %dma_start3A_820 = arith.constant 0 : i32
      %dma_start3A_821 = tpu.memref_slice %arg9[%dma_start3A_816, %dma_start3A_820] : memref<4x128xi32, #tpu.memory_space<vmem>> -> memref<1x128xi32, #tpu.memory_space<vmem>>
      %dma_start3A_822 = tpu.memref_squeeze %dma_start3A_821 : memref<1x128xi32, #tpu.memory_space<vmem>> -> memref<128xi32, #tpu.memory_space<vmem>>
      %dma_start3A_823 = arith.constant 0 : i32
      %dma_start3A_824 = arith.constant 0 : i32
      %dma_start3A_825 = tpu.memref_slice %arg5[%dma_start3A_823, %dma_start3A_824] : memref<112000x16xf32, #tpu.memory_space<vmem_shared>> -> memref<112000x16xf32, #tpu.memory_space<vmem_shared>>
      tpu.enqueue_indirect_dma source(%dma_start3A_819 : memref<128x16xf32, #tpu.memory_space<vmem>>) target(%dma_start3A_825 : memref<112000x16xf32, #tpu.memory_space<vmem_shared>>) offsets(%dma_start3A_822 : memref<128xi32, #tpu.memory_space<vmem>>) semaphore(%arg15 : memref<!tpu.dma_semaphore, #tpu.memory_space<semaphore_mem>>) {add = true}
      %dma_start3A_826 = arith.constant 2 : i32
      %dma_start3A_827 = arith.constant 256 : i32
      %dma_start3A_828 = arith.constant 0 : i32
      %dma_start3A_829 = tpu.memref_slice %arg11[%dma_start3A_827, %dma_start3A_828] : memref<512x16xf32, #tpu.memory_space<vmem>> -> memref<128x16xf32, #tpu.memory_space<vmem>>
      %dma_start3A_830 = arith.constant 0 : i32
      %dma_start3A_831 = tpu.memref_slice %arg9[%dma_start3A_826, %dma_start3A_830] : memref<4x128xi32, #tpu.memory_space<vmem>> -> memref<1x128xi32, #tpu.memory_space<vmem>>
      %dma_start3A_832 = tpu.memref_squeeze %dma_start3A_831 : memref<1x128xi32, #tpu.memory_space<vmem>> -> memref<128xi32, #tpu.memory_space<vmem>>
      %dma_start3A_833 = arith.constant 0 : i32
      %dma_start3A_834 = arith.constant 0 : i32
      %dma_start3A_835 = tpu.memref_slice %arg5[%dma_start3A_833, %dma_start3A_834] : memref<112000x16xf32, #tpu.memory_space<vmem_shared>> -> memref<112000x16xf32, #tpu.memory_space<vmem_shared>>
      tpu.enqueue_indirect_dma source(%dma_start3A_829 : memref<128x16xf32, #tpu.memory_space<vmem>>) target(%dma_start3A_835 : memref<112000x16xf32, #tpu.memory_space<vmem_shared>>) offsets(%dma_start3A_832 : memref<128xi32, #tpu.memory_space<vmem>>) semaphore(%arg15 : memref<!tpu.dma_semaphore, #tpu.memory_space<semaphore_mem>>) {add = true}
      %dma_start3A_836 = arith.constant 3 : i32
      %dma_start3A_837 = arith.constant 384 : i32
      %dma_start3A_838 = arith.constant 0 : i32
      %dma_start3A_839 = tpu.memref_slice %arg11[%dma_start3A_837, %dma_start3A_838] : memref<512x16xf32, #tpu.memory_space<vmem>> -> memref<128x16xf32, #tpu.memory_space<vmem>>
      %dma_start3A_840 = arith.constant 0 : i32
      %dma_start3A_841 = tpu.memref_slice %arg9[%dma_start3A_836, %dma_start3A_840] : memref<4x128xi32, #tpu.memory_space<vmem>> -> memref<1x128xi32, #tpu.memory_space<vmem>>
      %dma_start3A_842 = tpu.memref_squeeze %dma_start3A_841 : memref<1x128xi32, #tpu.memory_space<vmem>> -> memref<128xi32, #tpu.memory_space<vmem>>
      %dma_start3A_843 = arith.constant 0 : i32
      %dma_start3A_844 = arith.constant 0 : i32
      %dma_start3A_845 = tpu.memref_slice %arg5[%dma_start3A_843, %dma_start3A_844] : memref<112000x16xf32, #tpu.memory_space<vmem_shared>> -> memref<112000x16xf32, #tpu.memory_space<vmem_shared>>
      tpu.enqueue_indirect_dma source(%dma_start3A_839 : memref<128x16xf32, #tpu.memory_space<vmem>>) target(%dma_start3A_845 : memref<112000x16xf32, #tpu.memory_space<vmem_shared>>) offsets(%dma_start3A_842 : memref<128xi32, #tpu.memory_space<vmem>>) semaphore(%arg15 : memref<!tpu.dma_semaphore, #tpu.memory_space<semaphore_mem>>) {add = true}
      %dma_wait3A_846 = arith.constant 0 : i32
      %dma_wait3A_847 = arith.constant 0 : i32
      %dma_wait3A_848 = arith.constant 0 : i32
      %dma_wait3A_849 = tpu.memref_slice %arg11[%dma_wait3A_847, %dma_wait3A_848] : memref<512x16xf32, #tpu.memory_space<vmem>> -> memref<128x16xf32, #tpu.memory_space<vmem>>
      %dma_wait3A_850 = arith.constant 0 : i32
      %dma_wait3A_851 = tpu.memref_slice %arg9[%dma_wait3A_846, %dma_wait3A_850] : memref<4x128xi32, #tpu.memory_space<vmem>> -> memref<1x128xi32, #tpu.memory_space<vmem>>
      %dma_wait3A_852 = tpu.memref_squeeze %dma_wait3A_851 : memref<1x128xi32, #tpu.memory_space<vmem>> -> memref<128xi32, #tpu.memory_space<vmem>>
      %dma_wait3A_853 = arith.constant 0 : i32
      %dma_wait3A_854 = arith.constant 0 : i32
      %dma_wait3A_855 = tpu.memref_slice %arg5[%dma_wait3A_853, %dma_wait3A_854] : memref<112000x16xf32, #tpu.memory_space<vmem_shared>> -> memref<112000x16xf32, #tpu.memory_space<vmem_shared>>
      tpu.wait_indirect_dma semaphore(%arg15 : memref<!tpu.dma_semaphore, #tpu.memory_space<semaphore_mem>>) src(%dma_wait3A_849 : memref<128x16xf32, #tpu.memory_space<vmem>>) dst(%dma_wait3A_855 : memref<112000x16xf32, #tpu.memory_space<vmem_shared>>)
      %dma_wait3A_856 = arith.constant 1 : i32
      %dma_wait3A_857 = arith.constant 128 : i32
      %dma_wait3A_858 = arith.constant 0 : i32
      %dma_wait3A_859 = tpu.memref_slice %arg11[%dma_wait3A_857, %dma_wait3A_858] : memref<512x16xf32, #tpu.memory_space<vmem>> -> memref<128x16xf32, #tpu.memory_space<vmem>>
      %dma_wait3A_860 = arith.constant 0 : i32
      %dma_wait3A_861 = tpu.memref_slice %arg9[%dma_wait3A_856, %dma_wait3A_860] : memref<4x128xi32, #tpu.memory_space<vmem>> -> memref<1x128xi32, #tpu.memory_space<vmem>>
      %dma_wait3A_862 = tpu.memref_squeeze %dma_wait3A_861 : memref<1x128xi32, #tpu.memory_space<vmem>> -> memref<128xi32, #tpu.memory_space<vmem>>
      %dma_wait3A_863 = arith.constant 0 : i32
      %dma_wait3A_864 = arith.constant 0 : i32
      %dma_wait3A_865 = tpu.memref_slice %arg5[%dma_wait3A_863, %dma_wait3A_864] : memref<112000x16xf32, #tpu.memory_space<vmem_shared>> -> memref<112000x16xf32, #tpu.memory_space<vmem_shared>>
      tpu.wait_indirect_dma semaphore(%arg15 : memref<!tpu.dma_semaphore, #tpu.memory_space<semaphore_mem>>) src(%dma_wait3A_859 : memref<128x16xf32, #tpu.memory_space<vmem>>) dst(%dma_wait3A_865 : memref<112000x16xf32, #tpu.memory_space<vmem_shared>>)
      %dma_wait3A_866 = arith.constant 2 : i32
      %dma_wait3A_867 = arith.constant 256 : i32
      %dma_wait3A_868 = arith.constant 0 : i32
      %dma_wait3A_869 = tpu.memref_slice %arg11[%dma_wait3A_867, %dma_wait3A_868] : memref<512x16xf32, #tpu.memory_space<vmem>> -> memref<128x16xf32, #tpu.memory_space<vmem>>
      %dma_wait3A_870 = arith.constant 0 : i32
      %dma_wait3A_871 = tpu.memref_slice %arg9[%dma_wait3A_866, %dma_wait3A_870] : memref<4x128xi32, #tpu.memory_space<vmem>> -> memref<1x128xi32, #tpu.memory_space<vmem>>
      %dma_wait3A_872 = tpu.memref_squeeze %dma_wait3A_871 : memref<1x128xi32, #tpu.memory_space<vmem>> -> memref<128xi32, #tpu.memory_space<vmem>>
      %dma_wait3A_873 = arith.constant 0 : i32
      %dma_wait3A_874 = arith.constant 0 : i32
      %dma_wait3A_875 = tpu.memref_slice %arg5[%dma_wait3A_873, %dma_wait3A_874] : memref<112000x16xf32, #tpu.memory_space<vmem_shared>> -> memref<112000x16xf32, #tpu.memory_space<vmem_shared>>
      tpu.wait_indirect_dma semaphore(%arg15 : memref<!tpu.dma_semaphore, #tpu.memory_space<semaphore_mem>>) src(%dma_wait3A_869 : memref<128x16xf32, #tpu.memory_space<vmem>>) dst(%dma_wait3A_875 : memref<112000x16xf32, #tpu.memory_space<vmem_shared>>)
      %dma_wait3A_876 = arith.constant 3 : i32
      %dma_wait3A_877 = arith.constant 384 : i32
      %dma_wait3A_878 = arith.constant 0 : i32
      %dma_wait3A_879 = tpu.memref_slice %arg11[%dma_wait3A_877, %dma_wait3A_878] : memref<512x16xf32, #tpu.memory_space<vmem>> -> memref<128x16xf32, #tpu.memory_space<vmem>>
      %dma_wait3A_880 = arith.constant 0 : i32
      %dma_wait3A_881 = tpu.memref_slice %arg9[%dma_wait3A_876, %dma_wait3A_880] : memref<4x128xi32, #tpu.memory_space<vmem>> -> memref<1x128xi32, #tpu.memory_space<vmem>>
      %dma_wait3A_882 = tpu.memref_squeeze %dma_wait3A_881 : memref<1x128xi32, #tpu.memory_space<vmem>> -> memref<128xi32, #tpu.memory_space<vmem>>
      %dma_wait3A_883 = arith.constant 0 : i32
      %dma_wait3A_884 = arith.constant 0 : i32
      %dma_wait3A_885 = tpu.memref_slice %arg5[%dma_wait3A_883, %dma_wait3A_884] : memref<112000x16xf32, #tpu.memory_space<vmem_shared>> -> memref<112000x16xf32, #tpu.memory_space<vmem_shared>>
      tpu.wait_indirect_dma semaphore(%arg15 : memref<!tpu.dma_semaphore, #tpu.memory_space<semaphore_mem>>) src(%dma_wait3A_879 : memref<128x16xf32, #tpu.memory_space<vmem>>) dst(%dma_wait3A_885 : memref<112000x16xf32, #tpu.memory_space<vmem_shared>>)
    }
    %dma_wait3A = arith.constant 0 : i32
    %dma_wait3A_418 = arith.constant 0 : i32
    %dma_wait3A_419 = arith.constant 0 : i32
    %dma_wait3A_420 = tpu.memref_slice %arg10[%dma_wait3A_418, %dma_wait3A_419] : memref<512x16xf32, #tpu.memory_space<vmem>> -> memref<128x16xf32, #tpu.memory_space<vmem>>
    %dma_wait3A_421 = arith.constant 0 : i32
    %dma_wait3A_422 = tpu.memref_slice %arg6[%dma_wait3A, %dma_wait3A_421] : memref<4x128xi32, #tpu.memory_space<vmem>> -> memref<1x128xi32, #tpu.memory_space<vmem>>
    %dma_wait3A_423 = tpu.memref_squeeze %dma_wait3A_422 : memref<1x128xi32, #tpu.memory_space<vmem>> -> memref<128xi32, #tpu.memory_space<vmem>>
    %dma_wait3A_424 = arith.constant 0 : i32
    %dma_wait3A_425 = arith.constant 0 : i32
    %dma_wait3A_426 = tpu.memref_slice %arg2[%dma_wait3A_424, %dma_wait3A_425] : memref<100000x16xf32, #tpu.memory_space<hbm>> -> memref<100000x16xf32, #tpu.memory_space<hbm>>
    tpu.wait_indirect_dma semaphore(%arg12 : memref<!tpu.dma_semaphore, #tpu.memory_space<semaphore_mem>>) src(%dma_wait3A_426 : memref<100000x16xf32, #tpu.memory_space<hbm>>) dst(%dma_wait3A_420 : memref<128x16xf32, #tpu.memory_space<vmem>>)
    %dma_wait3A_427 = arith.constant 1 : i32
    %dma_wait3A_428 = arith.constant 128 : i32
    %dma_wait3A_429 = arith.constant 0 : i32
    %dma_wait3A_430 = tpu.memref_slice %arg10[%dma_wait3A_428, %dma_wait3A_429] : memref<512x16xf32, #tpu.memory_space<vmem>> -> memref<128x16xf32, #tpu.memory_space<vmem>>
    %dma_wait3A_431 = arith.constant 0 : i32
    %dma_wait3A_432 = tpu.memref_slice %arg6[%dma_wait3A_427, %dma_wait3A_431] : memref<4x128xi32, #tpu.memory_space<vmem>> -> memref<1x128xi32, #tpu.memory_space<vmem>>
    %dma_wait3A_433 = tpu.memref_squeeze %dma_wait3A_432 : memref<1x128xi32, #tpu.memory_space<vmem>> -> memref<128xi32, #tpu.memory_space<vmem>>
    %dma_wait3A_434 = arith.constant 0 : i32
    %dma_wait3A_435 = arith.constant 0 : i32
    %dma_wait3A_436 = tpu.memref_slice %arg2[%dma_wait3A_434, %dma_wait3A_435] : memref<100000x16xf32, #tpu.memory_space<hbm>> -> memref<100000x16xf32, #tpu.memory_space<hbm>>
    tpu.wait_indirect_dma semaphore(%arg12 : memref<!tpu.dma_semaphore, #tpu.memory_space<semaphore_mem>>) src(%dma_wait3A_436 : memref<100000x16xf32, #tpu.memory_space<hbm>>) dst(%dma_wait3A_430 : memref<128x16xf32, #tpu.memory_space<vmem>>)
    %dma_wait3A_437 = arith.constant 2 : i32
    %dma_wait3A_438 = arith.constant 256 : i32
    %dma_wait3A_439 = arith.constant 0 : i32
    %dma_wait3A_440 = tpu.memref_slice %arg10[%dma_wait3A_438, %dma_wait3A_439] : memref<512x16xf32, #tpu.memory_space<vmem>> -> memref<128x16xf32, #tpu.memory_space<vmem>>
    %dma_wait3A_441 = arith.constant 0 : i32
    %dma_wait3A_442 = tpu.memref_slice %arg6[%dma_wait3A_437, %dma_wait3A_441] : memref<4x128xi32, #tpu.memory_space<vmem>> -> memref<1x128xi32, #tpu.memory_space<vmem>>
    %dma_wait3A_443 = tpu.memref_squeeze %dma_wait3A_442 : memref<1x128xi32, #tpu.memory_space<vmem>> -> memref<128xi32, #tpu.memory_space<vmem>>
    %dma_wait3A_444 = arith.constant 0 : i32
    %dma_wait3A_445 = arith.constant 0 : i32
    %dma_wait3A_446 = tpu.memref_slice %arg2[%dma_wait3A_444, %dma_wait3A_445] : memref<100000x16xf32, #tpu.memory_space<hbm>> -> memref<100000x16xf32, #tpu.memory_space<hbm>>
    tpu.wait_indirect_dma semaphore(%arg12 : memref<!tpu.dma_semaphore, #tpu.memory_space<semaphore_mem>>) src(%dma_wait3A_446 : memref<100000x16xf32, #tpu.memory_space<hbm>>) dst(%dma_wait3A_440 : memref<128x16xf32, #tpu.memory_space<vmem>>)
    %dma_wait3A_447 = arith.constant 3 : i32
    %dma_wait3A_448 = arith.constant 384 : i32
    %dma_wait3A_449 = arith.constant 0 : i32
    %dma_wait3A_450 = tpu.memref_slice %arg10[%dma_wait3A_448, %dma_wait3A_449] : memref<512x16xf32, #tpu.memory_space<vmem>> -> memref<128x16xf32, #tpu.memory_space<vmem>>
    %dma_wait3A_451 = arith.constant 0 : i32
    %dma_wait3A_452 = tpu.memref_slice %arg6[%dma_wait3A_447, %dma_wait3A_451] : memref<4x128xi32, #tpu.memory_space<vmem>> -> memref<1x128xi32, #tpu.memory_space<vmem>>
    %dma_wait3A_453 = tpu.memref_squeeze %dma_wait3A_452 : memref<1x128xi32, #tpu.memory_space<vmem>> -> memref<128xi32, #tpu.memory_space<vmem>>
    %dma_wait3A_454 = arith.constant 0 : i32
    %dma_wait3A_455 = arith.constant 0 : i32
    %dma_wait3A_456 = tpu.memref_slice %arg2[%dma_wait3A_454, %dma_wait3A_455] : memref<100000x16xf32, #tpu.memory_space<hbm>> -> memref<100000x16xf32, #tpu.memory_space<hbm>>
    tpu.wait_indirect_dma semaphore(%arg12 : memref<!tpu.dma_semaphore, #tpu.memory_space<semaphore_mem>>) src(%dma_wait3A_456 : memref<100000x16xf32, #tpu.memory_space<hbm>>) dst(%dma_wait3A_450 : memref<128x16xf32, #tpu.memory_space<vmem>>)
    %dma_wait3A_457 = arith.constant 0 : i32
    %dma_wait3A_458 = arith.constant 0 : i32
    %dma_wait3A_459 = arith.constant 0 : i32
    %dma_wait3A_460 = tpu.memref_slice %arg3[%dma_wait3A_457, %dma_wait3A_458, %dma_wait3A_459] : memref<2x25000x128xi32, #tpu.memory_space<hbm>> -> memref<1x4x128xi32, #tpu.memory_space<hbm>>
    %dma_wait3A_461 = tpu.memref_squeeze %dma_wait3A_460 : memref<1x4x128xi32, #tpu.memory_space<hbm>> -> memref<4x128xi32, #tpu.memory_space<hbm>>
    %dma_wait3A_462 = arith.constant 0 : i32
    %dma_wait3A_463 = arith.constant 0 : i32
    %dma_wait3A_464 = tpu.memref_slice %arg3[%dma_wait3A_457, %dma_wait3A_462, %dma_wait3A_463] : memref<2x25000x128xi32, #tpu.memory_space<hbm>> -> memref<1x4x128xi32, #tpu.memory_space<hbm>>
    %dma_wait3A_465 = tpu.memref_squeeze %dma_wait3A_464 : memref<1x4x128xi32, #tpu.memory_space<hbm>> -> memref<4x128xi32, #tpu.memory_space<hbm>>
    tpu.wait_dma2 semaphore(%arg14 : memref<!tpu.dma_semaphore, #tpu.memory_space<semaphore_mem>>) src(%dma_wait3A_465 : memref<4x128xi32, #tpu.memory_space<hbm>>) dst(%arg7 : memref<4x128xi32, #tpu.memory_space<vmem>>)
    %dma_wait3A_466 = arith.constant 1 : i32
    %dma_wait3A_467 = arith.constant 0 : i32
    %dma_wait3A_468 = arith.constant 0 : i32
    %dma_wait3A_469 = tpu.memref_slice %arg3[%dma_wait3A_466, %dma_wait3A_467, %dma_wait3A_468] : memref<2x25000x128xi32, #tpu.memory_space<hbm>> -> memref<1x4x128xi32, #tpu.memory_space<hbm>>
    %dma_wait3A_470 = tpu.memref_squeeze %dma_wait3A_469 : memref<1x4x128xi32, #tpu.memory_space<hbm>> -> memref<4x128xi32, #tpu.memory_space<hbm>>
    %dma_wait3A_471 = arith.constant 0 : i32
    %dma_wait3A_472 = arith.constant 0 : i32
    %dma_wait3A_473 = tpu.memref_slice %arg3[%dma_wait3A_466, %dma_wait3A_471, %dma_wait3A_472] : memref<2x25000x128xi32, #tpu.memory_space<hbm>> -> memref<1x4x128xi32, #tpu.memory_space<hbm>>
    %dma_wait3A_474 = tpu.memref_squeeze %dma_wait3A_473 : memref<1x4x128xi32, #tpu.memory_space<hbm>> -> memref<4x128xi32, #tpu.memory_space<hbm>>
    tpu.wait_dma2 semaphore(%arg14 : memref<!tpu.dma_semaphore, #tpu.memory_space<semaphore_mem>>) src(%dma_wait3A_474 : memref<4x128xi32, #tpu.memory_space<hbm>>) dst(%arg8 : memref<4x128xi32, #tpu.memory_space<vmem>>)
    %barrier3A_475 = arith.constant 0 : index
    tpu.barrier barrier_id(%barrier3A_475)
    %mul3A_476 = arith.constant 112000 : i32
    %mul3A_477 = arith.muli %arg0, %mul3A_476 : i32
    %add3A_478 = arith.addi %mul3A_477, %mul3A_338 : i32
    "tpu.region"() ({
      %run_scoped3A_479 = tpu.sem_alloc : memref<!tpu.dma_semaphore, #tpu.memory_space<semaphore_mem>>
      %dma_start3A_480 = arith.constant 0 : i32
      %dma_start3A_481 = tpu.memref_slice %arg4[%add3A_478, %dma_start3A_480] : memref<224000x16xf32, #tpu.memory_space<hbm>> -> memref<7000x16xf32, #tpu.memory_space<hbm>>
      %dma_start3A_482 = arith.constant 0 : i32
      %dma_start3A_483 = tpu.memref_slice %arg5[%mul3A_338, %dma_start3A_482] : memref<112000x16xf32, #tpu.memory_space<vmem_shared>> -> memref<7000x16xf32, #tpu.memory_space<vmem_shared>>
      tpu.enqueue_dma source(%dma_start3A_483 : memref<7000x16xf32, #tpu.memory_space<vmem_shared>>) target(%dma_start3A_481 : memref<7000x16xf32, #tpu.memory_space<hbm>>) target_semaphore(%run_scoped3A_479 : memref<!tpu.dma_semaphore, #tpu.memory_space<semaphore_mem>>)
      %dma_wait3A_484 = arith.constant 0 : i32
      %dma_wait3A_485 = tpu.memref_slice %arg4[%add3A_478, %dma_wait3A_484] : memref<224000x16xf32, #tpu.memory_space<hbm>> -> memref<7000x16xf32, #tpu.memory_space<hbm>>
      %dma_wait3A_486 = arith.constant 0 : i32
      %dma_wait3A_487 = tpu.memref_slice %arg5[%mul3A_338, %dma_wait3A_486] : memref<112000x16xf32, #tpu.memory_space<vmem_shared>> -> memref<7000x16xf32, #tpu.memory_space<vmem_shared>>
      tpu.wait_dma2 semaphore(%run_scoped3A_479 : memref<!tpu.dma_semaphore, #tpu.memory_space<semaphore_mem>>) src(%dma_wait3A_487 : memref<7000x16xf32, #tpu.memory_space<vmem_shared>>) dst(%dma_wait3A_485 : memref<7000x16xf32, #tpu.memory_space<hbm>>)
      tpu.yield
    }) : () -> ()
    return
  }
}

module attributes {stable_mosaic.version = 14 : i64} {
  func.func @_p_body(%arg0: i32, %arg1: memref<6400x16xf32, #tpu.memory_space<vmem>>, %arg2: memref<16x128xf32, #tpu.memory_space<vmem>>, %arg3: memref<1x128xf32, #tpu.memory_space<vmem>>, %arg4: memref<1024x128xf32, #tpu.memory_space<vmem>>, %arg5: memref<1x128xf32, #tpu.memory_space<vmem>>, %arg6: memref<128x128xf32, #tpu.memory_space<vmem>>, %arg7: memref<800x128xf32, #tpu.memory_space<vmem>>) attributes {dimension_semantics = [#tpu.dimension_semantics<arbitrary>], iteration_bounds = array<i64: 16>, scalar_prefetch = 0 : i64, scratch_operands = 0 : i64, tpu.core_type = #tpu.core_type<tc>, window_params = [{transform_indices = @transform_0, window_bounds = array<i64: 6400, 16>}, {pipeline_mode = #tpu.pipeline_mode<synchronous>, transform_indices = @transform_1, window_bounds = array<i64: 16, 128>}, {pipeline_mode = #tpu.pipeline_mode<synchronous>, transform_indices = @transform_2, window_bounds = array<i64: 1, 128>}, {pipeline_mode = #tpu.pipeline_mode<synchronous>, transform_indices = @transform_3, window_bounds = array<i64: 1024, 128>}, {pipeline_mode = #tpu.pipeline_mode<synchronous>, transform_indices = @transform_4, window_bounds = array<i64: 1, 128>}, {pipeline_mode = #tpu.pipeline_mode<synchronous>, transform_indices = @transform_5, window_bounds = array<i64: 128, 128>}, {transform_indices = @transform_6, window_bounds = array<i64: 800, 128>}]} {
    %get3A = arith.constant 0 : index
    %get3A_0 = arith.constant 0 : index
    %get3A_1 = vector.load %arg1[%get3A, %get3A_0] : memref<6400x16xf32, #tpu.memory_space<vmem>>, vector<6400x16xf32>
    %get3A_2 = arith.constant 0 : index
    %get3A_3 = arith.constant 0 : index
    %get3A_4 = vector.load %arg2[%get3A_2, %get3A_3] : memref<16x128xf32, #tpu.memory_space<vmem>>, vector<16x128xf32>
    %dot_general3A = arith.constant dense<0.000000e+00> : vector<6400x128xf32>
    %dot_general3A_5 = tpu.matmul %get3A_1, %get3A_4, %dot_general3A {dimension_numbers = #tpu.dot_dimension_numbers<[1], [0], [0], [1], [0, 0, 1, 1], [], []>, transpose_lhs_hint = false} : vector<6400x16xf32>, vector<16x128xf32>, vector<6400x128xf32> -> vector<6400x128xf32>
    %get3A_6 = arith.constant 0 : index
    %get3A_7 = arith.constant 0 : index
    %get3A_8 = vector.load %arg3[%get3A_6, %get3A_7] : memref<1x128xf32, #tpu.memory_space<vmem>>, vector<1x128xf32>
    %add3A = vector.broadcast %get3A_8 : vector<1x128xf32> to vector<6400x128xf32>
    %add3A_9 = arith.addf %dot_general3A_5, %add3A : vector<6400x128xf32>
    %max3A = arith.constant 0.000000e+00 : f32
    %max3A_10 = vector.broadcast %max3A : f32 to vector<6400x128xf32>
    %max3A_11 = arith.maximumf %add3A_9, %max3A_10 : vector<6400x128xf32>
    %reshape3A = vector.shape_cast %max3A_11 : vector<6400x128xf32> to vector<800x1024xf32>
    %get3A_12 = arith.constant 0 : index
    %get3A_13 = arith.constant 0 : index
    %get3A_14 = vector.load %arg4[%get3A_12, %get3A_13] : memref<1024x128xf32, #tpu.memory_space<vmem>>, vector<1024x128xf32>
    %dot_general3A_15 = arith.constant dense<0.000000e+00> : vector<800x128xf32>
    %dot_general3A_16 = tpu.matmul %reshape3A, %get3A_14, %dot_general3A_15 {dimension_numbers = #tpu.dot_dimension_numbers<[1], [0], [0], [1], [0, 0, 1, 1], [], []>, transpose_lhs_hint = false} : vector<800x1024xf32>, vector<1024x128xf32>, vector<800x128xf32> -> vector<800x128xf32>
    %get3A_17 = arith.constant 0 : index
    %get3A_18 = arith.constant 0 : index
    %get3A_19 = vector.load %arg5[%get3A_17, %get3A_18] : memref<1x128xf32, #tpu.memory_space<vmem>>, vector<1x128xf32>
    %add3A_20 = vector.broadcast %get3A_19 : vector<1x128xf32> to vector<800x128xf32>
    %add3A_21 = arith.addf %dot_general3A_16, %add3A_20 : vector<800x128xf32>
    %reduce_max3A = arith.constant dense<0xFF800000> : vector<800xf32>
    %reduce_max3A_22 = vector.multi_reduction <maximumf>, %add3A_21, %reduce_max3A [1] : vector<800x128xf32> to vector<800xf32>
    %broadcast_in_dim3A = vector.shape_cast %reduce_max3A_22 : vector<800xf32> to vector<800x1xf32>
    %sub3A = vector.broadcast %broadcast_in_dim3A : vector<800x1xf32> to vector<800x128xf32>
    %sub3A_23 = arith.subf %add3A_21, %sub3A : vector<800x128xf32>
    %max3A_24 = arith.constant -6.000000e+01 : f32
    %max3A_25 = vector.broadcast %max3A_24 : f32 to vector<800x128xf32>
    %max3A_26 = arith.maximumf %sub3A_23, %max3A_25 : vector<800x128xf32>
    %exp3A = math.exp %max3A_26 : vector<800x128xf32>
    %get3A_27 = arith.constant 0 : index
    %get3A_28 = arith.constant 0 : index
    %get3A_29 = vector.load %arg6[%get3A_27, %get3A_28] : memref<128x128xf32, #tpu.memory_space<vmem>>, vector<128x128xf32>
    %dot_general3A_30 = arith.constant dense<0.000000e+00> : vector<800x128xf32>
    %dot_general3A_31 = tpu.matmul %exp3A, %get3A_29, %dot_general3A_30 {dimension_numbers = #tpu.dot_dimension_numbers<[1], [0], [0], [1], [0, 0, 1, 1], [], []>, transpose_lhs_hint = false} : vector<800x128xf32>, vector<128x128xf32>, vector<800x128xf32> -> vector<800x128xf32>
    %div3A = arith.divf %exp3A, %dot_general3A_31 : vector<800x128xf32>
    %swap3A = arith.constant 0 : index
    %swap3A_32 = arith.constant 0 : index
    %swap3A_33 = vector.load %arg7[%swap3A, %swap3A_32] : memref<800x128xf32, #tpu.memory_space<vmem>>, vector<800x128xf32>
    tpu.vector_store %arg7[%swap3A, %swap3A_32], %div3A {strides = array<i32>} : memref<800x128xf32, #tpu.memory_space<vmem>>, vector<800x128xf32>,
    return
  }
  func.func @transform_0(%arg0: i32) -> (i32, i32) {
    %c0_i32 = arith.constant 0 : i32
    %c0_i32_0 = arith.constant 0 : i32
    return %arg0, %c0_i32 : i32, i32
  }
  func.func @transform_1(%arg0: i32) -> (i32, i32) {
    %c0_i32 = arith.constant 0 : i32
    %c0_i32_0 = arith.constant 0 : i32
    %c0_i32_1 = arith.constant 0 : i32
    return %c0_i32, %c0_i32_0 : i32, i32
  }
  func.func @transform_2(%arg0: i32) -> (i32, i32) {
    %c0_i32 = arith.constant 0 : i32
    %c0_i32_0 = arith.constant 0 : i32
    %c0_i32_1 = arith.constant 0 : i32
    return %c0_i32, %c0_i32_0 : i32, i32
  }
  func.func @transform_3(%arg0: i32) -> (i32, i32) {
    %c0_i32 = arith.constant 0 : i32
    %c0_i32_0 = arith.constant 0 : i32
    %c0_i32_1 = arith.constant 0 : i32
    return %c0_i32, %c0_i32_0 : i32, i32
  }
  func.func @transform_4(%arg0: i32) -> (i32, i32) {
    %c0_i32 = arith.constant 0 : i32
    %c0_i32_0 = arith.constant 0 : i32
    %c0_i32_1 = arith.constant 0 : i32
    return %c0_i32, %c0_i32_0 : i32, i32
  }
  func.func @transform_5(%arg0: i32) -> (i32, i32) {
    %c0_i32 = arith.constant 0 : i32
    %c0_i32_0 = arith.constant 0 : i32
    %c0_i32_1 = arith.constant 0 : i32
    return %c0_i32, %c0_i32_0 : i32, i32
  }
  func.func @transform_6(%arg0: i32) -> (i32, i32) {
    %c0_i32 = arith.constant 0 : i32
    %c0_i32_0 = arith.constant 0 : i32
    return %arg0, %c0_i32 : i32, i32
  }
}

module attributes {stable_mosaic.version = 14 : i64} {
  func.func @_out_body(%arg0: i32, %arg1: memref<560x128xf32, #tpu.memory_space<vmem>>, %arg2: memref<560x128xf32, #tpu.memory_space<vmem>>, %arg3: memref<128x128xf32, #tpu.memory_space<vmem>>, %arg4: memref<128x1024xf32, #tpu.memory_space<vmem>>, %arg5: memref<1x1024xf32, #tpu.memory_space<vmem>>, %arg6: memref<4480x128xf32, #tpu.memory_space<vmem>>) attributes {dimension_semantics = [#tpu.dimension_semantics<arbitrary>], iteration_bounds = array<i64: 23>, scalar_prefetch = 0 : i64, scratch_operands = 0 : i64, tpu.core_type = #tpu.core_type<tc>, window_params = [{transform_indices = @transform_0, window_bounds = array<i64: 560, 128>}, {transform_indices = @transform_1, window_bounds = array<i64: 560, 128>}, {pipeline_mode = #tpu.pipeline_mode<synchronous>, transform_indices = @transform_2, window_bounds = array<i64: 128, 128>}, {pipeline_mode = #tpu.pipeline_mode<synchronous>, transform_indices = @transform_3, window_bounds = array<i64: 128, 1024>}, {pipeline_mode = #tpu.pipeline_mode<synchronous>, transform_indices = @transform_4, window_bounds = array<i64: 1, 1024>}, {transform_indices = @transform_5, window_bounds = array<i64: 4480, 128>}]} {
    %get3A = arith.constant 0 : index
    %get3A_0 = arith.constant 0 : index
    %get3A_1 = vector.load %arg1[%get3A, %get3A_0] : memref<560x128xf32, #tpu.memory_space<vmem>>, vector<560x128xf32>
    %get3A_2 = arith.constant 0 : index
    %get3A_3 = arith.constant 0 : index
    %get3A_4 = vector.load %arg2[%get3A_2, %get3A_3] : memref<560x128xf32, #tpu.memory_space<vmem>>, vector<560x128xf32>
    %add3A = arith.addf %get3A_1, %get3A_4 : vector<560x128xf32>
    %get3A_5 = arith.constant 0 : index
    %get3A_6 = arith.constant 0 : index
    %get3A_7 = vector.load %arg3[%get3A_5, %get3A_6] : memref<128x128xf32, #tpu.memory_space<vmem>>, vector<128x128xf32>
    %dot_general3A = arith.constant dense<0.000000e+00> : vector<560x128xf32>
    %dot_general3A_8 = tpu.matmul %add3A, %get3A_7, %dot_general3A {dimension_numbers = #tpu.dot_dimension_numbers<[1], [0], [0], [1], [0, 0, 1, 1], [], []>, transpose_lhs_hint = false} : vector<560x128xf32>, vector<128x128xf32>, vector<560x128xf32> -> vector<560x128xf32>
    %gt3A = arith.constant 5.000000e-01 : f32
    %gt3A_9 = vector.broadcast %gt3A : f32 to vector<560x128xf32>
    %gt3A_10 = arith.cmpf ogt, %dot_general3A_8, %gt3A_9 : vector<560x128xf32>
    %max3A = arith.constant 5.000000e-01 : f32
    %max3A_11 = vector.broadcast %max3A : f32 to vector<560x128xf32>
    %max3A_12 = arith.maximumf %dot_general3A_8, %max3A_11 : vector<560x128xf32>
    %div3A = arith.constant 1.000000e+00 : f32
    %div3A_13 = vector.broadcast %div3A : f32 to vector<560x128xf32>
    %div3A_14 = arith.divf %div3A_13, %max3A_12 : vector<560x128xf32>
    %jit3A = arith.constant 0.000000e+00 : f32
    %broadcast_in_dim3A = vector.broadcast %jit3A : f32 to vector<560x128xf32>
    %select_n3A = arith.select %gt3A_10, %div3A_14, %broadcast_in_dim3A : vector<560x128xi1>, vector<560x128xf32>
    %mul3A = arith.mulf %add3A, %select_n3A : vector<560x128xf32>
    %get3A_15 = arith.constant 0 : index
    %get3A_16 = arith.constant 0 : index
    %get3A_17 = vector.load %arg4[%get3A_15, %get3A_16] : memref<128x1024xf32, #tpu.memory_space<vmem>>, vector<128x1024xf32>
    %dot_general3A_18 = arith.constant dense<0.000000e+00> : vector<560x1024xf32>
    %dot_general3A_19 = tpu.matmul %mul3A, %get3A_17, %dot_general3A_18 {dimension_numbers = #tpu.dot_dimension_numbers<[1], [0], [0], [1], [0, 0, 1, 1], [], []>, transpose_lhs_hint = false} : vector<560x128xf32>, vector<128x1024xf32>, vector<560x1024xf32> -> vector<560x1024xf32>
    %get3A_20 = arith.constant 0 : index
    %get3A_21 = arith.constant 0 : index
    %get3A_22 = vector.load %arg5[%get3A_20, %get3A_21] : memref<1x1024xf32, #tpu.memory_space<vmem>>, vector<1x1024xf32>
    %add3A_23 = vector.broadcast %get3A_22 : vector<1x1024xf32> to vector<560x1024xf32>
    %add3A_24 = arith.addf %dot_general3A_19, %add3A_23 : vector<560x1024xf32>
    %max3A_25 = arith.constant 0.000000e+00 : f32
    %max3A_26 = vector.broadcast %max3A_25 : f32 to vector<560x1024xf32>
    %max3A_27 = arith.maximumf %add3A_24, %max3A_26 : vector<560x1024xf32>
    %reshape3A = vector.shape_cast %max3A_27 : vector<560x1024xf32> to vector<4480x128xf32>
    %swap3A = arith.constant 0 : index
    %swap3A_28 = arith.constant 0 : index
    %swap3A_29 = vector.load %arg6[%swap3A, %swap3A_28] : memref<4480x128xf32, #tpu.memory_space<vmem>>, vector<4480x128xf32>
    tpu.vector_store %arg6[%swap3A, %swap3A_28], %reshape3A {strides = array<i32>} : memref<4480x128xf32, #tpu.memory_space<vmem>>, vector<4480x128xf32>,
    return
  }
  func.func @transform_0(%arg0: i32) -> (i32, i32) {
    %c0_i32 = arith.constant 0 : i32
    %c0_i32_0 = arith.constant 0 : i32
    return %arg0, %c0_i32 : i32, i32
  }
  func.func @transform_1(%arg0: i32) -> (i32, i32) {
    %add3A = arith.constant 25 : i32
    %add3A_0 = arith.addi %arg0, %add3A : i32
    %c0_i32 = arith.constant 0 : i32
    %c0_i32_1 = arith.constant 0 : i32
    return %add3A_0, %c0_i32 : i32, i32
  }
  func.func @transform_2(%arg0: i32) -> (i32, i32) {
    %c0_i32 = arith.constant 0 : i32
    %c0_i32_0 = arith.constant 0 : i32
    %c0_i32_1 = arith.constant 0 : i32
    return %c0_i32, %c0_i32_0 : i32, i32
  }
  func.func @transform_3(%arg0: i32) -> (i32, i32) {
    %c0_i32 = arith.constant 0 : i32
    %c0_i32_0 = arith.constant 0 : i32
    %c0_i32_1 = arith.constant 0 : i32
    return %c0_i32, %c0_i32_0 : i32, i32
  }
  func.func @transform_4(%arg0: i32) -> (i32, i32) {
    %c0_i32 = arith.constant 0 : i32
    %c0_i32_0 = arith.constant 0 : i32
    %c0_i32_1 = arith.constant 0 : i32
    return %c0_i32, %c0_i32_0 : i32, i32
  }
  func.func @transform_5(%arg0: i32) -> (i32, i32) {
    %c0_i32 = arith.constant 0 : i32
    %c0_i32_0 = arith.constant 0 : i32
    return %arg0, %c0_i32 : i32, i32
  }
}

</mosaic_0001>

<sc_bundles>
// kernel: kernel.5.cloned.1.call-start
scs
__scs_entry_jumppad:
0x0: {  	(pc) =	sbr.rel $0x88, $3  }
0x1: {  	(tag) =	ssettag $0x0;
	lr =	simm.s32 $0x1  }
0x2: {  	[smem:$0x3F99] =	sst lr;
	_ =	strace $0xD0000000  }
0x3: {  	_ = 	snop  }
0x4: {  	_ = 	snop  }
0x5: {  	_ = 	snop  }
0x6: {  	_ = 	snop  }
0x7: {  	_ = 	snop  }
__scs_overlays_trampoline_lowered:
0x8: {  	[smem:$0x3FA8] =	sst s0  }
0x9: {  	[smem:$0x3FA9] =	sst s1  }
0xa: {  	[smem:$0x3FAA] =	sst s2  }
0xb: {  	[smem:$0x3FAB] =	sst s3  }
0xc: {  	[smem:$0x3FAC] =	sst s4  }
0xd: {  	[smem:$0x3FAD] =	sst s5  }
0xe: {  	[smem:$0x3FAE] =	sst s6  }
0xf: {  	[smem:$0x3FAF] =	sst s7  }
0x10: {  	[smem:$0x3FB0] =	sst s8  }
0x11: {  	[smem:$0x3FB1] =	sst s9;
	s0 =	simm.s32 @!p0 $0x0  }
0x12: {  	s1 =	sld [smem:$0x3F97];
	s0 =	simm.s32 @p0 $0x1  }
0x13: {  	[smem:$0x3FB2] =	sst s0;
	s0 =	simm.s32 @!p1 $0x0  }
0x14: {  	s2 =	sld [smem:$0x3F96];
	s0 =	simm.s32 @p1 $0x1  }
0x15: {  	[smem:$0x3FB3] =	sst s0;
	s0 =	simm.s32 @!p2 $0x0  }
0x16: {  	s3 =	sld [smem:$0x3FDB];
	s0 =	simm.s32 @p2 $0x1  }
0x17: {  	s4 =	simm.s32 $0x1BF5;
	[smem:$0x3FB5] =	sst s0  }
0x18: {  	s0 =	sld [smem:$0x3F98];
	_ =	swait.ge [sflag:s4], $0x0  }
0x19: {  	s7 =	sld [smem:$0x3F99]  }
0x1a: {  	s8 =	sadd.s32 $0xFFFFE003, lr  }
0x1b: {  	s9 =	sadd.s32 $0xFFFFFEF7, lr;
	s5 =	simm.s32 $0xFFFFFFFF;
	p2 =	slt.u32 s8, $0xFFFFF086  }
0x1c: {  	p1 =	slt.u32 s9, $0xF7A;
	s5 =	simm.s32 @!p2 $0x0  }
0x1d: {  	s5 =	simm.s32 @p1 $0x1;
	p0 =	seq.s32 s7, s2  }
0x1e: {  	s7 =	smul.u32 @!p0 $0xF7A, s2;
	p2 =	seq.s32 @!p0 s5, $0x0  }
0x1f: {  	s9 =	smul.u32 $0xF7A, s1;
	s8 =	simm.s32 @!p0 $0x1BF5;
	p2 =	por !p2, p0  }
0x20: {  	[sflag:s8] =	ssyncset.s32 @!p0 $0xFFFFF086;
	s6 =	sadd.s32 @!p0 s3, s7;
	s7 =	simm.s32 @!p0 $0x108  }
0x21: {  	s3 =	sadd.s32 s3, s9;
	s6 =	sadd.s32 @!p0 $0x88, s6;
	s7 =	simm.s32 @p2 $0x1082  }
0x22: {  	[simem:s7], [sflag:s8] =	dma.local @!p0 [hbm:s6], $0xF7A  }
0x23: {  	s9 =	sor.u32 $0xD0000000, s2;
	s6 =	simm.s32 $0x108;
	_ =	swait.ge @!p0 [sflag:s8], $0x0  }
0x24: {  	s3 =	sadd.s32 $0x88, s3;
	s6 =	simm.s32 @!p1 $0x1082;
	[sflag:s4] =	ssyncset.s32 $0xFFFFF086  }
0x25: {  	[simem:s6], [sflag:s4] =	dma.local [hbm:s3], $0xF7A  }
0x26: {  	[smem:$0x3F99] =	sst s1;
	(tag) =	ssettag s2;
	_ =	strace s9  }
0x27: {  	s1 =	sld [smem:$0x3FA9]  }
0x28: {  	s2 =	sld [smem:$0x3FAA]  }
0x29: {  	s4 =	sld [smem:$0x3FAC]  }
0x2a: {  	p0 =	seq.s32 s5, $0x0;
	s5 =	sld [smem:$0x3FAD]  }
0x2b: {  	s6 =	sld [smem:$0x3FAE]  }
0x2c: {  	s7 =	sld [smem:$0x3FAF]  }
0x2d: {  	s3 =	simm.s32 $0x108;
	s8 =	sld [smem:$0x3FB0]  }
0x2e: {  	s3 =	simm.s32 @!p0 $0x1082;
	s9 =	sld [smem:$0x3FB1]  }
0x2f: {  	lr =	sadd.s32 s0, s3;
	s0 =	sld [smem:$0x3FA8]  }
0x30: {  	s3 =	sld [smem:$0x3FAB]  }
0x31: {  	[smem:$0x3FB4] =	sst s10  }
0x32: {  	s10 =	sld [smem:$0x3FB2];
	_ =	sdelay $0x3  }
0x33: {  	p0 =	seq.s32 s10, $0x1;
	s10 =	sld [smem:$0x3FB4];
	_ =	sdelay $0x3  }
0x34: {  	[smem:$0x3FB4] =	sst s10  }
0x35: {  	s10 =	sld [smem:$0x3FB3];
	_ =	sdelay $0x3  }
0x36: {  	p1 =	seq.s32 s10, $0x1;
	s10 =	sld [smem:$0x3FB4];
	_ =	sdelay $0x3  }
0x37: {  	[smem:$0x3FB4] =	sst s10  }
0x38: {  	s10 =	sld [smem:$0x3FB5]  }
0x39: {  	_ = 	snop;
	(pc) =	sbr.ind lr, $3  }
0x3a: {  	_ = 	snop  }
0x3b: {  	_ = 	snop  }
0x3c: {  	p2 =	seq.s32 s10, $0x1;
	s10 =	sld [smem:$0x3FB4]  }
0x3d: {  	_ =	shalt  }
0x3e: {  	_ =	shalt  }
0x3f: {  	_ =	shalt  }
0x40: {  	_ =	shalt  }
0x41: {  	_ =	shalt  }
0x42: {  	_ =	shalt  }
0x43: {  	_ =	shalt  }
0x44: {  	_ =	shalt  }
0x45: {  	_ =	shalt  }
0x46: {  	_ =	shalt  }
0x47: {  	_ =	shalt  }
0x48: {  	_ =	shalt  }
0x49: {  	_ =	shalt  }
0x4a: {  	_ =	shalt  }
0x4b: {  	_ =	shalt  }
0x4c: {  	_ =	shalt  }
0x4d: {  	_ =	shalt  }
0x4e: {  	_ =	shalt  }
0x4f: {  	_ =	shalt  }
0x50: {  	_ =	shalt  }
0x51: {  	_ =	shalt  }
0x52: {  	_ =	shalt  }
0x53: {  	_ =	shalt  }
0x54: {  	_ =	shalt  }
0x55: {  	_ =	shalt  }
0x56: {  	_ =	shalt  }
0x57: {  	_ =	shalt  }
0x58: {  	_ =	shalt  }
0x59: {  	_ =	shalt  }
0x5a: {  	_ =	shalt  }
0x5b: {  	_ =	shalt  }
0x5c: {  	_ =	shalt  }
0x5d: {  	_ =	shalt  }
0x5e: {  	_ =	shalt  }
0x5f: {  	_ =	shalt  }
0x60: {  	_ =	shalt  }
0x61: {  	_ =	shalt  }
0x62: {  	_ =	shalt  }
0x63: {  	_ =	shalt  }
0x64: {  	_ =	shalt  }
0x65: {  	_ =	shalt  }
0x66: {  	_ =	shalt  }
0x67: {  	_ =	shalt  }
0x68: {  	_ =	shalt  }
0x69: {  	_ =	shalt  }
0x6a: {  	_ =	shalt  }
0x6b: {  	_ =	shalt  }
0x6c: {  	_ =	shalt  }
0x6d: {  	_ =	shalt  }
0x6e: {  	_ =	shalt  }
0x6f: {  	_ =	shalt  }
0x70: {  	_ =	shalt  }
0x71: {  	_ =	shalt  }
0x72: {  	_ =	shalt  }
0x73: {  	_ =	shalt  }
0x74: {  	_ =	shalt  }
0x75: {  	_ =	shalt  }
0x76: {  	_ =	shalt  }
0x77: {  	_ =	shalt  }
0x78: {  	_ =	shalt  }
0x79: {  	_ =	shalt  }
0x7a: {  	_ =	shalt  }
0x7b: {  	_ =	shalt  }
0x7c: {  	_ =	shalt  }
0x7d: {  	_ =	shalt  }
0x7e: {  	_ =	shalt  }
0x7f: {  	_ =	shalt  }
0x80: {  	_ =	shalt  }
0x81: {  	_ =	shalt  }
0x82: {  	_ =	shalt  }
0x83: {  	_ =	shalt  }
0x84: {  	_ =	shalt  }
0x85: {  	_ =	shalt  }
0x86: {  	_ =	shalt  }
0x87: {  	_ =	shalt  }
.Lfunc_end0:
.L_simem_size_0:
called_computation_lowered:
.L_overlay_start_0:
0x88: {  	s2 =	sld [smem:$0x3FD9]  }
0x89: {  	s3 =	sld [smem:$0x3FFE];
	_ =	sdelay $0x1  }
0x8a: {  	s1 =	srdreg.scid  }
0x8b: {  	s0 =	sand.u32 $0x1, s1  }
0x8c: {  	s17 =	sshll.u32 s0, $0xA;
	s2 =	sadd.s32 s3, s2  }
0x8d: {  	s2 =	sadd.s32 s2, s17  }
0x8e: {  	[smem:$0x3FC0] =	sst s2  }
0x8f: {  	_ = 	snop  }
0x90: {  	s2 =	sld [smem:$0x3FD0];
	(tm) =	ssettm $0x1  }
0x91: {  	s18 =	sld [smem:$0x3FFB];
	_ =	sdelay $0x3  }
0x92: {  	_ =	strace s18  }
0x93: {  	s3 =	sld [smem:$0x3FFC];
	_ =	sdelay $0x3  }
0x94: {  	_ =	strace s3  }
0x95: {  	s3 =	sld [smem:$0x3FFD];
	_ =	sdelay $0x3  }
0x96: {  	_ =	strace s3  }
0x97: {  	_ =	strace $0x8FFFFFFF  }
0x98: {  	s19 =	sld [smem:$0x3FDB];
	_ =	sdelay $0x1  }
0x99: {  	s4 =	simm.s32 $_scs_section_size  }
0x9a: {  	s5 =	simm.s32 $_size__tile_overlayer_lowered;
	s6 =	simm.s32 $_tile_overlayer_lowered  }
0x9b: {  	s22 =	simm.s32 $0x1BFF;
	s21 =	sshll.u32 s6, $0x1;
	s3 =	sadd.s32 s4, s19  }
0x9c: {  	s7 =	simm.s32 $0x0;
	s20 =	sshll.u32 s5, $0x1;
	s5 =	sadd.s32 s21, s3  }
0x9d: {  	[timem:s7], [sflag:s22] =	dma.local [hbm:s5], s20  }
0x9e: {  	_ =	swait.ge [sflag:s22], s20  }
0x9f: {  	s4 =	ssub.s32 $0x0, s20;
	[sflag:s22] =	ssyncset.done $0x0  }
0xa0: {  	[sflag:s22] =	ssyncadd.s32 s4;
	_ =	sdelay $0x1  }
0xa1: {  	s23 =	simm.s32 $0x1B8B  }
0xa2: {  	_ =	swait.ge [sflag:s23], $0x1  }
0xa3: {  	[sflag:s23] =	ssyncset.done $0x0  }
0xa4: {  	s25 =	simm.s32 $0x1B8E;
	s24 =	sld [smem:$0x3FFE];
	[sflag:s23] =	ssyncadd.s32 $0xFFFFFFFF  }
0xa5: {  	s26 =	simm.s32 $execute0_lowered;
	[smem:$0x3FD2] =	sst s25  }
0xa6: {  	s5 =	sshll.u32 s26, $0x1;
	_ =	strace $0x80000046;
	[dreg:$0x1] =	wrdreg $0xFFFFFFFF  }
0xa7: {  	s28 =	simm.s32 $_size_execute0_lowered;
	s3 =	sadd.s32 s3, s5;
	[dreg:$0x0] =	wrdreg $0x0  }
0xa8: {  	s5 =	sshll.u32 s28, $0x1;
	[dreg:$0x2] =	wrdreg s3  }
0xa9: {  	[dreg:$0x3] =	wrdreg s5  }
0xaa: {  	[dreg:$0x4] =	wrdreg $0xC0  }
0xab: {  	_ =	task [dreg:s7], $0x5FFFF  }
0xac: {  	[dreg:$0x1] =	wrdreg $0xFFFFFFFF  }
0xad: {  	[dreg:$0x0] =	wrdreg $0x60  }
0xae: {  	[dreg:$0x2] =	wrdreg s24  }
0xaf: {  	[dreg:$0x3] =	wrdreg s2  }
0xb0: {  	[dreg:$0x4] =	wrdreg $0x0  }
0xb1: {  	[dreg:$0x5] =	wrdreg $0x9  }
0xb2: {  	_ =	task.clear_ibuf [dreg:s7], $0x6FFFF;
	_ =	strace $0x90000046  }
0xb3: {  	s29 =	simm.s32 $0x9;
	_ =	strace $0x80000048  }
0xb4: {  	_ =	swait.ge [sflag:s29], $0x1  }
0xb5: {  	[sflag:s29] =	ssyncadd.s32 $0xFFFFFFFF  }
0xb6: {  	_ =	strace $0x90000048  }
0xb7: {  	_ =	sfence  }
0xb8: {  	s30 =	sld [smem:$0x0];
	_ =	sdelay $0x2  }
0xb9: {  	s31 =	sshll.u32 s1, $0xD;
	s1 =	sshrl.u32 s1, $0x2  }
0xba: {  	s3 =	sand.u32 $0x4000, s31;
	s1 =	sadd.s32 s1, s30  }
0xbb: {  	s0 =	sor.u32 s3, s0;
	s1 =	sshll.u32 s1, $0x11  }
0xbc: {  	s0 =	sor.u32 s1, s0  }
0xbd: {  	s0 =	sadd.s32 $0x8F2B, s0  }
0xbe: {  	[sflag:s0] =	ssyncadd.remote.s32 $0x1  }
0xbf: {  	_ =	sfence.sel $0xFFFF  }
0xc0: {  	[dreg:$0x0] =	wrdreg $0xFFFFFFFF;
	(pc) =	sbr.abs _section_cstart, $3  }
0xc1: {  	[dreg:$0x1] =	wrdreg $0xFFFFFFFF  }
0xc2: {  	_ =	task.clear_ibuf [dreg:s7], $0x2FFFF;
	_ =	strace $0x9FFFFFFF  }
0xc3: {  	(tm) =	ssettm $0x7FFFFFFF  }
tec
execute0_lowered:
.L_overlay_start_1:
0x0: {  	(tag) =	ssettag $0x1  }
0x1: {  	s0 =	rddreg [dreg:$0x0]  }
0x2: {  	s2 =	rddreg [dreg:$0x1]  }
0x3: {  	s1 =	rddreg [dreg:$0x2]  }
0x4: {  	s4 =	srdreg.scid;
	s3 =	simm.s32 $0x0;
	s12 =	stileid.u32  }
0x5: {  	s13 =	simm.s32 $0x62;
	s18 =	simm.s32 $0x1B800;
	s19 =	simm.s32 $0x1B880  }
0x6: {  	s20 =	simm.s32 $0x1B900;
	s21 =	simm.s32 $0x1BA00;
	s22 =	simm.s32 $0x1BA80  }
0x7: {  	s28 =	simm.s32 $0x3;
	s29 =	simm.s32 $0x1DD80;
	s30 =	simm.s32 $0x1E580  }
0x8: {  	s31 =	simm.s32 $0x1ED80;
	s6 =	sand.u32 $0x1, s4;
	s10 =	smul.u32 $0x1B58, s12  }
0x9: {  	[smem:$0x7FF] =	sst s3;
	s4 =	sadd.s32 $0xC6400, s0;
	s26 =	smul.u32 $0x6D600, s12  }
0xa: {  	s5 =	sshll.u32 s6, $0x4;
	_ =	strace $0x80000047;
	[dreg:$0x4] =	wrdreg s18  }
0xb: {  	s23 =	ssub.s32 $0x2, s6;
	s24 =	smul.u32 $0x1B580, s6;
	[dreg:$0x5] =	wrdreg s19  }
0xc: {  	s6 =	smul.u32 $0x610, s6;
	s19 =	simm.s32 $0x1C580;
	[dreg:$0x6] =	wrdreg s20  }
0xd: {  	s20 =	simm.s32 $0x1B680;
	[dreg:$0x7] =	wrdreg s21;
	s21 =	simm.s32 $0x1CD80  }
0xe: {  	[dreg:$0x8] =	wrdreg s22;
	s22 =	simm.s32 $0x1B680;
	s7 =	sor.u32 s12, s5  }
0xf: {  	s5 =	sadd.s32 $0x2E00, s0;
	s9 =	sshrl.u32 s23, $0x1;
	s8 =	smul.u32 $0x61, s7  }
0x10: {  	s11 =	smin.u32 s7, $0x15;
	s0 =	ssub.s32 s23, s9;
	p0 =	slt.u32 s7, $0x15  }
0x11: {  	s9 =	sadd.s32 s10, s24;
	s23 =	simm.s32 $0x1BB00;
	s24 =	simm.s32 $0x1BC00  }
0x12: {  	s10 =	simm.s32 $0x0;
	s13 =	simm.s32 @!p0 $0x61;
	s6 =	sadd.s32 s6, s11  }
0x13: {  	s9 =	sshll.u32 s9, $0x1;
	s0 =	smax.u32 s0, $0x1;
	[dreg:$0x9] =	wrdreg s23  }
0x14: {  	s23 =	simm.s32 $0x1D580;
	[dreg:$0xa] =	wrdreg s24;
	s24 =	simm.s32 $0x1B780  }
0x15: {  	s8 =	sadd.s32 s11, s8;
	[dreg:$0xd] =	wrdreg s13;
	s13 =	smul.u32 $0x61, s12  }
0x16: {  	s2 =	sadd.s32 s2, s9;
	[dreg:$0x12] =	wrdreg s0;
	s11 =	simm.s32 $0x1B700  }
0x17: {  	s0 =	simm.s32 $0x1F580;
	s9 =	simm.s32 $0x2;
	s25 =	sshll.u32 s8, $0x7  }
0x18: {  	s8 =	sshrl.u32 s26, $0x2;
	[dreg:$0x11] =	wrdreg s2;
	s26 =	simm.s32 $0x1BD00  }
0x19: {  	s2 =	simm.s32 $0x1BB80;
	s14 =	sadd.s32 s5, s25;
	[dreg:$0xc] =	wrdreg s26  }
0x1a: {  	s6 =	sadd.s32 s13, s6;
	s25 =	simm.s32 $0x1BC80;
	[dreg:$0xe] =	wrdreg s14  }
0x1b: {  	s12 =	sadd.s32 s8, s1;
	s26 =	simm.s32 $0x1;
	[dreg:$0xb] =	wrdreg s25  }
0x1c: {  	s8 =	simm.s32 $0x4;
	s7 =	sadd.s32 $0x40, s14;
	[dreg:$0x14] =	wrdreg s12  }
0x1d: {  	s15 =	sadd.s32 $0x61A80, s14;
	s16 =	sshll.u32 s6, $0x3;
	[dreg:$0xf] =	wrdreg s7  }
0x1e: {  	s14 =	simm.s32 $0x1BD80;
	s25 =	simm.s32 $0x1B980;
	[dreg:$0x10] =	wrdreg s15  }
0x1f: {  	s17 =	sor.u32 $0x4, s16;
	s15 =	simm.s32 $0x5;
	s16 =	simm.s32 $0x1B580  }
0x20: {  	v0 =	vimm.f32 $0.0e+00;
	s7 =	simm.s32 $0x1B600;
	[dreg:$0x13] =	wrdreg s17;
	s17 =	simm.s32 $0x80  }
.LBB2_1:
0x21: {  	[tilespmem:$0x1BD80] =	vst v0  }
0x22: {  	[tilespmem:$0x1BD90] =	vst v0  }
0x23: {  	[tilespmem:$0x1BDA0] =	vst v0  }
0x24: {  	[tilespmem:$0x1BDB0] =	vst v0  }
0x25: {  	[tilespmem:$0x1BDC0] =	vst v0  }
0x26: {  	[tilespmem:$0x1BDD0] =	vst v0  }
0x27: {  	[tilespmem:$0x1BDE0] =	vst v0  }
0x28: {  	[tilespmem:$0x1BDF0] =	vst v0  }
0x29: {  	[tilespmem:$0x1BE00] =	vst v0  }
0x2a: {  	[tilespmem:$0x1BE10] =	vst v0  }
0x2b: {  	[tilespmem:$0x1BE20] =	vst v0  }
0x2c: {  	[tilespmem:$0x1BE30] =	vst v0  }
0x2d: {  	[tilespmem:$0x1BE40] =	vst v0  }
0x2e: {  	[tilespmem:$0x1BE50] =	vst v0  }
0x2f: {  	[tilespmem:$0x1BE60] =	vst v0  }
0x30: {  	[tilespmem:$0x1BE70] =	vst v0  }
0x31: {  	[tilespmem:$0x1BE80] =	vst v0  }
0x32: {  	[tilespmem:$0x1BE90] =	vst v0  }
0x33: {  	[tilespmem:$0x1BEA0] =	vst v0  }
0x34: {  	[tilespmem:$0x1BEB0] =	vst v0  }
0x35: {  	[tilespmem:$0x1BEC0] =	vst v0  }
0x36: {  	[tilespmem:$0x1BED0] =	vst v0  }
0x37: {  	[tilespmem:$0x1BEE0] =	vst v0  }
0x38: {  	[tilespmem:$0x1BEF0] =	vst v0  }
0x39: {  	[tilespmem:$0x1BF00] =	vst v0  }
0x3a: {  	[tilespmem:$0x1BF10] =	vst v0  }
0x3b: {  	[tilespmem:$0x1BF20] =	vst v0  }
0x3c: {  	[tilespmem:$0x1BF30] =	vst v0  }
0x3d: {  	[tilespmem:$0x1BF40] =	vst v0  }
0x3e: {  	[tilespmem:$0x1BF50] =	vst v0  }
0x3f: {  	[tilespmem:$0x1BF60] =	vst v0  }
0x40: {  	[tilespmem:$0x1BF70] =	vst v0  }
0x41: {  	[tilespmem:$0x1BF80] =	vst v0  }
0x42: {  	[tilespmem:$0x1BF90] =	vst v0  }
0x43: {  	[tilespmem:$0x1BFA0] =	vst v0  }
0x44: {  	[tilespmem:$0x1BFB0] =	vst v0  }
0x45: {  	[tilespmem:$0x1BFC0] =	vst v0  }
0x46: {  	[tilespmem:$0x1BFD0] =	vst v0  }
0x47: {  	[tilespmem:$0x1BFE0] =	vst v0  }
0x48: {  	[tilespmem:$0x1BFF0] =	vst v0  }
0x49: {  	[tilespmem:$0x1C000] =	vst v0  }
0x4a: {  	[tilespmem:$0x1C010] =	vst v0  }
0x4b: {  	[tilespmem:$0x1C020] =	vst v0  }
0x4c: {  	[tilespmem:$0x1C030] =	vst v0  }
0x4d: {  	[tilespmem:$0x1C040] =	vst v0  }
0x4e: {  	[tilespmem:$0x1C050] =	vst v0  }
0x4f: {  	[tilespmem:$0x1C060] =	vst v0  }
0x50: {  	[tilespmem:$0x1C070] =	vst v0  }
0x51: {  	[tilespmem:$0x1C080] =	vst v0  }
0x52: {  	[tilespmem:$0x1C090] =	vst v0  }
0x53: {  	[tilespmem:$0x1C0A0] =	vst v0  }
0x54: {  	[tilespmem:$0x1C0B0] =	vst v0  }
0x55: {  	[tilespmem:$0x1C0C0] =	vst v0  }
0x56: {  	[tilespmem:$0x1C0D0] =	vst v0  }
0x57: {  	[tilespmem:$0x1C0E0] =	vst v0  }
0x58: {  	[dreg:$0x15] =	wrdreg s10;
	[tilespmem:$0x1C0F0] =	vst v0;
	s6 =	sadd.s32 $0x0, s12  }
0x59: {  	[spmem:s6] =	stream.linear.scatter [tilespmem:s14], [sflag:$0x5], $0x380, $0x38;
	[tilespmem:$0x1FD80] =	vst v63  }
0x5a: {  	s6 =	simm.s32 $0xE00;
	_ =	swait.ge [sflag:s15], $0x380  }
.LBB2_2:
0x5b: {  	s10 =	sshra.s32 s6, $0x2;
	[sflag:s15] =	ssyncset.done $0x0;
	p0 =	sne.s32 s6, $0x6C800  }
.Ltmp0:
0x5c: {  	s10 =	sadd.s32 s10, s12;
	[sflag:s15] =	ssyncadd.s32 $0xFFFFFC80;
	(pc) =	sbr.rel @p0 .LBB2_2-.Ltmp0, $3  }
0x5d: {  	[spmem:s10] =	stream.linear.scatter [tilespmem:s14], [sflag:$0x5], $0x380, $0x38;
	[tilespmem:$0x1FD80] =	vst v63  }
0x5e: {  	s6 =	sadd.s32 $0xE00, s6;
	_ =	sdelay $0x1  }
0x5f: {  	_ =	swait.ge [sflag:s15], $0x380  }
0x60: {  	[sflag:s15] =	ssyncset.done $0x0  }
0x61: {  	[sflag:s15] =	ssyncadd.s32 $0xFFFFFC80  }
0x62: {  	[bflag:$0x0] =	sbarrier.arrive $0xFFFF  }
0x63: {  	s6 =	rddreg [dreg:$0xe]  }
0x64: {  	[tilespmem:s16], [sflag:$0x5] =	stream.linear.gather [hbm4b:s6+s3], $0x200, $0x38;
	[tilespmem:$0x1FD80] =	vst v63  }
0x65: {  	_ =	swait.ge [sflag:s15], $0x200  }
0x66: {  	[sflag:s15] =	ssyncset.done $0x0  }
0x67: {  	[sflag:s15] =	ssyncadd.s32 $0xFFFFFE00  }
0x68: {  	[tilespmem:s14], [sflag:$0x1] =	stream.indirect.gather [hbm4b:s4+s17], $0x10, s16, s17, $0xb8;
	[tilespmem:$0x1FD80] =	vst v63  }
0x69: {  	_ = 	snop  }
0x6a: {  	[tilespmem:s19], [sflag:$0x1] =	stream.indirect.gather [hbm4b:s4+s17], $0x10, s7, s17, $0xb8;
	[tilespmem:$0x1FD80] =	vst v63  }
0x6b: {  	_ = 	snop  }
0x6c: {  	[tilespmem:s21], [sflag:$0x1] =	stream.indirect.gather [hbm4b:s4+s17], $0x10, s20, s17, $0xb8;
	[tilespmem:$0x1FD80] =	vst v63  }
0x6d: {  	_ = 	snop  }
0x6e: {  	[tilespmem:s23], [sflag:$0x1] =	stream.indirect.gather [hbm4b:s4+s17], $0x10, s11, s17, $0xb8;
	[tilespmem:$0x1FD80] =	vst v63  }
0x6f: {  	s10 =	rddreg [dreg:$0xf]  }
0x70: {  	[tilespmem:s24], [sflag:$0x3] =	stream.linear.gather [hbm4b:s10+s3], $0x200, $0x38;
	[tilespmem:$0x1FD80] =	vst v63  }
0x71: {  	s12 =	rddreg [dreg:$0x10]  }
0x72: {  	[tilespmem:s25], [sflag:$0x3] =	stream.linear.gather [hbm4b:s12+s3], $0x200, $0x38;
	[tilespmem:$0x1FD80] =	vst v63  }
0x73: {  	_ =	swait.ge [sflag:s26], $0x800  }
0x74: {  	[sflag:s26] =	ssyncset.done $0x0  }
0x75: {  	[sflag:s26] =	ssyncadd.s32 $0xFFFFF800  }
0x76: {  	_ =	swait.ge [sflag:s26], $0x800  }
0x77: {  	[sflag:s26] =	ssyncset.done $0x0  }
0x78: {  	[sflag:s26] =	ssyncadd.s32 $0xFFFFF800  }
0x79: {  	_ =	swait.ge [sflag:s26], $0x800  }
0x7a: {  	[sflag:s26] =	ssyncset.done $0x0  }
0x7b: {  	[sflag:s26] =	ssyncadd.s32 $0xFFFFF800  }
0x7c: {  	_ =	swait.ge [sflag:s26], $0x800  }
0x7d: {  	[sflag:s26] =	ssyncset.done $0x0  }
0x7e: {  	[sflag:s26] =	ssyncadd.s32 $0xFFFFF800  }
0x7f: {  	_ =	swait.ge [sflag:s28], $0x200  }
0x80: {  	[sflag:s28] =	ssyncset.done $0x0  }
0x81: {  	s18 =	rddreg [dreg:$0x13];
	[sflag:s28] =	ssyncadd.s32 $0xFFFFFE00  }
0x82: {  	s6 =	sadd.s32 $0xFFFFFFFC, s18;
	_ =	swait.ge [sflag:s28], $0x200  }
0x83: {  	s12 =	smov.u32 s18;
	p0 =	slt.s32 s6, $0x619C;
	[sflag:s28] =	ssyncset.done $0x0  }
0x84: {  	s6 =	simm.s32 @!p0 $0x619C;
	p0 =	slt.s32 s18, $0x61A4;
	[sflag:s28] =	ssyncadd.s32 $0xFFFFFE00  }
0x85: {  	[tilespmem:s29], [sflag:$0x2] =	stream.indirect.gather [hbm4b:s4+s17], $0x10, s24, s17, $0xb8;
	[tilespmem:$0x1FD80] =	vst v63  }
0x86: {  	s10 =	rddreg [dreg:$0x4];
	s6 =	sshll.u32 s6, $0x4;
	s12 =	simm.s32 @!p0 $0x61A4  }
0x87: {  	[tilespmem:s30], [sflag:$0x2] =	stream.indirect.gather [hbm4b:s4+s17], $0x10, s10, s17, $0xb8;
	[tilespmem:$0x1FD80] =	vst v63  }
0x88: {  	s13 =	rddreg [dreg:$0x5];
	s6 =	sadd.s32 $0x80, s6;
	s10 =	sshll.u32 s12, $0x7  }
0x89: {  	[tilespmem:s31], [sflag:$0x2] =	stream.indirect.gather [hbm4b:s4+s17], $0x10, s13, s17, $0xb8;
	[tilespmem:$0x1FD80] =	vst v63  }
0x8a: {  	s6 =	sand.u32 $0x1FFFFFC0, s6;
	s12 =	rddreg [dreg:$0x6];
	s10 =	sadd.s32 $0x30D400, s10  }
0x8b: {  	[tilespmem:s0], [sflag:$0x2] =	stream.indirect.gather [hbm4b:s4+s17], $0x10, s12, s17, $0xb8;
	[tilespmem:$0x1FD80] =	vst v63  }
0x8c: {  	s6 =	sadd.s32 s5, s6;
	s10 =	sshrl.u32 s10, $0x3  }
0x8d: {  	[tilespmem:s16], [sflag:$0x3] =	stream.linear.gather [hbm4b:s6+s3], $0x200, $0x38;
	[tilespmem:$0x1FD80] =	vst v63  }
0x8e: {  	s13 =	sadd.s32 s5, s10  }
0x8f: {  	[tilespmem:s2], [sflag:$0x3] =	stream.linear.gather [hbm4b:s13+s3], $0x200, $0x38;
	[tilespmem:$0x1FD80] =	vst v63  }
0x90: {  	_ = 	snop  }
0x91: {  	[spmem:s1] =	stream.indirect.scatter.add.f32 [tilespmem:s14], [sflag:$0x4], $0x10, s25, s17, $0xb8;
	[tilespmem:$0x1FD80] =	vst v63  }
0x92: {  	s10 =	rddreg [dreg:$0x7]  }
0x93: {  	[spmem:s1] =	stream.indirect.scatter.add.f32 [tilespmem:s19], [sflag:$0x4], $0x10, s10, s17, $0xb8;
	[tilespmem:$0x1FD80] =	vst v63  }
0x94: {  	s12 =	rddreg [dreg:$0x8]  }
0x95: {  	[spmem:s1] =	stream.indirect.scatter.add.f32 [tilespmem:s21], [sflag:$0x4], $0x10, s12, s17, $0xb8;
	[tilespmem:$0x1FD80] =	vst v63  }
0x96: {  	s13 =	rddreg [dreg:$0x9]  }
0x97: {  	[spmem:s1] =	stream.indirect.scatter.add.f32 [tilespmem:s23], [sflag:$0x4], $0x10, s13, s17, $0xb8;
	[tilespmem:$0x1FD80] =	vst v63  }
0x98: {  	_ =	swait.ge [sflag:s8], $0x800  }
0x99: {  	[sflag:s8] =	ssyncset.done $0x0  }
0x9a: {  	[sflag:s8] =	ssyncadd.s32 $0xFFFFF800  }
0x9b: {  	_ =	swait.ge [sflag:s8], $0x800  }
0x9c: {  	[sflag:s8] =	ssyncset.done $0x0  }
0x9d: {  	[sflag:s8] =	ssyncadd.s32 $0xFFFFF800  }
0x9e: {  	_ =	swait.ge [sflag:s8], $0x800  }
0x9f: {  	[sflag:s8] =	ssyncset.done $0x0  }
0xa0: {  	[sflag:s8] =	ssyncadd.s32 $0xFFFFF800  }
0xa1: {  	_ =	swait.ge [sflag:s8], $0x800  }
0xa2: {  	[sflag:s8] =	ssyncset.done $0x0  }
0xa3: {  	[sflag:s8] =	ssyncadd.s32 $0xFFFFF800  }
0xa4: {  	_ =	swait.ge [sflag:s9], $0x800  }
0xa5: {  	[sflag:s9] =	ssyncset.done $0x0  }
0xa6: {  	[sflag:s9] =	ssyncadd.s32 $0xFFFFF800  }
0xa7: {  	_ =	swait.ge [sflag:s9], $0x800  }
0xa8: {  	[sflag:s9] =	ssyncset.done $0x0  }
0xa9: {  	[sflag:s9] =	ssyncadd.s32 $0xFFFFF800  }
0xaa: {  	_ =	swait.ge [sflag:s9], $0x800  }
0xab: {  	[sflag:s9] =	ssyncset.done $0x0  }
0xac: {  	[sflag:s9] =	ssyncadd.s32 $0xFFFFF800  }
0xad: {  	_ =	swait.ge [sflag:s9], $0x800  }
0xae: {  	[sflag:s9] =	ssyncset.done $0x0  }
0xaf: {  	[sflag:s9] =	ssyncadd.s32 $0xFFFFF800  }
0xb0: {  	_ =	swait.ge [sflag:s28], $0x200  }
0xb1: {  	[sflag:s28] =	ssyncset.done $0x0  }
0xb2: {  	[sflag:s28] =	ssyncadd.s32 $0xFFFFFE00  }
0xb3: {  	_ =	swait.ge [sflag:s28], $0x200  }
0xb4: {  	p0 =	slt.s32 s18, $0x619C;
	s6 =	smov.u32 s18;
	[sflag:s28] =	ssyncset.done $0x0  }
0xb5: {  	s6 =	simm.s32 @!p0 $0x619C;
	[sflag:s28] =	ssyncadd.s32 $0xFFFFFE00  }
0xb6: {  	[tilespmem:s14], [sflag:$0x1] =	stream.indirect.gather [hbm4b:s4+s17], $0x10, s16, s17, $0xb8;
	[tilespmem:$0x1FD80] =	vst v63  }
0xb7: {  	p0 =	slt.s32 s18, $0x61A0;
	s6 =	sshll.u32 s6, $0x4;
	s10 =	smov.u32 s18  }
0xb8: {  	[tilespmem:s19], [sflag:$0x1] =	stream.indirect.gather [hbm4b:s4+s17], $0x10, s7, s17, $0xb8;
	[tilespmem:$0x1FD80] =	vst v63  }
0xb9: {  	s6 =	sadd.s32 $0x80, s6;
	s10 =	simm.s32 @!p0 $0x61A0  }
0xba: {  	[tilespmem:s21], [sflag:$0x1] =	stream.indirect.gather [hbm4b:s4+s17], $0x10, s20, s17, $0xb8;
	[tilespmem:$0x1FD80] =	vst v63  }
0xbb: {  	s6 =	sand.u32 $0x1FFFFFF0, s6;
	s10 =	sshll.u32 s10, $0x7;
	s13 =	rddreg [dreg:$0xd]  }
0xbc: {  	[tilespmem:s23], [sflag:$0x1] =	stream.indirect.gather [hbm4b:s4+s17], $0x10, s11, s17, $0xb8;
	[tilespmem:$0x1FD80] =	vst v63  }
0xbd: {  	s6 =	sadd.s32 s5, s6;
	s10 =	sadd.s32 $0x30D600, s10;
	p0 =	sne.s32 s13, $0x1  }
0xbe: {  	[tilespmem:s24], [sflag:$0x3] =	stream.linear.gather [hbm4b:s6+s3], $0x200, $0x38;
	[tilespmem:$0x1FD80] =	vst v63  }
.Ltmp1:
0xbf: {  	s12 =	sshrl.u32 s10, $0x3;
	s10 =	rddreg [dreg:$0xa];
	(pc) =	sbr.rel @!p0 .LBB2_5-.Ltmp1, $4  }
0xc0: {  	s20 =	simm.s32 $0x1B600;
	s11 =	simm.s32 $0x1B700;
	s6 =	sadd.s32 s5, s12  }
0xc1: {  	[tilespmem:s25], [sflag:$0x3] =	stream.linear.gather [hbm4b:s6+s3], $0x200, $0x38;
	[tilespmem:$0x1FD80] =	vst v63  }
0xc2: {  	s12 =	sadd.s32 $0xFFFFFFFF, s13;
	s13 =	smov.u32 s18;
	s6 =	rddreg [dreg:$0xb]  }
0xc3: {  	[spmem:s1] =	stream.indirect.scatter.add.f32 [tilespmem:s29], [sflag:$0x4], $0x10, s2, s17, $0xb8;
	[tilespmem:$0x1FD80] =	vst v63  }
.LBB2_4:
0xc4: {  	[spmem:s1] =	stream.indirect.scatter.add.f32 [tilespmem:s30], [sflag:$0x4], $0x10, s10, s17, $0xb8;
	[tilespmem:$0x1FD80] =	vst v63  }
0xc5: {  	_ = 	snop  }
0xc6: {  	[spmem:s1] =	stream.indirect.scatter.add.f32 [tilespmem:s31], [sflag:$0x4], $0x10, s6, s17, $0xb8;
	[tilespmem:$0x1FD80] =	vst v63  }
0xc7: {  	s7 =	rddreg [dreg:$0xc]  }
0xc8: {  	[spmem:s1] =	stream.indirect.scatter.add.f32 [tilespmem:s0], [sflag:$0x4], $0x10, s7, s17, $0xb8;
	[tilespmem:$0x1FD80] =	vst v63  }
0xc9: {  	_ =	swait.ge [sflag:s8], $0x800  }
0xca: {  	[sflag:s8] =	ssyncset.done $0x0  }
0xcb: {  	[sflag:s8] =	ssyncadd.s32 $0xFFFFF800  }
0xcc: {  	_ =	swait.ge [sflag:s8], $0x800  }
0xcd: {  	[sflag:s8] =	ssyncset.done $0x0  }
0xce: {  	[sflag:s8] =	ssyncadd.s32 $0xFFFFF800  }
0xcf: {  	_ =	swait.ge [sflag:s8], $0x800  }
0xd0: {  	[sflag:s8] =	ssyncset.done $0x0  }
0xd1: {  	[sflag:s8] =	ssyncadd.s32 $0xFFFFF800  }
0xd2: {  	_ =	swait.ge [sflag:s8], $0x800  }
0xd3: {  	[sflag:s8] =	ssyncset.done $0x0  }
0xd4: {  	[sflag:s8] =	ssyncadd.s32 $0xFFFFF800  }
0xd5: {  	_ =	swait.ge [sflag:s26], $0x800  }
0xd6: {  	[sflag:s26] =	ssyncset.done $0x0  }
0xd7: {  	[sflag:s26] =	ssyncadd.s32 $0xFFFFF800  }
0xd8: {  	_ =	swait.ge [sflag:s26], $0x800  }
0xd9: {  	[sflag:s26] =	ssyncset.done $0x0  }
0xda: {  	[sflag:s26] =	ssyncadd.s32 $0xFFFFF800  }
0xdb: {  	_ =	swait.ge [sflag:s26], $0x800  }
0xdc: {  	[sflag:s26] =	ssyncset.done $0x0  }
0xdd: {  	[sflag:s26] =	ssyncadd.s32 $0xFFFFF800  }
0xde: {  	_ =	swait.ge [sflag:s26], $0x800  }
0xdf: {  	[sflag:s26] =	ssyncset.done $0x0  }
0xe0: {  	[sflag:s26] =	ssyncadd.s32 $0xFFFFF800  }
0xe1: {  	_ =	swait.ge [sflag:s28], $0x200  }
0xe2: {  	[sflag:s28] =	ssyncset.done $0x0  }
0xe3: {  	s13 =	sadd.s32 $0x8, s13;
	[sflag:s28] =	ssyncadd.s32 $0xFFFFFE00  }
0xe4: {  	s6 =	sadd.s32 $0xFFFFFFFC, s13;
	_ =	swait.ge [sflag:s28], $0x200  }
0xe5: {  	s10 =	smov.u32 s13;
	p1 =	slt.s32 s6, $0x619C;
	[sflag:s28] =	ssyncset.done $0x0  }
0xe6: {  	s6 =	simm.s32 @!p1 $0x619C;
	p1 =	slt.s32 s13, $0x61A4;
	[sflag:s28] =	ssyncadd.s32 $0xFFFFFE00  }
0xe7: {  	[tilespmem:s29], [sflag:$0x2] =	stream.indirect.gather [hbm4b:s4+s17], $0x10, s24, s17, $0xb8;
	[tilespmem:$0x1FD80] =	vst v63  }
0xe8: {  	s6 =	sshll.u32 s6, $0x4;
	s10 =	simm.s32 @!p1 $0x61A4;
	s7 =	rddreg [dreg:$0x4]  }
0xe9: {  	[tilespmem:s30], [sflag:$0x2] =	stream.indirect.gather [hbm4b:s4+s17], $0x10, s7, s17, $0xb8;
	[tilespmem:$0x1FD80] =	vst v63  }
0xea: {  	s6 =	sadd.s32 $0x80, s6;
	s10 =	sshll.u32 s10, $0x7;
	s18 =	rddreg [dreg:$0x5]  }
0xeb: {  	[tilespmem:s31], [sflag:$0x2] =	stream.indirect.gather [hbm4b:s4+s17], $0x10, s18, s17, $0xb8;
	[tilespmem:$0x1FD80] =	vst v63  }
0xec: {  	s6 =	sand.u32 $0x1FFFFFC0, s6;
	s10 =	sadd.s32 $0x30D400, s10;
	s7 =	rddreg [dreg:$0x6]  }
0xed: {  	[tilespmem:s0], [sflag:$0x2] =	stream.indirect.gather [hbm4b:s4+s17], $0x10, s7, s17, $0xb8;
	[tilespmem:$0x1FD80] =	vst v63  }
0xee: {  	s6 =	sadd.s32 s5, s6;
	s10 =	sshrl.u32 s10, $0x3  }
0xef: {  	[tilespmem:s16], [sflag:$0x3] =	stream.linear.gather [hbm4b:s6+s3], $0x200, $0x38;
	[tilespmem:$0x1FD80] =	vst v63  }
0xf0: {  	s10 =	sadd.s32 s5, s10  }
0xf1: {  	[tilespmem:s2], [sflag:$0x3] =	stream.linear.gather [hbm4b:s10+s3], $0x200, $0x38;
	[tilespmem:$0x1FD80] =	vst v63  }
0xf2: {  	_ = 	snop  }
0xf3: {  	[spmem:s1] =	stream.indirect.scatter.add.f32 [tilespmem:s14], [sflag:$0x4], $0x10, s25, s17, $0xb8;
	[tilespmem:$0x1FD80] =	vst v63  }
0xf4: {  	s18 =	rddreg [dreg:$0x7]  }
0xf5: {  	[spmem:s1] =	stream.indirect.scatter.add.f32 [tilespmem:s19], [sflag:$0x4], $0x10, s18, s17, $0xb8;
	[tilespmem:$0x1FD80] =	vst v63  }
0xf6: {  	s7 =	rddreg [dreg:$0x8]  }
0xf7: {  	[spmem:s1] =	stream.indirect.scatter.add.f32 [tilespmem:s21], [sflag:$0x4], $0x10, s7, s17, $0xb8;
	[tilespmem:$0x1FD80] =	vst v63  }
0xf8: {  	s6 =	rddreg [dreg:$0x9]  }
0xf9: {  	[spmem:s1] =	stream.indirect.scatter.add.f32 [tilespmem:s23], [sflag:$0x4], $0x10, s6, s17, $0xb8;
	[tilespmem:$0x1FD80] =	vst v63  }
0xfa: {  	_ =	swait.ge [sflag:s8], $0x800  }
0xfb: {  	[sflag:s8] =	ssyncset.done $0x0  }
0xfc: {  	[sflag:s8] =	ssyncadd.s32 $0xFFFFF800  }
0xfd: {  	_ =	swait.ge [sflag:s8], $0x800  }
0xfe: {  	[sflag:s8] =	ssyncset.done $0x0  }
0xff: {  	[sflag:s8] =	ssyncadd.s32 $0xFFFFF800  }
0x100: {  	_ =	swait.ge [sflag:s8], $0x800  }
0x101: {  	[sflag:s8] =	ssyncset.done $0x0  }
0x102: {  	[sflag:s8] =	ssyncadd.s32 $0xFFFFF800  }
0x103: {  	_ =	swait.ge [sflag:s8], $0x800  }
0x104: {  	[sflag:s8] =	ssyncset.done $0x0  }
0x105: {  	[sflag:s8] =	ssyncadd.s32 $0xFFFFF800  }
0x106: {  	_ =	swait.ge [sflag:s9], $0x800  }
0x107: {  	[sflag:s9] =	ssyncset.done $0x0  }
0x108: {  	[sflag:s9] =	ssyncadd.s32 $0xFFFFF800  }
0x109: {  	_ =	swait.ge [sflag:s9], $0x800  }
0x10a: {  	[sflag:s9] =	ssyncset.done $0x0  }
0x10b: {  	[sflag:s9] =	ssyncadd.s32 $0xFFFFF800  }
0x10c: {  	_ =	swait.ge [sflag:s9], $0x800  }
0x10d: {  	[sflag:s9] =	ssyncset.done $0x0  }
0x10e: {  	[sflag:s9] =	ssyncadd.s32 $0xFFFFF800  }
0x10f: {  	_ =	swait.ge [sflag:s9], $0x800  }
0x110: {  	[sflag:s9] =	ssyncset.done $0x0  }
0x111: {  	[sflag:s9] =	ssyncadd.s32 $0xFFFFF800  }
0x112: {  	_ =	swait.ge [sflag:s28], $0x200  }
0x113: {  	[sflag:s28] =	ssyncset.done $0x0  }
0x114: {  	[sflag:s28] =	ssyncadd.s32 $0xFFFFFE00  }
0x115: {  	_ =	swait.ge [sflag:s28], $0x200  }
0x116: {  	p1 =	slt.s32 s13, $0x619C;
	s7 =	smov.u32 s13;
	[sflag:s28] =	ssyncset.done $0x0  }
0x117: {  	s7 =	simm.s32 @!p1 $0x619C;
	[sflag:s28] =	ssyncadd.s32 $0xFFFFFE00  }
0x118: {  	[tilespmem:s14], [sflag:$0x1] =	stream.indirect.gather [hbm4b:s4+s17], $0x10, s16, s17, $0xb8;
	[tilespmem:$0x1FD80] =	vst v63  }
0x119: {  	s10 =	smov.u32 s13;
	p1 =	slt.s32 s13, $0x61A0;
	s7 =	sshll.u32 s7, $0x4  }
0x11a: {  	[tilespmem:s19], [sflag:$0x1] =	stream.indirect.gather [hbm4b:s4+s17], $0x10, s20, s17, $0xb8;
	[tilespmem:$0x1FD80] =	vst v63  }
0x11b: {  	s10 =	simm.s32 @!p1 $0x61A0;
	s7 =	sadd.s32 $0x80, s7  }
0x11c: {  	[tilespmem:s21], [sflag:$0x1] =	stream.indirect.gather [hbm4b:s4+s17], $0x10, s22, s17, $0xb8;
	[tilespmem:$0x1FD80] =	vst v63  }
0x11d: {  	s10 =	sshll.u32 s10, $0x7;
	s7 =	sand.u32 $0x1FFFFFF0, s7  }
0x11e: {  	[tilespmem:s23], [sflag:$0x1] =	stream.indirect.gather [hbm4b:s4+s17], $0x10, s11, s17, $0xb8;
	[tilespmem:$0x1FD80] =	vst v63  }
0x11f: {  	p0 =	sne.s32 s12, $0x1;
	s10 =	sadd.s32 $0x30D600, s10;
	s7 =	sadd.s32 s5, s7  }
0x120: {  	[tilespmem:s24], [sflag:$0x3] =	stream.linear.gather [hbm4b:s7+s3], $0x200, $0x38;
	[tilespmem:$0x1FD80] =	vst v63  }
.Ltmp2:
0x121: {  	s18 =	sshrl.u32 s10, $0x3;
	(pc) =	sbr.rel @p0 .LBB2_4-.Ltmp2, $4  }
0x122: {  	s6 =	rddreg [dreg:$0xb];
	s7 =	sadd.s32 s5, s18  }
0x123: {  	[tilespmem:s25], [sflag:$0x3] =	stream.linear.gather [hbm4b:s7+s3], $0x200, $0x38;
	[tilespmem:$0x1FD80] =	vst v63  }
0x124: {  	s12 =	sadd.s32 $0xFFFFFFFF, s12;
	s10 =	rddreg [dreg:$0xa]  }
0x125: {  	[spmem:s1] =	stream.indirect.scatter.add.f32 [tilespmem:s29], [sflag:$0x4], $0x10, s2, s17, $0xb8;
	[tilespmem:$0x1FD80] =	vst v63  }
.LBB2_5:
0x126: {  	[spmem:s1] =	stream.indirect.scatter.add.f32 [tilespmem:s30], [sflag:$0x4], $0x10, s10, s17, $0xb8;
	[tilespmem:$0x1FD80] =	vst v63  }
0x127: {  	_ = 	snop  }
0x128: {  	[spmem:s1] =	stream.indirect.scatter.add.f32 [tilespmem:s31], [sflag:$0x4], $0x10, s6, s17, $0xb8;
	[tilespmem:$0x1FD80] =	vst v63  }
0x129: {  	s7 =	rddreg [dreg:$0xc]  }
0x12a: {  	[spmem:s1] =	stream.indirect.scatter.add.f32 [tilespmem:s0], [sflag:$0x4], $0x10, s7, s17, $0xb8;
	[tilespmem:$0x1FD80] =	vst v63  }
0x12b: {  	_ =	swait.ge [sflag:s8], $0x800  }
0x12c: {  	[sflag:s8] =	ssyncset.done $0x0  }
0x12d: {  	[sflag:s8] =	ssyncadd.s32 $0xFFFFF800  }
0x12e: {  	_ =	swait.ge [sflag:s8], $0x800  }
0x12f: {  	[sflag:s8] =	ssyncset.done $0x0  }
0x130: {  	[sflag:s8] =	ssyncadd.s32 $0xFFFFF800  }
0x131: {  	_ =	swait.ge [sflag:s8], $0x800  }
0x132: {  	[sflag:s8] =	ssyncset.done $0x0  }
0x133: {  	[sflag:s8] =	ssyncadd.s32 $0xFFFFF800  }
0x134: {  	_ =	swait.ge [sflag:s8], $0x800  }
0x135: {  	[sflag:s8] =	ssyncset.done $0x0  }
0x136: {  	[sflag:s8] =	ssyncadd.s32 $0xFFFFF800  }
0x137: {  	_ =	swait.ge [sflag:s26], $0x800  }
0x138: {  	[sflag:s26] =	ssyncset.done $0x0  }
0x139: {  	[sflag:s26] =	ssyncadd.s32 $0xFFFFF800  }
0x13a: {  	_ =	swait.ge [sflag:s26], $0x800  }
0x13b: {  	[sflag:s26] =	ssyncset.done $0x0  }
0x13c: {  	[sflag:s26] =	ssyncadd.s32 $0xFFFFF800  }
0x13d: {  	_ =	swait.ge [sflag:s26], $0x800  }
0x13e: {  	[sflag:s26] =	ssyncset.done $0x0  }
0x13f: {  	[sflag:s26] =	ssyncadd.s32 $0xFFFFF800  }
0x140: {  	_ =	swait.ge [sflag:s26], $0x800  }
0x141: {  	[sflag:s26] =	ssyncset.done $0x0  }
0x142: {  	[sflag:s26] =	ssyncadd.s32 $0xFFFFF800  }
0x143: {  	_ =	swait.ge [sflag:s28], $0x200  }
0x144: {  	[sflag:s28] =	ssyncset.done $0x0  }
0x145: {  	[sflag:s28] =	ssyncadd.s32 $0xFFFFFE00  }
0x146: {  	_ =	swait.ge [sflag:s28], $0x200  }
0x147: {  	[sflag:s28] =	ssyncset.done $0x0  }
0x148: {  	[sflag:s28] =	ssyncadd.s32 $0xFFFFFE00  }
0x149: {  	s10 =	stileid.u32;
	[bflag:$0x0] =	sbarrier.arrive $0xFFFF  }
0x14a: {  	s6 =	sshll.u32 s10, $0x6;
	s12 =	rddreg [dreg:$0x14]  }
0x14b: {  	s6 =	sor.u32 $0x1C05, s6;
	s13 =	rddreg [dreg:$0x11];
	s11 =	sshrl.u32 s12, $0x3  }
0x14c: {  	[hbm:s13], [sflag:s6] =	dma.local [spmem:s11], $0x36B0  }
0x14d: {  	_ =	swait.ge [sflag:s15], $0x36B0  }
0x14e: {  	s18 =	rddreg [dreg:$0x15]  }
0x14f: {  	s20 =	rddreg [dreg:$0x12];
	s10 =	sadd.s32 $0x1, s18  }
0x150: {  	p0 =	sne.s32 s10, s20  }
.Ltmp3:
0x151: {  	_ = 	snop;
	(pc) =	sbr.rel @p0 .LBB2_1-.Ltmp3, $3  }
0x152: {  	_ =	sdelay $0x1  }
0x153: {  	s7 =	simm.s32 $0x1B600;
	[sflag:s15] =	ssyncset.done $0x0  }
0x154: {  	s11 =	simm.s32 $0x1B700;
	[sflag:s15] =	ssyncadd.s32 $0xFFFFC950;
	s20 =	simm.s32 $0x1B680  }
0x155: {  	_ =	sfence.sel $0x180000  }
0x156: {  	[bflag:$0x0] =	sbarrier.arrive $0xFFFF  }
0x157: {  	_ =	strace $0x90000047  }
0x158: {  	s0 =	stileid.u32;
	[bflag:$0x2] =	sbarrier.arrive $0xFFFF  }
0x159: {  	p0 =	sne.s32 s0, $0x0;
	s0 =	rddreg [dreg:$0x3]  }
0x15a: {  	s0 =	sadd.s32 @!p0 $0x100000, s0  }
0x15b: {  	[sflag:s0] =	ssyncadd.tile.s32 @!p0 $0x1;
	_ =	shalt  }
.Lfunc_end2:
_tile_overlayer_lowered:
.L_overlay_start_2:
0x15c: {  	(tag) =	ssettag $0x2  }
0x15d: {  	s0 =	rddreg [dreg:$0x0];
	s2 =	stileid.u32  }
0x15e: {  	s1 =	rddreg [dreg:$0x1];
	p0 =	sne.s32 s2, $0x0  }
0x15f: {  	s3 =	rddreg [dreg:$0x2];
	[bflag:$0x3] =	sbarrier.arrive $0xFFFF;
	s2 =	simm.s32 @!p0 $0x1C05  }
0x160: {  	[timem:s3], [sflag:s2] =	dma.local @!p0 [hbm:s0], s1  }
0x161: {  	s0 =	simm.s32 @!p0 $0x5  }
0x162: {  	_ =	swait.ge @!p0 [sflag:s0], s1  }
0x163: {  	s1 =	ssub.s32 @!p0 $0x0, s1;
	[sflag:s0] =	ssyncset.done @!p0 $0x0  }
0x164: {  	[sflag:s0] =	ssyncadd.s32 @!p0 s1  }
0x165: {  	[bflag:$0x3] =	sbarrier.arrive $0xFFFF  }
0x166: {  	_ =	shalt  }

</sc_bundles>
